<compile_context>
chip_gen: v7x
topology: tpu7x:2x2x1
jax: 0.10.2.dev20260603
libtpu: 0.0.44.dev20260713+nightly
codegen_flags: <defaults>
</compile_context>

<pallas_src>
import functools

import jax
import jax.numpy as jnp
from jax import lax
from jax.experimental import pallas as pl
from jax.experimental.pallas import tpu as pltpu
from jax.experimental.pallas import tpu_sc as plsc

N_CB = 4
K = 1024
D = 64
ROWS = 32 * 576
NH = 2
HROWS = ROWS // NH
TILE = 1024
GRID = HROWS // TILE

_NC = 2
_NS = 16
_NW = _NC * _NS
BPW = HROWS // _NW
CH = 96
NCH = BPW // CH


def _dist_argmin(res, cb):
    c2 = jnp.sum(cb * cb, axis=1)
    dots = lax.dot_general(res, cb, (((1,), (1,)), ((), ())),
                           preferred_element_type=jnp.float32,
                           precision=lax.Precision.DEFAULT)
    r2 = jnp.sum(res * res, axis=1, keepdims=True)
    dist = (r2 - 2.0 * dots) + c2[None, :]
    return jnp.argmin(dist, axis=1).astype(jnp.int32)


def _tc_first_body(res_ref, cb_ref, idx_ref):
    idx_ref[...] = _dist_argmin(res_ref[...], cb_ref[...])


def _tc_step_body(res_ref, q_ref, cb_ref, idx_ref, newres_ref):
    res = res_ref[...] - q_ref[...]
    newres_ref[...] = res
    idx_ref[...] = _dist_argmin(res, cb_ref[...])


def _tc_last_body(res_ref, q_ref, cb_ref, x_ref, idx_ref, part_ref):
    res = res_ref[...] - q_ref[...]
    part_ref[...] = x_ref[...] - res
    idx_ref[...] = _dist_argmin(res, cb_ref[...])


def _half_spec(off):
    return pl.BlockSpec((TILE, D), lambda i, off=off: (i + off, 0))


_row_spec = pl.BlockSpec((TILE, D), lambda i: (i, 0))
_cb_spec = pl.BlockSpec((K, D), lambda i: (0, 0))
_idx_spec = pl.BlockSpec((TILE,), lambda i: (i,))


def _tc_first(x, cb, h):
    return pl.pallas_call(
        _tc_first_body,
        grid=(GRID,),
        in_specs=[_half_spec(h * GRID), _cb_spec],
        out_specs=_idx_spec,
        out_shape=jax.ShapeDtypeStruct((HROWS,), jnp.int32),
    )(x, cb)


def _tc_step(res, res_spec, q, cb):
    return pl.pallas_call(
        _tc_step_body,
        grid=(GRID,),
        in_specs=[res_spec, _row_spec, _cb_spec],
        out_specs=[_idx_spec, _row_spec],
        out_shape=[jax.ShapeDtypeStruct((HROWS,), jnp.int32),
                   jax.ShapeDtypeStruct((HROWS, D), jnp.float32)],
    )(res, q, cb)


def _tc_last(res, q, cb, x, h):
    return pl.pallas_call(
        _tc_last_body,
        grid=(GRID,),
        in_specs=[_row_spec, _row_spec, _cb_spec, _half_spec(h * GRID)],
        out_specs=[_idx_spec, _row_spec],
        out_shape=[jax.ShapeDtypeStruct((HROWS,), jnp.int32),
                   jax.ShapeDtypeStruct((HROWS, D), jnp.float32)],
    )(res, q, cb, x)


def _sc_gather_body(cb_hbm, idx_hbm, out_hbm, idx_v, rows_v, sem):
    wid = lax.axis_index("s") * _NC + lax.axis_index("c")
    base = wid * BPW
    pltpu.sync_copy(idx_hbm.at[wid], idx_v)
    copies = []
    for j in range(NCH):
        copies.append(pltpu.async_copy(
            cb_hbm.at[idx_v.at[j]], rows_v.at[pl.ds(j * CH, CH)], sem))
    for c in copies:
        c.wait()
    pltpu.sync_copy(rows_v, out_hbm.at[pl.ds(base, BPW)])


@functools.lru_cache(maxsize=1)
def _sc_gather_call():
    return functools.partial(
        pl.kernel,
        mesh=plsc.VectorSubcoreMesh(core_axis_name="c", subcore_axis_name="s"),
        out_type=jax.ShapeDtypeStruct((HROWS, D), jnp.float32),
        scratch_types=[
            pltpu.VMEM((NCH, CH), jnp.int32),
            pltpu.VMEM((BPW, D), jnp.float32),
            pltpu.SemaphoreType.DMA,
        ],
        compiler_params=pltpu.CompilerParams(use_tc_tiling_on_sc=False),
    )(_sc_gather_body)


def _sc_gather(cb, idx):
    return _sc_gather_call()(cb, idx.reshape(_NW, NCH, CH))


def _sc_gather_add_body(cb_hbm, idx_hbm, part_hbm, out_hbm, idx_v, rows_v, sem):
    wid = lax.axis_index("s") * _NC + lax.axis_index("c")
    base = wid * BPW
    pltpu.sync_copy(idx_hbm.at[wid], idx_v)
    pltpu.sync_copy(part_hbm.at[pl.ds(base, BPW)], rows_v)
    copies = []
    for j in range(NCH):
        copies.append(pltpu.async_copy(
            cb_hbm.at[idx_v.at[j]], rows_v.at[pl.ds(j * CH, CH)], sem,
            add=True))
    for c in copies:
        c.wait()
    pltpu.sync_copy(rows_v, out_hbm.at[pl.ds(base, BPW)])


@functools.lru_cache(maxsize=1)
def _sc_gather_add_call():
    return functools.partial(
        pl.kernel,
        mesh=plsc.VectorSubcoreMesh(core_axis_name="c", subcore_axis_name="s"),
        out_type=jax.ShapeDtypeStruct((HROWS, D), jnp.float32),
        scratch_types=[
            pltpu.VMEM((NCH, CH), jnp.int32),
            pltpu.VMEM((BPW, D), jnp.float32),
            pltpu.SemaphoreType.DMA,
        ],
        compiler_params=pltpu.CompilerParams(use_tc_tiling_on_sc=False),
    )(_sc_gather_add_body)


def _sc_gather_add(cb, idx, part):
    return _sc_gather_add_call()(cb, idx.reshape(_NW, NCH, CH), part)


def kernel(inputs, codebooks):
    x = inputs.reshape(ROWS, D)
    cbs = [codebooks[i] for i in range(N_CB)]

    idx = [None] * NH
    q = [None] * NH
    res = [None] * NH
    outs = [None] * NH

    for h in range(NH):
        idx[h] = _tc_first(x, cbs[0], h)
        q[h] = _sc_gather(cbs[0], idx[h])
    for i in range(1, N_CB - 1):
        for h in range(NH):
            prev, spec = ((x, _half_spec(h * GRID)) if i == 1
                          else (res[h], _row_spec))
            idx[h], res[h] = _tc_step(prev, spec, q[h], cbs[i])
            q[h] = _sc_gather(cbs[i], idx[h])
    for h in range(NH):
        idx[h], part = _tc_last(res[h], q[h], cbs[N_CB - 1], x, h)
        outs[h] = _sc_gather_add(cbs[N_CB - 1], idx[h], part)

    return jnp.concatenate(outs, axis=0).reshape(inputs.shape)

# --- scband reference (transcript-rebuilt; emitter-appended) ---
"""Pipeline reference for scband-residual-vq-1331439861820 (READ-ONLY COPY).

The authoritative reference and input builder live on the scoring server;
editing this copy changes nothing except your own understanding.
"""

import jax, jax.numpy as jnp
import numpy as np

N_CODEBOOKS = 4
N_CODES = 1024
CODE_DIM = 64
B, T = 32, 576


def setup_inputs(seed: int = 0) -> dict:
    key = jax.random.key(seed)
    k_in, k_cb = jax.random.split(key)
    inputs = jax.random.normal(k_in, (B, T, CODE_DIM), dtype=jnp.float32)
    # One codebook per quantizer, stacked: [n_codebooks, K, d]
    codebooks = jax.random.normal(k_cb, (N_CODEBOOKS, N_CODES, CODE_DIM), dtype=jnp.float32)
    return {"inputs": inputs, "codebooks": codebooks}


def _vq_quantize(residual, codebook):
    # residual: [B, T, d]; codebook: [K, d]
    r2 = jnp.sum(residual * residual, axis=-1, keepdims=True)          # [B, T, 1]
    c2 = jnp.sum(codebook * codebook, axis=-1)                          # [K]
    dots = jnp.einsum('btd,kd->btk', residual, codebook)                # [B, T, K]
    dist = r2 - 2.0 * dots + c2[None, None, :]                          # [B, T, K]
    idx = jnp.argmin(dist, axis=-1)                                     # [B, T]
    quantized = jnp.take(codebook, idx, axis=0)                         # [B, T, d]
    return quantized


def reference(inputs, codebooks):
    residual = inputs
    quantized_total = jnp.zeros_like(inputs)
    for i in range(N_CODEBOOKS):
        quantized_here = _vq_quantize(residual, codebooks[i])
        residual = residual - quantized_here
        quantized_total = quantized_total + quantized_here
    # straight-through estimator
    ste = inputs + jax.lax.stop_gradient(quantized_total - inputs)
    return ste

if __name__ == "__main__":
    import jax
    _d = setup_inputs()
    print(jax.jit(kernel)(*tuple(_d.values())))

</pallas_src>

<mosaic_0001>
#map = affine_map<(d0, d1) -> (0, 0)>
#map1 = affine_map<(d0, d1) -> (0, 0, 0)>
module attributes {stable_mosaic.version = 14 : i64} {
  func.func @_sc_gather_body(%arg0: i32, %arg1: i32, %arg2: memref<1024x64xf32, #tpu.memory_space<hbm>>, %arg3: memref<32x3x96xi32, #tpu.memory_space<hbm>>, %arg4: memref<9216x64xf32, #tpu.memory_space<hbm>>, %arg5: memref<3x96xi32, #tpu.memory_space<vmem>>, %arg6: memref<288x64xf32, #tpu.memory_space<vmem>>, %arg7: memref<!tpu.dma_semaphore, #tpu.memory_space<semaphore_mem>>) attributes {dimension_semantics = [#tpu.dimension_semantics<core_parallel>, #tpu.dimension_semantics<subcore_parallel>], iteration_bounds = array<i64: 2, 16>, scalar_prefetch = 0 : i64, scratch_operands = 3 : i64, tpu.core_type = #tpu.core_type<sc_vector_subcore>, window_params = [{transform_indices = #map}, {transform_indices = #map1}, {transform_indices = #map}]} {
    %mul3A = arith.constant 2 : i32
    %mul3A_0 = arith.muli %arg1, %mul3A : i32
    %add3A = arith.addi %mul3A_0, %arg0 : i32
    %mul3A_1 = arith.constant 288 : i32
    %mul3A_2 = arith.muli %add3A, %mul3A_1 : i32
    "tpu.region"() ({
      %run_scoped3A = tpu.sem_alloc : memref<!tpu.dma_semaphore, #tpu.memory_space<semaphore_mem>>
      %dma_start3A_61 = arith.constant 0 : i32
      %dma_start3A_62 = arith.constant 0 : i32
      %dma_start3A_63 = tpu.memref_slice %arg3[%add3A, %dma_start3A_61, %dma_start3A_62] : memref<32x3x96xi32, #tpu.memory_space<hbm>> -> memref<1x3x96xi32, #tpu.memory_space<hbm>>
      %dma_start3A_64 = tpu.memref_squeeze %dma_start3A_63 : memref<1x3x96xi32, #tpu.memory_space<hbm>> -> memref<3x96xi32, #tpu.memory_space<hbm>>
      %dma_start3A_65 = arith.constant 0 : i32
      %dma_start3A_66 = arith.constant 0 : i32
      %dma_start3A_67 = tpu.memref_slice %arg3[%add3A, %dma_start3A_65, %dma_start3A_66] : memref<32x3x96xi32, #tpu.memory_space<hbm>> -> memref<1x3x96xi32, #tpu.memory_space<hbm>>
      %dma_start3A_68 = tpu.memref_squeeze %dma_start3A_67 : memref<1x3x96xi32, #tpu.memory_space<hbm>> -> memref<3x96xi32, #tpu.memory_space<hbm>>
      tpu.enqueue_dma source(%dma_start3A_68 : memref<3x96xi32, #tpu.memory_space<hbm>>) target(%arg5 : memref<3x96xi32, #tpu.memory_space<vmem>>) target_semaphore(%run_scoped3A : memref<!tpu.dma_semaphore, #tpu.memory_space<semaphore_mem>>)
      %dma_wait3A_69 = arith.constant 0 : i32
      %dma_wait3A_70 = arith.constant 0 : i32
      %dma_wait3A_71 = tpu.memref_slice %arg3[%add3A, %dma_wait3A_69, %dma_wait3A_70] : memref<32x3x96xi32, #tpu.memory_space<hbm>> -> memref<1x3x96xi32, #tpu.memory_space<hbm>>
      %dma_wait3A_72 = tpu.memref_squeeze %dma_wait3A_71 : memref<1x3x96xi32, #tpu.memory_space<hbm>> -> memref<3x96xi32, #tpu.memory_space<hbm>>
      %dma_wait3A_73 = arith.constant 0 : i32
      %dma_wait3A_74 = arith.constant 0 : i32
      %dma_wait3A_75 = tpu.memref_slice %arg3[%add3A, %dma_wait3A_73, %dma_wait3A_74] : memref<32x3x96xi32, #tpu.memory_space<hbm>> -> memref<1x3x96xi32, #tpu.memory_space<hbm>>
      %dma_wait3A_76 = tpu.memref_squeeze %dma_wait3A_75 : memref<1x3x96xi32, #tpu.memory_space<hbm>> -> memref<3x96xi32, #tpu.memory_space<hbm>>
      tpu.wait_dma2 semaphore(%run_scoped3A : memref<!tpu.dma_semaphore, #tpu.memory_space<semaphore_mem>>) src(%dma_wait3A_76 : memref<3x96xi32, #tpu.memory_space<hbm>>) dst(%arg5 : memref<3x96xi32, #tpu.memory_space<vmem>>)
      tpu.yield
    }) : () -> ()
    %dma_start3A = arith.constant 0 : i32
    %dma_start3A_3 = arith.constant 0 : i32
    %dma_start3A_4 = arith.constant 0 : i32
    %dma_start3A_5 = tpu.memref_slice %arg6[%dma_start3A_3, %dma_start3A_4] : memref<288x64xf32, #tpu.memory_space<vmem>> -> memref<96x64xf32, #tpu.memory_space<vmem>>
    %dma_start3A_6 = arith.constant 0 : i32
    %dma_start3A_7 = tpu.memref_slice %arg5[%dma_start3A, %dma_start3A_6] : memref<3x96xi32, #tpu.memory_space<vmem>> -> memref<1x96xi32, #tpu.memory_space<vmem>>
    %dma_start3A_8 = tpu.memref_squeeze %dma_start3A_7 : memref<1x96xi32, #tpu.memory_space<vmem>> -> memref<96xi32, #tpu.memory_space<vmem>>
    %dma_start3A_9 = arith.constant 0 : i32
    %dma_start3A_10 = arith.constant 0 : i32
    %dma_start3A_11 = tpu.memref_slice %arg2[%dma_start3A_9, %dma_start3A_10] : memref<1024x64xf32, #tpu.memory_space<hbm>> -> memref<1024x64xf32, #tpu.memory_space<hbm>>
    tpu.enqueue_indirect_dma source(%dma_start3A_11 : memref<1024x64xf32, #tpu.memory_space<hbm>>) target(%dma_start3A_5 : memref<96x64xf32, #tpu.memory_space<vmem>>) offsets(%dma_start3A_8 : memref<96xi32, #tpu.memory_space<vmem>>) semaphore(%arg7 : memref<!tpu.dma_semaphore, #tpu.memory_space<semaphore_mem>>)
    %dma_start3A_12 = arith.constant 1 : i32
    %dma_start3A_13 = arith.constant 96 : i32
    %dma_start3A_14 = arith.constant 0 : i32
    %dma_start3A_15 = tpu.memref_slice %arg6[%dma_start3A_13, %dma_start3A_14] : memref<288x64xf32, #tpu.memory_space<vmem>> -> memref<96x64xf32, #tpu.memory_space<vmem>>
    %dma_start3A_16 = arith.constant 0 : i32
    %dma_start3A_17 = tpu.memref_slice %arg5[%dma_start3A_12, %dma_start3A_16] : memref<3x96xi32, #tpu.memory_space<vmem>> -> memref<1x96xi32, #tpu.memory_space<vmem>>
    %dma_start3A_18 = tpu.memref_squeeze %dma_start3A_17 : memref<1x96xi32, #tpu.memory_space<vmem>> -> memref<96xi32, #tpu.memory_space<vmem>>
    %dma_start3A_19 = arith.constant 0 : i32
    %dma_start3A_20 = arith.constant 0 : i32
    %dma_start3A_21 = tpu.memref_slice %arg2[%dma_start3A_19, %dma_start3A_20] : memref<1024x64xf32, #tpu.memory_space<hbm>> -> memref<1024x64xf32, #tpu.memory_space<hbm>>
    tpu.enqueue_indirect_dma source(%dma_start3A_21 : memref<1024x64xf32, #tpu.memory_space<hbm>>) target(%dma_start3A_15 : memref<96x64xf32, #tpu.memory_space<vmem>>) offsets(%dma_start3A_18 : memref<96xi32, #tpu.memory_space<vmem>>) semaphore(%arg7 : memref<!tpu.dma_semaphore, #tpu.memory_space<semaphore_mem>>)
    %dma_start3A_22 = arith.constant 2 : i32
    %dma_start3A_23 = arith.constant 192 : i32
    %dma_start3A_24 = arith.constant 0 : i32
    %dma_start3A_25 = tpu.memref_slice %arg6[%dma_start3A_23, %dma_start3A_24] : memref<288x64xf32, #tpu.memory_space<vmem>> -> memref<96x64xf32, #tpu.memory_space<vmem>>
    %dma_start3A_26 = arith.constant 0 : i32
    %dma_start3A_27 = tpu.memref_slice %arg5[%dma_start3A_22, %dma_start3A_26] : memref<3x96xi32, #tpu.memory_space<vmem>> -> memref<1x96xi32, #tpu.memory_space<vmem>>
    %dma_start3A_28 = tpu.memref_squeeze %dma_start3A_27 : memref<1x96xi32, #tpu.memory_space<vmem>> -> memref<96xi32, #tpu.memory_space<vmem>>
    %dma_start3A_29 = arith.constant 0 : i32
    %dma_start3A_30 = arith.constant 0 : i32
    %dma_start3A_31 = tpu.memref_slice %arg2[%dma_start3A_29, %dma_start3A_30] : memref<1024x64xf32, #tpu.memory_space<hbm>> -> memref<1024x64xf32, #tpu.memory_space<hbm>>
    tpu.enqueue_indirect_dma source(%dma_start3A_31 : memref<1024x64xf32, #tpu.memory_space<hbm>>) target(%dma_start3A_25 : memref<96x64xf32, #tpu.memory_space<vmem>>) offsets(%dma_start3A_28 : memref<96xi32, #tpu.memory_space<vmem>>) semaphore(%arg7 : memref<!tpu.dma_semaphore, #tpu.memory_space<semaphore_mem>>)
    %dma_wait3A = arith.constant 0 : i32
    %dma_wait3A_32 = arith.constant 0 : i32
    %dma_wait3A_33 = arith.constant 0 : i32
    %dma_wait3A_34 = tpu.memref_slice %arg6[%dma_wait3A_32, %dma_wait3A_33] : memref<288x64xf32, #tpu.memory_space<vmem>> -> memref<96x64xf32, #tpu.memory_space<vmem>>
    %dma_wait3A_35 = arith.constant 0 : i32
    %dma_wait3A_36 = tpu.memref_slice %arg5[%dma_wait3A, %dma_wait3A_35] : memref<3x96xi32, #tpu.memory_space<vmem>> -> memref<1x96xi32, #tpu.memory_space<vmem>>
    %dma_wait3A_37 = tpu.memref_squeeze %dma_wait3A_36 : memref<1x96xi32, #tpu.memory_space<vmem>> -> memref<96xi32, #tpu.memory_space<vmem>>
    %dma_wait3A_38 = arith.constant 0 : i32
    %dma_wait3A_39 = arith.constant 0 : i32
    %dma_wait3A_40 = tpu.memref_slice %arg2[%dma_wait3A_38, %dma_wait3A_39] : memref<1024x64xf32, #tpu.memory_space<hbm>> -> memref<1024x64xf32, #tpu.memory_space<hbm>>
    tpu.wait_indirect_dma semaphore(%arg7 : memref<!tpu.dma_semaphore, #tpu.memory_space<semaphore_mem>>) src(%dma_wait3A_40 : memref<1024x64xf32, #tpu.memory_space<hbm>>) dst(%dma_wait3A_34 : memref<96x64xf32, #tpu.memory_space<vmem>>)
    %dma_wait3A_41 = arith.constant 1 : i32
    %dma_wait3A_42 = arith.constant 96 : i32
    %dma_wait3A_43 = arith.constant 0 : i32
    %dma_wait3A_44 = tpu.memref_slice %arg6[%dma_wait3A_42, %dma_wait3A_43] : memref<288x64xf32, #tpu.memory_space<vmem>> -> memref<96x64xf32, #tpu.memory_space<vmem>>
    %dma_wait3A_45 = arith.constant 0 : i32
    %dma_wait3A_46 = tpu.memref_slice %arg5[%dma_wait3A_41, %dma_wait3A_45] : memref<3x96xi32, #tpu.memory_space<vmem>> -> memref<1x96xi32, #tpu.memory_space<vmem>>
    %dma_wait3A_47 = tpu.memref_squeeze %dma_wait3A_46 : memref<1x96xi32, #tpu.memory_space<vmem>> -> memref<96xi32, #tpu.memory_space<vmem>>
    %dma_wait3A_48 = arith.constant 0 : i32
    %dma_wait3A_49 = arith.constant 0 : i32
    %dma_wait3A_50 = tpu.memref_slice %arg2[%dma_wait3A_48, %dma_wait3A_49] : memref<1024x64xf32, #tpu.memory_space<hbm>> -> memref<1024x64xf32, #tpu.memory_space<hbm>>
    tpu.wait_indirect_dma semaphore(%arg7 : memref<!tpu.dma_semaphore, #tpu.memory_space<semaphore_mem>>) src(%dma_wait3A_50 : memref<1024x64xf32, #tpu.memory_space<hbm>>) dst(%dma_wait3A_44 : memref<96x64xf32, #tpu.memory_space<vmem>>)
    %dma_wait3A_51 = arith.constant 2 : i32
    %dma_wait3A_52 = arith.constant 192 : i32
    %dma_wait3A_53 = arith.constant 0 : i32
    %dma_wait3A_54 = tpu.memref_slice %arg6[%dma_wait3A_52, %dma_wait3A_53] : memref<288x64xf32, #tpu.memory_space<vmem>> -> memref<96x64xf32, #tpu.memory_space<vmem>>
    %dma_wait3A_55 = arith.constant 0 : i32
    %dma_wait3A_56 = tpu.memref_slice %arg5[%dma_wait3A_51, %dma_wait3A_55] : memref<3x96xi32, #tpu.memory_space<vmem>> -> memref<1x96xi32, #tpu.memory_space<vmem>>
    %dma_wait3A_57 = tpu.memref_squeeze %dma_wait3A_56 : memref<1x96xi32, #tpu.memory_space<vmem>> -> memref<96xi32, #tpu.memory_space<vmem>>
    %dma_wait3A_58 = arith.constant 0 : i32
    %dma_wait3A_59 = arith.constant 0 : i32
    %dma_wait3A_60 = tpu.memref_slice %arg2[%dma_wait3A_58, %dma_wait3A_59] : memref<1024x64xf32, #tpu.memory_space<hbm>> -> memref<1024x64xf32, #tpu.memory_space<hbm>>
    tpu.wait_indirect_dma semaphore(%arg7 : memref<!tpu.dma_semaphore, #tpu.memory_space<semaphore_mem>>) src(%dma_wait3A_60 : memref<1024x64xf32, #tpu.memory_space<hbm>>) dst(%dma_wait3A_54 : memref<96x64xf32, #tpu.memory_space<vmem>>)
    "tpu.region"() ({
      %run_scoped3A = tpu.sem_alloc : memref<!tpu.dma_semaphore, #tpu.memory_space<semaphore_mem>>
      %dma_start3A_61 = arith.constant 0 : i32
      %dma_start3A_62 = tpu.memref_slice %arg4[%mul3A_2, %dma_start3A_61] : memref<9216x64xf32, #tpu.memory_space<hbm>> -> memref<288x64xf32, #tpu.memory_space<hbm>>
      %dma_start3A_63 = arith.constant 0 : i32
      %dma_start3A_64 = tpu.memref_slice %arg4[%mul3A_2, %dma_start3A_63] : memref<9216x64xf32, #tpu.memory_space<hbm>> -> memref<288x64xf32, #tpu.memory_space<hbm>>
      tpu.enqueue_dma source(%arg6 : memref<288x64xf32, #tpu.memory_space<vmem>>) target(%dma_start3A_64 : memref<288x64xf32, #tpu.memory_space<hbm>>) target_semaphore(%run_scoped3A : memref<!tpu.dma_semaphore, #tpu.memory_space<semaphore_mem>>)
      %dma_wait3A_65 = arith.constant 0 : i32
      %dma_wait3A_66 = tpu.memref_slice %arg4[%mul3A_2, %dma_wait3A_65] : memref<9216x64xf32, #tpu.memory_space<hbm>> -> memref<288x64xf32, #tpu.memory_space<hbm>>
      %dma_wait3A_67 = arith.constant 0 : i32
      %dma_wait3A_68 = tpu.memref_slice %arg4[%mul3A_2, %dma_wait3A_67] : memref<9216x64xf32, #tpu.memory_space<hbm>> -> memref<288x64xf32, #tpu.memory_space<hbm>>
      tpu.wait_dma2 semaphore(%run_scoped3A : memref<!tpu.dma_semaphore, #tpu.memory_space<semaphore_mem>>) src(%arg6 : memref<288x64xf32, #tpu.memory_space<vmem>>) dst(%dma_wait3A_68 : memref<288x64xf32, #tpu.memory_space<hbm>>)
      tpu.yield
    }) : () -> ()
    return
  }
}

#map = affine_map<(d0, d1) -> (0, 0)>
#map1 = affine_map<(d0, d1) -> (0, 0, 0)>
module attributes {stable_mosaic.version = 14 : i64} {
  func.func @_sc_gather_body(%arg0: i32, %arg1: i32, %arg2: memref<1024x64xf32, #tpu.memory_space<hbm>>, %arg3: memref<32x3x96xi32, #tpu.memory_space<hbm>>, %arg4: memref<9216x64xf32, #tpu.memory_space<hbm>>, %arg5: memref<3x96xi32, #tpu.memory_space<vmem>>, %arg6: memref<288x64xf32, #tpu.memory_space<vmem>>, %arg7: memref<!tpu.dma_semaphore, #tpu.memory_space<semaphore_mem>>) attributes {dimension_semantics = [#tpu.dimension_semantics<core_parallel>, #tpu.dimension_semantics<subcore_parallel>], iteration_bounds = array<i64: 2, 16>, scalar_prefetch = 0 : i64, scratch_operands = 3 : i64, tpu.core_type = #tpu.core_type<sc_vector_subcore>, window_params = [{transform_indices = #map}, {transform_indices = #map1}, {transform_indices = #map}]} {
    %mul3A = arith.constant 2 : i32
    %mul3A_0 = arith.muli %arg1, %mul3A : i32
    %add3A = arith.addi %mul3A_0, %arg0 : i32
    %mul3A_1 = arith.constant 288 : i32
    %mul3A_2 = arith.muli %add3A, %mul3A_1 : i32
    "tpu.region"() ({
      %run_scoped3A = tpu.sem_alloc : memref<!tpu.dma_semaphore, #tpu.memory_space<semaphore_mem>>
      %dma_start3A_61 = arith.constant 0 : i32
      %dma_start3A_62 = arith.constant 0 : i32
      %dma_start3A_63 = tpu.memref_slice %arg3[%add3A, %dma_start3A_61, %dma_start3A_62] : memref<32x3x96xi32, #tpu.memory_space<hbm>> -> memref<1x3x96xi32, #tpu.memory_space<hbm>>
      %dma_start3A_64 = tpu.memref_squeeze %dma_start3A_63 : memref<1x3x96xi32, #tpu.memory_space<hbm>> -> memref<3x96xi32, #tpu.memory_space<hbm>>
      %dma_start3A_65 = arith.constant 0 : i32
      %dma_start3A_66 = arith.constant 0 : i32
      %dma_start3A_67 = tpu.memref_slice %arg3[%add3A, %dma_start3A_65, %dma_start3A_66] : memref<32x3x96xi32, #tpu.memory_space<hbm>> -> memref<1x3x96xi32, #tpu.memory_space<hbm>>
      %dma_start3A_68 = tpu.memref_squeeze %dma_start3A_67 : memref<1x3x96xi32, #tpu.memory_space<hbm>> -> memref<3x96xi32, #tpu.memory_space<hbm>>
      tpu.enqueue_dma source(%dma_start3A_68 : memref<3x96xi32, #tpu.memory_space<hbm>>) target(%arg5 : memref<3x96xi32, #tpu.memory_space<vmem>>) target_semaphore(%run_scoped3A : memref<!tpu.dma_semaphore, #tpu.memory_space<semaphore_mem>>)
      %dma_wait3A_69 = arith.constant 0 : i32
      %dma_wait3A_70 = arith.constant 0 : i32
      %dma_wait3A_71 = tpu.memref_slice %arg3[%add3A, %dma_wait3A_69, %dma_wait3A_70] : memref<32x3x96xi32, #tpu.memory_space<hbm>> -> memref<1x3x96xi32, #tpu.memory_space<hbm>>
      %dma_wait3A_72 = tpu.memref_squeeze %dma_wait3A_71 : memref<1x3x96xi32, #tpu.memory_space<hbm>> -> memref<3x96xi32, #tpu.memory_space<hbm>>
      %dma_wait3A_73 = arith.constant 0 : i32
      %dma_wait3A_74 = arith.constant 0 : i32
      %dma_wait3A_75 = tpu.memref_slice %arg3[%add3A, %dma_wait3A_73, %dma_wait3A_74] : memref<32x3x96xi32, #tpu.memory_space<hbm>> -> memref<1x3x96xi32, #tpu.memory_space<hbm>>
      %dma_wait3A_76 = tpu.memref_squeeze %dma_wait3A_75 : memref<1x3x96xi32, #tpu.memory_space<hbm>> -> memref<3x96xi32, #tpu.memory_space<hbm>>
      tpu.wait_dma2 semaphore(%run_scoped3A : memref<!tpu.dma_semaphore, #tpu.memory_space<semaphore_mem>>) src(%dma_wait3A_76 : memref<3x96xi32, #tpu.memory_space<hbm>>) dst(%arg5 : memref<3x96xi32, #tpu.memory_space<vmem>>)
      tpu.yield
    }) : () -> ()
    %dma_start3A = arith.constant 0 : i32
    %dma_start3A_3 = arith.constant 0 : i32
    %dma_start3A_4 = arith.constant 0 : i32
    %dma_start3A_5 = tpu.memref_slice %arg6[%dma_start3A_3, %dma_start3A_4] : memref<288x64xf32, #tpu.memory_space<vmem>> -> memref<96x64xf32, #tpu.memory_space<vmem>>
    %dma_start3A_6 = arith.constant 0 : i32
    %dma_start3A_7 = tpu.memref_slice %arg5[%dma_start3A, %dma_start3A_6] : memref<3x96xi32, #tpu.memory_space<vmem>> -> memref<1x96xi32, #tpu.memory_space<vmem>>
    %dma_start3A_8 = tpu.memref_squeeze %dma_start3A_7 : memref<1x96xi32, #tpu.memory_space<vmem>> -> memref<96xi32, #tpu.memory_space<vmem>>
    %dma_start3A_9 = arith.constant 0 : i32
    %dma_start3A_10 = arith.constant 0 : i32
    %dma_start3A_11 = tpu.memref_slice %arg2[%dma_start3A_9, %dma_start3A_10] : memref<1024x64xf32, #tpu.memory_space<hbm>> -> memref<1024x64xf32, #tpu.memory_space<hbm>>
    tpu.enqueue_indirect_dma source(%dma_start3A_11 : memref<1024x64xf32, #tpu.memory_space<hbm>>) target(%dma_start3A_5 : memref<96x64xf32, #tpu.memory_space<vmem>>) offsets(%dma_start3A_8 : memref<96xi32, #tpu.memory_space<vmem>>) semaphore(%arg7 : memref<!tpu.dma_semaphore, #tpu.memory_space<semaphore_mem>>)
    %dma_start3A_12 = arith.constant 1 : i32
    %dma_start3A_13 = arith.constant 96 : i32
    %dma_start3A_14 = arith.constant 0 : i32
    %dma_start3A_15 = tpu.memref_slice %arg6[%dma_start3A_13, %dma_start3A_14] : memref<288x64xf32, #tpu.memory_space<vmem>> -> memref<96x64xf32, #tpu.memory_space<vmem>>
    %dma_start3A_16 = arith.constant 0 : i32
    %dma_start3A_17 = tpu.memref_slice %arg5[%dma_start3A_12, %dma_start3A_16] : memref<3x96xi32, #tpu.memory_space<vmem>> -> memref<1x96xi32, #tpu.memory_space<vmem>>
    %dma_start3A_18 = tpu.memref_squeeze %dma_start3A_17 : memref<1x96xi32, #tpu.memory_space<vmem>> -> memref<96xi32, #tpu.memory_space<vmem>>
    %dma_start3A_19 = arith.constant 0 : i32
    %dma_start3A_20 = arith.constant 0 : i32
    %dma_start3A_21 = tpu.memref_slice %arg2[%dma_start3A_19, %dma_start3A_20] : memref<1024x64xf32, #tpu.memory_space<hbm>> -> memref<1024x64xf32, #tpu.memory_space<hbm>>
    tpu.enqueue_indirect_dma source(%dma_start3A_21 : memref<1024x64xf32, #tpu.memory_space<hbm>>) target(%dma_start3A_15 : memref<96x64xf32, #tpu.memory_space<vmem>>) offsets(%dma_start3A_18 : memref<96xi32, #tpu.memory_space<vmem>>) semaphore(%arg7 : memref<!tpu.dma_semaphore, #tpu.memory_space<semaphore_mem>>)
    %dma_start3A_22 = arith.constant 2 : i32
    %dma_start3A_23 = arith.constant 192 : i32
    %dma_start3A_24 = arith.constant 0 : i32
    %dma_start3A_25 = tpu.memref_slice %arg6[%dma_start3A_23, %dma_start3A_24] : memref<288x64xf32, #tpu.memory_space<vmem>> -> memref<96x64xf32, #tpu.memory_space<vmem>>
    %dma_start3A_26 = arith.constant 0 : i32
    %dma_start3A_27 = tpu.memref_slice %arg5[%dma_start3A_22, %dma_start3A_26] : memref<3x96xi32, #tpu.memory_space<vmem>> -> memref<1x96xi32, #tpu.memory_space<vmem>>
    %dma_start3A_28 = tpu.memref_squeeze %dma_start3A_27 : memref<1x96xi32, #tpu.memory_space<vmem>> -> memref<96xi32, #tpu.memory_space<vmem>>
    %dma_start3A_29 = arith.constant 0 : i32
    %dma_start3A_30 = arith.constant 0 : i32
    %dma_start3A_31 = tpu.memref_slice %arg2[%dma_start3A_29, %dma_start3A_30] : memref<1024x64xf32, #tpu.memory_space<hbm>> -> memref<1024x64xf32, #tpu.memory_space<hbm>>
    tpu.enqueue_indirect_dma source(%dma_start3A_31 : memref<1024x64xf32, #tpu.memory_space<hbm>>) target(%dma_start3A_25 : memref<96x64xf32, #tpu.memory_space<vmem>>) offsets(%dma_start3A_28 : memref<96xi32, #tpu.memory_space<vmem>>) semaphore(%arg7 : memref<!tpu.dma_semaphore, #tpu.memory_space<semaphore_mem>>)
    %dma_wait3A = arith.constant 0 : i32
    %dma_wait3A_32 = arith.constant 0 : i32
    %dma_wait3A_33 = arith.constant 0 : i32
    %dma_wait3A_34 = tpu.memref_slice %arg6[%dma_wait3A_32, %dma_wait3A_33] : memref<288x64xf32, #tpu.memory_space<vmem>> -> memref<96x64xf32, #tpu.memory_space<vmem>>
    %dma_wait3A_35 = arith.constant 0 : i32
    %dma_wait3A_36 = tpu.memref_slice %arg5[%dma_wait3A, %dma_wait3A_35] : memref<3x96xi32, #tpu.memory_space<vmem>> -> memref<1x96xi32, #tpu.memory_space<vmem>>
    %dma_wait3A_37 = tpu.memref_squeeze %dma_wait3A_36 : memref<1x96xi32, #tpu.memory_space<vmem>> -> memref<96xi32, #tpu.memory_space<vmem>>
    %dma_wait3A_38 = arith.constant 0 : i32
    %dma_wait3A_39 = arith.constant 0 : i32
    %dma_wait3A_40 = tpu.memref_slice %arg2[%dma_wait3A_38, %dma_wait3A_39] : memref<1024x64xf32, #tpu.memory_space<hbm>> -> memref<1024x64xf32, #tpu.memory_space<hbm>>
    tpu.wait_indirect_dma semaphore(%arg7 : memref<!tpu.dma_semaphore, #tpu.memory_space<semaphore_mem>>) src(%dma_wait3A_40 : memref<1024x64xf32, #tpu.memory_space<hbm>>) dst(%dma_wait3A_34 : memref<96x64xf32, #tpu.memory_space<vmem>>)
    %dma_wait3A_41 = arith.constant 1 : i32
    %dma_wait3A_42 = arith.constant 96 : i32
    %dma_wait3A_43 = arith.constant 0 : i32
    %dma_wait3A_44 = tpu.memref_slice %arg6[%dma_wait3A_42, %dma_wait3A_43] : memref<288x64xf32, #tpu.memory_space<vmem>> -> memref<96x64xf32, #tpu.memory_space<vmem>>
    %dma_wait3A_45 = arith.constant 0 : i32
    %dma_wait3A_46 = tpu.memref_slice %arg5[%dma_wait3A_41, %dma_wait3A_45] : memref<3x96xi32, #tpu.memory_space<vmem>> -> memref<1x96xi32, #tpu.memory_space<vmem>>
    %dma_wait3A_47 = tpu.memref_squeeze %dma_wait3A_46 : memref<1x96xi32, #tpu.memory_space<vmem>> -> memref<96xi32, #tpu.memory_space<vmem>>
    %dma_wait3A_48 = arith.constant 0 : i32
    %dma_wait3A_49 = arith.constant 0 : i32
    %dma_wait3A_50 = tpu.memref_slice %arg2[%dma_wait3A_48, %dma_wait3A_49] : memref<1024x64xf32, #tpu.memory_space<hbm>> -> memref<1024x64xf32, #tpu.memory_space<hbm>>
    tpu.wait_indirect_dma semaphore(%arg7 : memref<!tpu.dma_semaphore, #tpu.memory_space<semaphore_mem>>) src(%dma_wait3A_50 : memref<1024x64xf32, #tpu.memory_space<hbm>>) dst(%dma_wait3A_44 : memref<96x64xf32, #tpu.memory_space<vmem>>)
    %dma_wait3A_51 = arith.constant 2 : i32
    %dma_wait3A_52 = arith.constant 192 : i32
    %dma_wait3A_53 = arith.constant 0 : i32
    %dma_wait3A_54 = tpu.memref_slice %arg6[%dma_wait3A_52, %dma_wait3A_53] : memref<288x64xf32, #tpu.memory_space<vmem>> -> memref<96x64xf32, #tpu.memory_space<vmem>>
    %dma_wait3A_55 = arith.constant 0 : i32
    %dma_wait3A_56 = tpu.memref_slice %arg5[%dma_wait3A_51, %dma_wait3A_55] : memref<3x96xi32, #tpu.memory_space<vmem>> -> memref<1x96xi32, #tpu.memory_space<vmem>>
    %dma_wait3A_57 = tpu.memref_squeeze %dma_wait3A_56 : memref<1x96xi32, #tpu.memory_space<vmem>> -> memref<96xi32, #tpu.memory_space<vmem>>
    %dma_wait3A_58 = arith.constant 0 : i32
    %dma_wait3A_59 = arith.constant 0 : i32
    %dma_wait3A_60 = tpu.memref_slice %arg2[%dma_wait3A_58, %dma_wait3A_59] : memref<1024x64xf32, #tpu.memory_space<hbm>> -> memref<1024x64xf32, #tpu.memory_space<hbm>>
    tpu.wait_indirect_dma semaphore(%arg7 : memref<!tpu.dma_semaphore, #tpu.memory_space<semaphore_mem>>) src(%dma_wait3A_60 : memref<1024x64xf32, #tpu.memory_space<hbm>>) dst(%dma_wait3A_54 : memref<96x64xf32, #tpu.memory_space<vmem>>)
    "tpu.region"() ({
      %run_scoped3A = tpu.sem_alloc : memref<!tpu.dma_semaphore, #tpu.memory_space<semaphore_mem>>
      %dma_start3A_61 = arith.constant 0 : i32
      %dma_start3A_62 = tpu.memref_slice %arg4[%mul3A_2, %dma_start3A_61] : memref<9216x64xf32, #tpu.memory_space<hbm>> -> memref<288x64xf32, #tpu.memory_space<hbm>>
      %dma_start3A_63 = arith.constant 0 : i32
      %dma_start3A_64 = tpu.memref_slice %arg4[%mul3A_2, %dma_start3A_63] : memref<9216x64xf32, #tpu.memory_space<hbm>> -> memref<288x64xf32, #tpu.memory_space<hbm>>
      tpu.enqueue_dma source(%arg6 : memref<288x64xf32, #tpu.memory_space<vmem>>) target(%dma_start3A_64 : memref<288x64xf32, #tpu.memory_space<hbm>>) target_semaphore(%run_scoped3A : memref<!tpu.dma_semaphore, #tpu.memory_space<semaphore_mem>>)
      %dma_wait3A_65 = arith.constant 0 : i32
      %dma_wait3A_66 = tpu.memref_slice %arg4[%mul3A_2, %dma_wait3A_65] : memref<9216x64xf32, #tpu.memory_space<hbm>> -> memref<288x64xf32, #tpu.memory_space<hbm>>
      %dma_wait3A_67 = arith.constant 0 : i32
      %dma_wait3A_68 = tpu.memref_slice %arg4[%mul3A_2, %dma_wait3A_67] : memref<9216x64xf32, #tpu.memory_space<hbm>> -> memref<288x64xf32, #tpu.memory_space<hbm>>
      tpu.wait_dma2 semaphore(%run_scoped3A : memref<!tpu.dma_semaphore, #tpu.memory_space<semaphore_mem>>) src(%arg6 : memref<288x64xf32, #tpu.memory_space<vmem>>) dst(%dma_wait3A_68 : memref<288x64xf32, #tpu.memory_space<hbm>>)
      tpu.yield
    }) : () -> ()
    return
  }
}

#map = affine_map<(d0, d1) -> (0, 0)>
#map1 = affine_map<(d0, d1) -> (0, 0, 0)>
module attributes {stable_mosaic.version = 14 : i64} {
  func.func @_sc_gather_body(%arg0: i32, %arg1: i32, %arg2: memref<1024x64xf32, #tpu.memory_space<hbm>>, %arg3: memref<32x3x96xi32, #tpu.memory_space<hbm>>, %arg4: memref<9216x64xf32, #tpu.memory_space<hbm>>, %arg5: memref<3x96xi32, #tpu.memory_space<vmem>>, %arg6: memref<288x64xf32, #tpu.memory_space<vmem>>, %arg7: memref<!tpu.dma_semaphore, #tpu.memory_space<semaphore_mem>>) attributes {dimension_semantics = [#tpu.dimension_semantics<core_parallel>, #tpu.dimension_semantics<subcore_parallel>], iteration_bounds = array<i64: 2, 16>, scalar_prefetch = 0 : i64, scratch_operands = 3 : i64, tpu.core_type = #tpu.core_type<sc_vector_subcore>, window_params = [{transform_indices = #map}, {transform_indices = #map1}, {transform_indices = #map}]} {
    %mul3A = arith.constant 2 : i32
    %mul3A_0 = arith.muli %arg1, %mul3A : i32
    %add3A = arith.addi %mul3A_0, %arg0 : i32
    %mul3A_1 = arith.constant 288 : i32
    %mul3A_2 = arith.muli %add3A, %mul3A_1 : i32
    "tpu.region"() ({
      %run_scoped3A = tpu.sem_alloc : memref<!tpu.dma_semaphore, #tpu.memory_space<semaphore_mem>>
      %dma_start3A_61 = arith.constant 0 : i32
      %dma_start3A_62 = arith.constant 0 : i32
      %dma_start3A_63 = tpu.memref_slice %arg3[%add3A, %dma_start3A_61, %dma_start3A_62] : memref<32x3x96xi32, #tpu.memory_space<hbm>> -> memref<1x3x96xi32, #tpu.memory_space<hbm>>
      %dma_start3A_64 = tpu.memref_squeeze %dma_start3A_63 : memref<1x3x96xi32, #tpu.memory_space<hbm>> -> memref<3x96xi32, #tpu.memory_space<hbm>>
      %dma_start3A_65 = arith.constant 0 : i32
      %dma_start3A_66 = arith.constant 0 : i32
      %dma_start3A_67 = tpu.memref_slice %arg3[%add3A, %dma_start3A_65, %dma_start3A_66] : memref<32x3x96xi32, #tpu.memory_space<hbm>> -> memref<1x3x96xi32, #tpu.memory_space<hbm>>
      %dma_start3A_68 = tpu.memref_squeeze %dma_start3A_67 : memref<1x3x96xi32, #tpu.memory_space<hbm>> -> memref<3x96xi32, #tpu.memory_space<hbm>>
      tpu.enqueue_dma source(%dma_start3A_68 : memref<3x96xi32, #tpu.memory_space<hbm>>) target(%arg5 : memref<3x96xi32, #tpu.memory_space<vmem>>) target_semaphore(%run_scoped3A : memref<!tpu.dma_semaphore, #tpu.memory_space<semaphore_mem>>)
      %dma_wait3A_69 = arith.constant 0 : i32
      %dma_wait3A_70 = arith.constant 0 : i32
      %dma_wait3A_71 = tpu.memref_slice %arg3[%add3A, %dma_wait3A_69, %dma_wait3A_70] : memref<32x3x96xi32, #tpu.memory_space<hbm>> -> memref<1x3x96xi32, #tpu.memory_space<hbm>>
      %dma_wait3A_72 = tpu.memref_squeeze %dma_wait3A_71 : memref<1x3x96xi32, #tpu.memory_space<hbm>> -> memref<3x96xi32, #tpu.memory_space<hbm>>
      %dma_wait3A_73 = arith.constant 0 : i32
      %dma_wait3A_74 = arith.constant 0 : i32
      %dma_wait3A_75 = tpu.memref_slice %arg3[%add3A, %dma_wait3A_73, %dma_wait3A_74] : memref<32x3x96xi32, #tpu.memory_space<hbm>> -> memref<1x3x96xi32, #tpu.memory_space<hbm>>
      %dma_wait3A_76 = tpu.memref_squeeze %dma_wait3A_75 : memref<1x3x96xi32, #tpu.memory_space<hbm>> -> memref<3x96xi32, #tpu.memory_space<hbm>>
      tpu.wait_dma2 semaphore(%run_scoped3A : memref<!tpu.dma_semaphore, #tpu.memory_space<semaphore_mem>>) src(%dma_wait3A_76 : memref<3x96xi32, #tpu.memory_space<hbm>>) dst(%arg5 : memref<3x96xi32, #tpu.memory_space<vmem>>)
      tpu.yield
    }) : () -> ()
    %dma_start3A = arith.constant 0 : i32
    %dma_start3A_3 = arith.constant 0 : i32
    %dma_start3A_4 = arith.constant 0 : i32
    %dma_start3A_5 = tpu.memref_slice %arg6[%dma_start3A_3, %dma_start3A_4] : memref<288x64xf32, #tpu.memory_space<vmem>> -> memref<96x64xf32, #tpu.memory_space<vmem>>
    %dma_start3A_6 = arith.constant 0 : i32
    %dma_start3A_7 = tpu.memref_slice %arg5[%dma_start3A, %dma_start3A_6] : memref<3x96xi32, #tpu.memory_space<vmem>> -> memref<1x96xi32, #tpu.memory_space<vmem>>
    %dma_start3A_8 = tpu.memref_squeeze %dma_start3A_7 : memref<1x96xi32, #tpu.memory_space<vmem>> -> memref<96xi32, #tpu.memory_space<vmem>>
    %dma_start3A_9 = arith.constant 0 : i32
    %dma_start3A_10 = arith.constant 0 : i32
    %dma_start3A_11 = tpu.memref_slice %arg2[%dma_start3A_9, %dma_start3A_10] : memref<1024x64xf32, #tpu.memory_space<hbm>> -> memref<1024x64xf32, #tpu.memory_space<hbm>>
    tpu.enqueue_indirect_dma source(%dma_start3A_11 : memref<1024x64xf32, #tpu.memory_space<hbm>>) target(%dma_start3A_5 : memref<96x64xf32, #tpu.memory_space<vmem>>) offsets(%dma_start3A_8 : memref<96xi32, #tpu.memory_space<vmem>>) semaphore(%arg7 : memref<!tpu.dma_semaphore, #tpu.memory_space<semaphore_mem>>)
    %dma_start3A_12 = arith.constant 1 : i32
    %dma_start3A_13 = arith.constant 96 : i32
    %dma_start3A_14 = arith.constant 0 : i32
    %dma_start3A_15 = tpu.memref_slice %arg6[%dma_start3A_13, %dma_start3A_14] : memref<288x64xf32, #tpu.memory_space<vmem>> -> memref<96x64xf32, #tpu.memory_space<vmem>>
    %dma_start3A_16 = arith.constant 0 : i32
    %dma_start3A_17 = tpu.memref_slice %arg5[%dma_start3A_12, %dma_start3A_16] : memref<3x96xi32, #tpu.memory_space<vmem>> -> memref<1x96xi32, #tpu.memory_space<vmem>>
    %dma_start3A_18 = tpu.memref_squeeze %dma_start3A_17 : memref<1x96xi32, #tpu.memory_space<vmem>> -> memref<96xi32, #tpu.memory_space<vmem>>
    %dma_start3A_19 = arith.constant 0 : i32
    %dma_start3A_20 = arith.constant 0 : i32
    %dma_start3A_21 = tpu.memref_slice %arg2[%dma_start3A_19, %dma_start3A_20] : memref<1024x64xf32, #tpu.memory_space<hbm>> -> memref<1024x64xf32, #tpu.memory_space<hbm>>
    tpu.enqueue_indirect_dma source(%dma_start3A_21 : memref<1024x64xf32, #tpu.memory_space<hbm>>) target(%dma_start3A_15 : memref<96x64xf32, #tpu.memory_space<vmem>>) offsets(%dma_start3A_18 : memref<96xi32, #tpu.memory_space<vmem>>) semaphore(%arg7 : memref<!tpu.dma_semaphore, #tpu.memory_space<semaphore_mem>>)
    %dma_start3A_22 = arith.constant 2 : i32
    %dma_start3A_23 = arith.constant 192 : i32
    %dma_start3A_24 = arith.constant 0 : i32
    %dma_start3A_25 = tpu.memref_slice %arg6[%dma_start3A_23, %dma_start3A_24] : memref<288x64xf32, #tpu.memory_space<vmem>> -> memref<96x64xf32, #tpu.memory_space<vmem>>
    %dma_start3A_26 = arith.constant 0 : i32
    %dma_start3A_27 = tpu.memref_slice %arg5[%dma_start3A_22, %dma_start3A_26] : memref<3x96xi32, #tpu.memory_space<vmem>> -> memref<1x96xi32, #tpu.memory_space<vmem>>
    %dma_start3A_28 = tpu.memref_squeeze %dma_start3A_27 : memref<1x96xi32, #tpu.memory_space<vmem>> -> memref<96xi32, #tpu.memory_space<vmem>>
    %dma_start3A_29 = arith.constant 0 : i32
    %dma_start3A_30 = arith.constant 0 : i32
    %dma_start3A_31 = tpu.memref_slice %arg2[%dma_start3A_29, %dma_start3A_30] : memref<1024x64xf32, #tpu.memory_space<hbm>> -> memref<1024x64xf32, #tpu.memory_space<hbm>>
    tpu.enqueue_indirect_dma source(%dma_start3A_31 : memref<1024x64xf32, #tpu.memory_space<hbm>>) target(%dma_start3A_25 : memref<96x64xf32, #tpu.memory_space<vmem>>) offsets(%dma_start3A_28 : memref<96xi32, #tpu.memory_space<vmem>>) semaphore(%arg7 : memref<!tpu.dma_semaphore, #tpu.memory_space<semaphore_mem>>)
    %dma_wait3A = arith.constant 0 : i32
    %dma_wait3A_32 = arith.constant 0 : i32
    %dma_wait3A_33 = arith.constant 0 : i32
    %dma_wait3A_34 = tpu.memref_slice %arg6[%dma_wait3A_32, %dma_wait3A_33] : memref<288x64xf32, #tpu.memory_space<vmem>> -> memref<96x64xf32, #tpu.memory_space<vmem>>
    %dma_wait3A_35 = arith.constant 0 : i32
    %dma_wait3A_36 = tpu.memref_slice %arg5[%dma_wait3A, %dma_wait3A_35] : memref<3x96xi32, #tpu.memory_space<vmem>> -> memref<1x96xi32, #tpu.memory_space<vmem>>
    %dma_wait3A_37 = tpu.memref_squeeze %dma_wait3A_36 : memref<1x96xi32, #tpu.memory_space<vmem>> -> memref<96xi32, #tpu.memory_space<vmem>>
    %dma_wait3A_38 = arith.constant 0 : i32
    %dma_wait3A_39 = arith.constant 0 : i32
    %dma_wait3A_40 = tpu.memref_slice %arg2[%dma_wait3A_38, %dma_wait3A_39] : memref<1024x64xf32, #tpu.memory_space<hbm>> -> memref<1024x64xf32, #tpu.memory_space<hbm>>
    tpu.wait_indirect_dma semaphore(%arg7 : memref<!tpu.dma_semaphore, #tpu.memory_space<semaphore_mem>>) src(%dma_wait3A_40 : memref<1024x64xf32, #tpu.memory_space<hbm>>) dst(%dma_wait3A_34 : memref<96x64xf32, #tpu.memory_space<vmem>>)
    %dma_wait3A_41 = arith.constant 1 : i32
    %dma_wait3A_42 = arith.constant 96 : i32
    %dma_wait3A_43 = arith.constant 0 : i32
    %dma_wait3A_44 = tpu.memref_slice %arg6[%dma_wait3A_42, %dma_wait3A_43] : memref<288x64xf32, #tpu.memory_space<vmem>> -> memref<96x64xf32, #tpu.memory_space<vmem>>
    %dma_wait3A_45 = arith.constant 0 : i32
    %dma_wait3A_46 = tpu.memref_slice %arg5[%dma_wait3A_41, %dma_wait3A_45] : memref<3x96xi32, #tpu.memory_space<vmem>> -> memref<1x96xi32, #tpu.memory_space<vmem>>
    %dma_wait3A_47 = tpu.memref_squeeze %dma_wait3A_46 : memref<1x96xi32, #tpu.memory_space<vmem>> -> memref<96xi32, #tpu.memory_space<vmem>>
    %dma_wait3A_48 = arith.constant 0 : i32
    %dma_wait3A_49 = arith.constant 0 : i32
    %dma_wait3A_50 = tpu.memref_slice %arg2[%dma_wait3A_48, %dma_wait3A_49] : memref<1024x64xf32, #tpu.memory_space<hbm>> -> memref<1024x64xf32, #tpu.memory_space<hbm>>
    tpu.wait_indirect_dma semaphore(%arg7 : memref<!tpu.dma_semaphore, #tpu.memory_space<semaphore_mem>>) src(%dma_wait3A_50 : memref<1024x64xf32, #tpu.memory_space<hbm>>) dst(%dma_wait3A_44 : memref<96x64xf32, #tpu.memory_space<vmem>>)
    %dma_wait3A_51 = arith.constant 2 : i32
    %dma_wait3A_52 = arith.constant 192 : i32
    %dma_wait3A_53 = arith.constant 0 : i32
    %dma_wait3A_54 = tpu.memref_slice %arg6[%dma_wait3A_52, %dma_wait3A_53] : memref<288x64xf32, #tpu.memory_space<vmem>> -> memref<96x64xf32, #tpu.memory_space<vmem>>
    %dma_wait3A_55 = arith.constant 0 : i32
    %dma_wait3A_56 = tpu.memref_slice %arg5[%dma_wait3A_51, %dma_wait3A_55] : memref<3x96xi32, #tpu.memory_space<vmem>> -> memref<1x96xi32, #tpu.memory_space<vmem>>
    %dma_wait3A_57 = tpu.memref_squeeze %dma_wait3A_56 : memref<1x96xi32, #tpu.memory_space<vmem>> -> memref<96xi32, #tpu.memory_space<vmem>>
    %dma_wait3A_58 = arith.constant 0 : i32
    %dma_wait3A_59 = arith.constant 0 : i32
    %dma_wait3A_60 = tpu.memref_slice %arg2[%dma_wait3A_58, %dma_wait3A_59] : memref<1024x64xf32, #tpu.memory_space<hbm>> -> memref<1024x64xf32, #tpu.memory_space<hbm>>
    tpu.wait_indirect_dma semaphore(%arg7 : memref<!tpu.dma_semaphore, #tpu.memory_space<semaphore_mem>>) src(%dma_wait3A_60 : memref<1024x64xf32, #tpu.memory_space<hbm>>) dst(%dma_wait3A_54 : memref<96x64xf32, #tpu.memory_space<vmem>>)
    "tpu.region"() ({
      %run_scoped3A = tpu.sem_alloc : memref<!tpu.dma_semaphore, #tpu.memory_space<semaphore_mem>>
      %dma_start3A_61 = arith.constant 0 : i32
      %dma_start3A_62 = tpu.memref_slice %arg4[%mul3A_2, %dma_start3A_61] : memref<9216x64xf32, #tpu.memory_space<hbm>> -> memref<288x64xf32, #tpu.memory_space<hbm>>
      %dma_start3A_63 = arith.constant 0 : i32
      %dma_start3A_64 = tpu.memref_slice %arg4[%mul3A_2, %dma_start3A_63] : memref<9216x64xf32, #tpu.memory_space<hbm>> -> memref<288x64xf32, #tpu.memory_space<hbm>>
      tpu.enqueue_dma source(%arg6 : memref<288x64xf32, #tpu.memory_space<vmem>>) target(%dma_start3A_64 : memref<288x64xf32, #tpu.memory_space<hbm>>) target_semaphore(%run_scoped3A : memref<!tpu.dma_semaphore, #tpu.memory_space<semaphore_mem>>)
      %dma_wait3A_65 = arith.constant 0 : i32
      %dma_wait3A_66 = tpu.memref_slice %arg4[%mul3A_2, %dma_wait3A_65] : memref<9216x64xf32, #tpu.memory_space<hbm>> -> memref<288x64xf32, #tpu.memory_space<hbm>>
      %dma_wait3A_67 = arith.constant 0 : i32
      %dma_wait3A_68 = tpu.memref_slice %arg4[%mul3A_2, %dma_wait3A_67] : memref<9216x64xf32, #tpu.memory_space<hbm>> -> memref<288x64xf32, #tpu.memory_space<hbm>>
      tpu.wait_dma2 semaphore(%run_scoped3A : memref<!tpu.dma_semaphore, #tpu.memory_space<semaphore_mem>>) src(%arg6 : memref<288x64xf32, #tpu.memory_space<vmem>>) dst(%dma_wait3A_68 : memref<288x64xf32, #tpu.memory_space<hbm>>)
      tpu.yield
    }) : () -> ()
    return
  }
}

#map = affine_map<(d0, d1) -> (0, 0)>
#map1 = affine_map<(d0, d1) -> (0, 0, 0)>
module attributes {stable_mosaic.version = 14 : i64} {
  func.func @_sc_gather_body(%arg0: i32, %arg1: i32, %arg2: memref<1024x64xf32, #tpu.memory_space<hbm>>, %arg3: memref<32x3x96xi32, #tpu.memory_space<hbm>>, %arg4: memref<9216x64xf32, #tpu.memory_space<hbm>>, %arg5: memref<3x96xi32, #tpu.memory_space<vmem>>, %arg6: memref<288x64xf32, #tpu.memory_space<vmem>>, %arg7: memref<!tpu.dma_semaphore, #tpu.memory_space<semaphore_mem>>) attributes {dimension_semantics = [#tpu.dimension_semantics<core_parallel>, #tpu.dimension_semantics<subcore_parallel>], iteration_bounds = array<i64: 2, 16>, scalar_prefetch = 0 : i64, scratch_operands = 3 : i64, tpu.core_type = #tpu.core_type<sc_vector_subcore>, window_params = [{transform_indices = #map}, {transform_indices = #map1}, {transform_indices = #map}]} {
    %mul3A = arith.constant 2 : i32
    %mul3A_0 = arith.muli %arg1, %mul3A : i32
    %add3A = arith.addi %mul3A_0, %arg0 : i32
    %mul3A_1 = arith.constant 288 : i32
    %mul3A_2 = arith.muli %add3A, %mul3A_1 : i32
    "tpu.region"() ({
      %run_scoped3A = tpu.sem_alloc : memref<!tpu.dma_semaphore, #tpu.memory_space<semaphore_mem>>
      %dma_start3A_61 = arith.constant 0 : i32
      %dma_start3A_62 = arith.constant 0 : i32
      %dma_start3A_63 = tpu.memref_slice %arg3[%add3A, %dma_start3A_61, %dma_start3A_62] : memref<32x3x96xi32, #tpu.memory_space<hbm>> -> memref<1x3x96xi32, #tpu.memory_space<hbm>>
      %dma_start3A_64 = tpu.memref_squeeze %dma_start3A_63 : memref<1x3x96xi32, #tpu.memory_space<hbm>> -> memref<3x96xi32, #tpu.memory_space<hbm>>
      %dma_start3A_65 = arith.constant 0 : i32
      %dma_start3A_66 = arith.constant 0 : i32
      %dma_start3A_67 = tpu.memref_slice %arg3[%add3A, %dma_start3A_65, %dma_start3A_66] : memref<32x3x96xi32, #tpu.memory_space<hbm>> -> memref<1x3x96xi32, #tpu.memory_space<hbm>>
      %dma_start3A_68 = tpu.memref_squeeze %dma_start3A_67 : memref<1x3x96xi32, #tpu.memory_space<hbm>> -> memref<3x96xi32, #tpu.memory_space<hbm>>
      tpu.enqueue_dma source(%dma_start3A_68 : memref<3x96xi32, #tpu.memory_space<hbm>>) target(%arg5 : memref<3x96xi32, #tpu.memory_space<vmem>>) target_semaphore(%run_scoped3A : memref<!tpu.dma_semaphore, #tpu.memory_space<semaphore_mem>>)
      %dma_wait3A_69 = arith.constant 0 : i32
      %dma_wait3A_70 = arith.constant 0 : i32
      %dma_wait3A_71 = tpu.memref_slice %arg3[%add3A, %dma_wait3A_69, %dma_wait3A_70] : memref<32x3x96xi32, #tpu.memory_space<hbm>> -> memref<1x3x96xi32, #tpu.memory_space<hbm>>
      %dma_wait3A_72 = tpu.memref_squeeze %dma_wait3A_71 : memref<1x3x96xi32, #tpu.memory_space<hbm>> -> memref<3x96xi32, #tpu.memory_space<hbm>>
      %dma_wait3A_73 = arith.constant 0 : i32
      %dma_wait3A_74 = arith.constant 0 : i32
      %dma_wait3A_75 = tpu.memref_slice %arg3[%add3A, %dma_wait3A_73, %dma_wait3A_74] : memref<32x3x96xi32, #tpu.memory_space<hbm>> -> memref<1x3x96xi32, #tpu.memory_space<hbm>>
      %dma_wait3A_76 = tpu.memref_squeeze %dma_wait3A_75 : memref<1x3x96xi32, #tpu.memory_space<hbm>> -> memref<3x96xi32, #tpu.memory_space<hbm>>
      tpu.wait_dma2 semaphore(%run_scoped3A : memref<!tpu.dma_semaphore, #tpu.memory_space<semaphore_mem>>) src(%dma_wait3A_76 : memref<3x96xi32, #tpu.memory_space<hbm>>) dst(%arg5 : memref<3x96xi32, #tpu.memory_space<vmem>>)
      tpu.yield
    }) : () -> ()
    %dma_start3A = arith.constant 0 : i32
    %dma_start3A_3 = arith.constant 0 : i32
    %dma_start3A_4 = arith.constant 0 : i32
    %dma_start3A_5 = tpu.memref_slice %arg6[%dma_start3A_3, %dma_start3A_4] : memref<288x64xf32, #tpu.memory_space<vmem>> -> memref<96x64xf32, #tpu.memory_space<vmem>>
    %dma_start3A_6 = arith.constant 0 : i32
    %dma_start3A_7 = tpu.memref_slice %arg5[%dma_start3A, %dma_start3A_6] : memref<3x96xi32, #tpu.memory_space<vmem>> -> memref<1x96xi32, #tpu.memory_space<vmem>>
    %dma_start3A_8 = tpu.memref_squeeze %dma_start3A_7 : memref<1x96xi32, #tpu.memory_space<vmem>> -> memref<96xi32, #tpu.memory_space<vmem>>
    %dma_start3A_9 = arith.constant 0 : i32
    %dma_start3A_10 = arith.constant 0 : i32
    %dma_start3A_11 = tpu.memref_slice %arg2[%dma_start3A_9, %dma_start3A_10] : memref<1024x64xf32, #tpu.memory_space<hbm>> -> memref<1024x64xf32, #tpu.memory_space<hbm>>
    tpu.enqueue_indirect_dma source(%dma_start3A_11 : memref<1024x64xf32, #tpu.memory_space<hbm>>) target(%dma_start3A_5 : memref<96x64xf32, #tpu.memory_space<vmem>>) offsets(%dma_start3A_8 : memref<96xi32, #tpu.memory_space<vmem>>) semaphore(%arg7 : memref<!tpu.dma_semaphore, #tpu.memory_space<semaphore_mem>>)
    %dma_start3A_12 = arith.constant 1 : i32
    %dma_start3A_13 = arith.constant 96 : i32
    %dma_start3A_14 = arith.constant 0 : i32
    %dma_start3A_15 = tpu.memref_slice %arg6[%dma_start3A_13, %dma_start3A_14] : memref<288x64xf32, #tpu.memory_space<vmem>> -> memref<96x64xf32, #tpu.memory_space<vmem>>
    %dma_start3A_16 = arith.constant 0 : i32
    %dma_start3A_17 = tpu.memref_slice %arg5[%dma_start3A_12, %dma_start3A_16] : memref<3x96xi32, #tpu.memory_space<vmem>> -> memref<1x96xi32, #tpu.memory_space<vmem>>
    %dma_start3A_18 = tpu.memref_squeeze %dma_start3A_17 : memref<1x96xi32, #tpu.memory_space<vmem>> -> memref<96xi32, #tpu.memory_space<vmem>>
    %dma_start3A_19 = arith.constant 0 : i32
    %dma_start3A_20 = arith.constant 0 : i32
    %dma_start3A_21 = tpu.memref_slice %arg2[%dma_start3A_19, %dma_start3A_20] : memref<1024x64xf32, #tpu.memory_space<hbm>> -> memref<1024x64xf32, #tpu.memory_space<hbm>>
    tpu.enqueue_indirect_dma source(%dma_start3A_21 : memref<1024x64xf32, #tpu.memory_space<hbm>>) target(%dma_start3A_15 : memref<96x64xf32, #tpu.memory_space<vmem>>) offsets(%dma_start3A_18 : memref<96xi32, #tpu.memory_space<vmem>>) semaphore(%arg7 : memref<!tpu.dma_semaphore, #tpu.memory_space<semaphore_mem>>)
    %dma_start3A_22 = arith.constant 2 : i32
    %dma_start3A_23 = arith.constant 192 : i32
    %dma_start3A_24 = arith.constant 0 : i32
    %dma_start3A_25 = tpu.memref_slice %arg6[%dma_start3A_23, %dma_start3A_24] : memref<288x64xf32, #tpu.memory_space<vmem>> -> memref<96x64xf32, #tpu.memory_space<vmem>>
    %dma_start3A_26 = arith.constant 0 : i32
    %dma_start3A_27 = tpu.memref_slice %arg5[%dma_start3A_22, %dma_start3A_26] : memref<3x96xi32, #tpu.memory_space<vmem>> -> memref<1x96xi32, #tpu.memory_space<vmem>>
    %dma_start3A_28 = tpu.memref_squeeze %dma_start3A_27 : memref<1x96xi32, #tpu.memory_space<vmem>> -> memref<96xi32, #tpu.memory_space<vmem>>
    %dma_start3A_29 = arith.constant 0 : i32
    %dma_start3A_30 = arith.constant 0 : i32
    %dma_start3A_31 = tpu.memref_slice %arg2[%dma_start3A_29, %dma_start3A_30] : memref<1024x64xf32, #tpu.memory_space<hbm>> -> memref<1024x64xf32, #tpu.memory_space<hbm>>
    tpu.enqueue_indirect_dma source(%dma_start3A_31 : memref<1024x64xf32, #tpu.memory_space<hbm>>) target(%dma_start3A_25 : memref<96x64xf32, #tpu.memory_space<vmem>>) offsets(%dma_start3A_28 : memref<96xi32, #tpu.memory_space<vmem>>) semaphore(%arg7 : memref<!tpu.dma_semaphore, #tpu.memory_space<semaphore_mem>>)
    %dma_wait3A = arith.constant 0 : i32
    %dma_wait3A_32 = arith.constant 0 : i32
    %dma_wait3A_33 = arith.constant 0 : i32
    %dma_wait3A_34 = tpu.memref_slice %arg6[%dma_wait3A_32, %dma_wait3A_33] : memref<288x64xf32, #tpu.memory_space<vmem>> -> memref<96x64xf32, #tpu.memory_space<vmem>>
    %dma_wait3A_35 = arith.constant 0 : i32
    %dma_wait3A_36 = tpu.memref_slice %arg5[%dma_wait3A, %dma_wait3A_35] : memref<3x96xi32, #tpu.memory_space<vmem>> -> memref<1x96xi32, #tpu.memory_space<vmem>>
    %dma_wait3A_37 = tpu.memref_squeeze %dma_wait3A_36 : memref<1x96xi32, #tpu.memory_space<vmem>> -> memref<96xi32, #tpu.memory_space<vmem>>
    %dma_wait3A_38 = arith.constant 0 : i32
    %dma_wait3A_39 = arith.constant 0 : i32
    %dma_wait3A_40 = tpu.memref_slice %arg2[%dma_wait3A_38, %dma_wait3A_39] : memref<1024x64xf32, #tpu.memory_space<hbm>> -> memref<1024x64xf32, #tpu.memory_space<hbm>>
    tpu.wait_indirect_dma semaphore(%arg7 : memref<!tpu.dma_semaphore, #tpu.memory_space<semaphore_mem>>) src(%dma_wait3A_40 : memref<1024x64xf32, #tpu.memory_space<hbm>>) dst(%dma_wait3A_34 : memref<96x64xf32, #tpu.memory_space<vmem>>)
    %dma_wait3A_41 = arith.constant 1 : i32
    %dma_wait3A_42 = arith.constant 96 : i32
    %dma_wait3A_43 = arith.constant 0 : i32
    %dma_wait3A_44 = tpu.memref_slice %arg6[%dma_wait3A_42, %dma_wait3A_43] : memref<288x64xf32, #tpu.memory_space<vmem>> -> memref<96x64xf32, #tpu.memory_space<vmem>>
    %dma_wait3A_45 = arith.constant 0 : i32
    %dma_wait3A_46 = tpu.memref_slice %arg5[%dma_wait3A_41, %dma_wait3A_45] : memref<3x96xi32, #tpu.memory_space<vmem>> -> memref<1x96xi32, #tpu.memory_space<vmem>>
    %dma_wait3A_47 = tpu.memref_squeeze %dma_wait3A_46 : memref<1x96xi32, #tpu.memory_space<vmem>> -> memref<96xi32, #tpu.memory_space<vmem>>
    %dma_wait3A_48 = arith.constant 0 : i32
    %dma_wait3A_49 = arith.constant 0 : i32
    %dma_wait3A_50 = tpu.memref_slice %arg2[%dma_wait3A_48, %dma_wait3A_49] : memref<1024x64xf32, #tpu.memory_space<hbm>> -> memref<1024x64xf32, #tpu.memory_space<hbm>>
    tpu.wait_indirect_dma semaphore(%arg7 : memref<!tpu.dma_semaphore, #tpu.memory_space<semaphore_mem>>) src(%dma_wait3A_50 : memref<1024x64xf32, #tpu.memory_space<hbm>>) dst(%dma_wait3A_44 : memref<96x64xf32, #tpu.memory_space<vmem>>)
    %dma_wait3A_51 = arith.constant 2 : i32
    %dma_wait3A_52 = arith.constant 192 : i32
    %dma_wait3A_53 = arith.constant 0 : i32
    %dma_wait3A_54 = tpu.memref_slice %arg6[%dma_wait3A_52, %dma_wait3A_53] : memref<288x64xf32, #tpu.memory_space<vmem>> -> memref<96x64xf32, #tpu.memory_space<vmem>>
    %dma_wait3A_55 = arith.constant 0 : i32
    %dma_wait3A_56 = tpu.memref_slice %arg5[%dma_wait3A_51, %dma_wait3A_55] : memref<3x96xi32, #tpu.memory_space<vmem>> -> memref<1x96xi32, #tpu.memory_space<vmem>>
    %dma_wait3A_57 = tpu.memref_squeeze %dma_wait3A_56 : memref<1x96xi32, #tpu.memory_space<vmem>> -> memref<96xi32, #tpu.memory_space<vmem>>
    %dma_wait3A_58 = arith.constant 0 : i32
    %dma_wait3A_59 = arith.constant 0 : i32
    %dma_wait3A_60 = tpu.memref_slice %arg2[%dma_wait3A_58, %dma_wait3A_59] : memref<1024x64xf32, #tpu.memory_space<hbm>> -> memref<1024x64xf32, #tpu.memory_space<hbm>>
    tpu.wait_indirect_dma semaphore(%arg7 : memref<!tpu.dma_semaphore, #tpu.memory_space<semaphore_mem>>) src(%dma_wait3A_60 : memref<1024x64xf32, #tpu.memory_space<hbm>>) dst(%dma_wait3A_54 : memref<96x64xf32, #tpu.memory_space<vmem>>)
    "tpu.region"() ({
      %run_scoped3A = tpu.sem_alloc : memref<!tpu.dma_semaphore, #tpu.memory_space<semaphore_mem>>
      %dma_start3A_61 = arith.constant 0 : i32
      %dma_start3A_62 = tpu.memref_slice %arg4[%mul3A_2, %dma_start3A_61] : memref<9216x64xf32, #tpu.memory_space<hbm>> -> memref<288x64xf32, #tpu.memory_space<hbm>>
      %dma_start3A_63 = arith.constant 0 : i32
      %dma_start3A_64 = tpu.memref_slice %arg4[%mul3A_2, %dma_start3A_63] : memref<9216x64xf32, #tpu.memory_space<hbm>> -> memref<288x64xf32, #tpu.memory_space<hbm>>
      tpu.enqueue_dma source(%arg6 : memref<288x64xf32, #tpu.memory_space<vmem>>) target(%dma_start3A_64 : memref<288x64xf32, #tpu.memory_space<hbm>>) target_semaphore(%run_scoped3A : memref<!tpu.dma_semaphore, #tpu.memory_space<semaphore_mem>>)
      %dma_wait3A_65 = arith.constant 0 : i32
      %dma_wait3A_66 = tpu.memref_slice %arg4[%mul3A_2, %dma_wait3A_65] : memref<9216x64xf32, #tpu.memory_space<hbm>> -> memref<288x64xf32, #tpu.memory_space<hbm>>
      %dma_wait3A_67 = arith.constant 0 : i32
      %dma_wait3A_68 = tpu.memref_slice %arg4[%mul3A_2, %dma_wait3A_67] : memref<9216x64xf32, #tpu.memory_space<hbm>> -> memref<288x64xf32, #tpu.memory_space<hbm>>
      tpu.wait_dma2 semaphore(%run_scoped3A : memref<!tpu.dma_semaphore, #tpu.memory_space<semaphore_mem>>) src(%arg6 : memref<288x64xf32, #tpu.memory_space<vmem>>) dst(%dma_wait3A_68 : memref<288x64xf32, #tpu.memory_space<hbm>>)
      tpu.yield
    }) : () -> ()
    return
  }
}

#map = affine_map<(d0, d1) -> (0, 0)>
#map1 = affine_map<(d0, d1) -> (0, 0, 0)>
module attributes {stable_mosaic.version = 14 : i64} {
  func.func @_sc_gather_body(%arg0: i32, %arg1: i32, %arg2: memref<1024x64xf32, #tpu.memory_space<hbm>>, %arg3: memref<32x3x96xi32, #tpu.memory_space<hbm>>, %arg4: memref<9216x64xf32, #tpu.memory_space<hbm>>, %arg5: memref<3x96xi32, #tpu.memory_space<vmem>>, %arg6: memref<288x64xf32, #tpu.memory_space<vmem>>, %arg7: memref<!tpu.dma_semaphore, #tpu.memory_space<semaphore_mem>>) attributes {dimension_semantics = [#tpu.dimension_semantics<core_parallel>, #tpu.dimension_semantics<subcore_parallel>], iteration_bounds = array<i64: 2, 16>, scalar_prefetch = 0 : i64, scratch_operands = 3 : i64, tpu.core_type = #tpu.core_type<sc_vector_subcore>, window_params = [{transform_indices = #map}, {transform_indices = #map1}, {transform_indices = #map}]} {
    %mul3A = arith.constant 2 : i32
    %mul3A_0 = arith.muli %arg1, %mul3A : i32
    %add3A = arith.addi %mul3A_0, %arg0 : i32
    %mul3A_1 = arith.constant 288 : i32
    %mul3A_2 = arith.muli %add3A, %mul3A_1 : i32
    "tpu.region"() ({
      %run_scoped3A = tpu.sem_alloc : memref<!tpu.dma_semaphore, #tpu.memory_space<semaphore_mem>>
      %dma_start3A_61 = arith.constant 0 : i32
      %dma_start3A_62 = arith.constant 0 : i32
      %dma_start3A_63 = tpu.memref_slice %arg3[%add3A, %dma_start3A_61, %dma_start3A_62] : memref<32x3x96xi32, #tpu.memory_space<hbm>> -> memref<1x3x96xi32, #tpu.memory_space<hbm>>
      %dma_start3A_64 = tpu.memref_squeeze %dma_start3A_63 : memref<1x3x96xi32, #tpu.memory_space<hbm>> -> memref<3x96xi32, #tpu.memory_space<hbm>>
      %dma_start3A_65 = arith.constant 0 : i32
      %dma_start3A_66 = arith.constant 0 : i32
      %dma_start3A_67 = tpu.memref_slice %arg3[%add3A, %dma_start3A_65, %dma_start3A_66] : memref<32x3x96xi32, #tpu.memory_space<hbm>> -> memref<1x3x96xi32, #tpu.memory_space<hbm>>
      %dma_start3A_68 = tpu.memref_squeeze %dma_start3A_67 : memref<1x3x96xi32, #tpu.memory_space<hbm>> -> memref<3x96xi32, #tpu.memory_space<hbm>>
      tpu.enqueue_dma source(%dma_start3A_68 : memref<3x96xi32, #tpu.memory_space<hbm>>) target(%arg5 : memref<3x96xi32, #tpu.memory_space<vmem>>) target_semaphore(%run_scoped3A : memref<!tpu.dma_semaphore, #tpu.memory_space<semaphore_mem>>)
      %dma_wait3A_69 = arith.constant 0 : i32
      %dma_wait3A_70 = arith.constant 0 : i32
      %dma_wait3A_71 = tpu.memref_slice %arg3[%add3A, %dma_wait3A_69, %dma_wait3A_70] : memref<32x3x96xi32, #tpu.memory_space<hbm>> -> memref<1x3x96xi32, #tpu.memory_space<hbm>>
      %dma_wait3A_72 = tpu.memref_squeeze %dma_wait3A_71 : memref<1x3x96xi32, #tpu.memory_space<hbm>> -> memref<3x96xi32, #tpu.memory_space<hbm>>
      %dma_wait3A_73 = arith.constant 0 : i32
      %dma_wait3A_74 = arith.constant 0 : i32
      %dma_wait3A_75 = tpu.memref_slice %arg3[%add3A, %dma_wait3A_73, %dma_wait3A_74] : memref<32x3x96xi32, #tpu.memory_space<hbm>> -> memref<1x3x96xi32, #tpu.memory_space<hbm>>
      %dma_wait3A_76 = tpu.memref_squeeze %dma_wait3A_75 : memref<1x3x96xi32, #tpu.memory_space<hbm>> -> memref<3x96xi32, #tpu.memory_space<hbm>>
      tpu.wait_dma2 semaphore(%run_scoped3A : memref<!tpu.dma_semaphore, #tpu.memory_space<semaphore_mem>>) src(%dma_wait3A_76 : memref<3x96xi32, #tpu.memory_space<hbm>>) dst(%arg5 : memref<3x96xi32, #tpu.memory_space<vmem>>)
      tpu.yield
    }) : () -> ()
    %dma_start3A = arith.constant 0 : i32
    %dma_start3A_3 = arith.constant 0 : i32
    %dma_start3A_4 = arith.constant 0 : i32
    %dma_start3A_5 = tpu.memref_slice %arg6[%dma_start3A_3, %dma_start3A_4] : memref<288x64xf32, #tpu.memory_space<vmem>> -> memref<96x64xf32, #tpu.memory_space<vmem>>
    %dma_start3A_6 = arith.constant 0 : i32
    %dma_start3A_7 = tpu.memref_slice %arg5[%dma_start3A, %dma_start3A_6] : memref<3x96xi32, #tpu.memory_space<vmem>> -> memref<1x96xi32, #tpu.memory_space<vmem>>
    %dma_start3A_8 = tpu.memref_squeeze %dma_start3A_7 : memref<1x96xi32, #tpu.memory_space<vmem>> -> memref<96xi32, #tpu.memory_space<vmem>>
    %dma_start3A_9 = arith.constant 0 : i32
    %dma_start3A_10 = arith.constant 0 : i32
    %dma_start3A_11 = tpu.memref_slice %arg2[%dma_start3A_9, %dma_start3A_10] : memref<1024x64xf32, #tpu.memory_space<hbm>> -> memref<1024x64xf32, #tpu.memory_space<hbm>>
    tpu.enqueue_indirect_dma source(%dma_start3A_11 : memref<1024x64xf32, #tpu.memory_space<hbm>>) target(%dma_start3A_5 : memref<96x64xf32, #tpu.memory_space<vmem>>) offsets(%dma_start3A_8 : memref<96xi32, #tpu.memory_space<vmem>>) semaphore(%arg7 : memref<!tpu.dma_semaphore, #tpu.memory_space<semaphore_mem>>)
    %dma_start3A_12 = arith.constant 1 : i32
    %dma_start3A_13 = arith.constant 96 : i32
    %dma_start3A_14 = arith.constant 0 : i32
    %dma_start3A_15 = tpu.memref_slice %arg6[%dma_start3A_13, %dma_start3A_14] : memref<288x64xf32, #tpu.memory_space<vmem>> -> memref<96x64xf32, #tpu.memory_space<vmem>>
    %dma_start3A_16 = arith.constant 0 : i32
    %dma_start3A_17 = tpu.memref_slice %arg5[%dma_start3A_12, %dma_start3A_16] : memref<3x96xi32, #tpu.memory_space<vmem>> -> memref<1x96xi32, #tpu.memory_space<vmem>>
    %dma_start3A_18 = tpu.memref_squeeze %dma_start3A_17 : memref<1x96xi32, #tpu.memory_space<vmem>> -> memref<96xi32, #tpu.memory_space<vmem>>
    %dma_start3A_19 = arith.constant 0 : i32
    %dma_start3A_20 = arith.constant 0 : i32
    %dma_start3A_21 = tpu.memref_slice %arg2[%dma_start3A_19, %dma_start3A_20] : memref<1024x64xf32, #tpu.memory_space<hbm>> -> memref<1024x64xf32, #tpu.memory_space<hbm>>
    tpu.enqueue_indirect_dma source(%dma_start3A_21 : memref<1024x64xf32, #tpu.memory_space<hbm>>) target(%dma_start3A_15 : memref<96x64xf32, #tpu.memory_space<vmem>>) offsets(%dma_start3A_18 : memref<96xi32, #tpu.memory_space<vmem>>) semaphore(%arg7 : memref<!tpu.dma_semaphore, #tpu.memory_space<semaphore_mem>>)
    %dma_start3A_22 = arith.constant 2 : i32
    %dma_start3A_23 = arith.constant 192 : i32
    %dma_start3A_24 = arith.constant 0 : i32
    %dma_start3A_25 = tpu.memref_slice %arg6[%dma_start3A_23, %dma_start3A_24] : memref<288x64xf32, #tpu.memory_space<vmem>> -> memref<96x64xf32, #tpu.memory_space<vmem>>
    %dma_start3A_26 = arith.constant 0 : i32
    %dma_start3A_27 = tpu.memref_slice %arg5[%dma_start3A_22, %dma_start3A_26] : memref<3x96xi32, #tpu.memory_space<vmem>> -> memref<1x96xi32, #tpu.memory_space<vmem>>
    %dma_start3A_28 = tpu.memref_squeeze %dma_start3A_27 : memref<1x96xi32, #tpu.memory_space<vmem>> -> memref<96xi32, #tpu.memory_space<vmem>>
    %dma_start3A_29 = arith.constant 0 : i32
    %dma_start3A_30 = arith.constant 0 : i32
    %dma_start3A_31 = tpu.memref_slice %arg2[%dma_start3A_29, %dma_start3A_30] : memref<1024x64xf32, #tpu.memory_space<hbm>> -> memref<1024x64xf32, #tpu.memory_space<hbm>>
    tpu.enqueue_indirect_dma source(%dma_start3A_31 : memref<1024x64xf32, #tpu.memory_space<hbm>>) target(%dma_start3A_25 : memref<96x64xf32, #tpu.memory_space<vmem>>) offsets(%dma_start3A_28 : memref<96xi32, #tpu.memory_space<vmem>>) semaphore(%arg7 : memref<!tpu.dma_semaphore, #tpu.memory_space<semaphore_mem>>)
    %dma_wait3A = arith.constant 0 : i32
    %dma_wait3A_32 = arith.constant 0 : i32
    %dma_wait3A_33 = arith.constant 0 : i32
    %dma_wait3A_34 = tpu.memref_slice %arg6[%dma_wait3A_32, %dma_wait3A_33] : memref<288x64xf32, #tpu.memory_space<vmem>> -> memref<96x64xf32, #tpu.memory_space<vmem>>
    %dma_wait3A_35 = arith.constant 0 : i32
    %dma_wait3A_36 = tpu.memref_slice %arg5[%dma_wait3A, %dma_wait3A_35] : memref<3x96xi32, #tpu.memory_space<vmem>> -> memref<1x96xi32, #tpu.memory_space<vmem>>
    %dma_wait3A_37 = tpu.memref_squeeze %dma_wait3A_36 : memref<1x96xi32, #tpu.memory_space<vmem>> -> memref<96xi32, #tpu.memory_space<vmem>>
    %dma_wait3A_38 = arith.constant 0 : i32
    %dma_wait3A_39 = arith.constant 0 : i32
    %dma_wait3A_40 = tpu.memref_slice %arg2[%dma_wait3A_38, %dma_wait3A_39] : memref<1024x64xf32, #tpu.memory_space<hbm>> -> memref<1024x64xf32, #tpu.memory_space<hbm>>
    tpu.wait_indirect_dma semaphore(%arg7 : memref<!tpu.dma_semaphore, #tpu.memory_space<semaphore_mem>>) src(%dma_wait3A_40 : memref<1024x64xf32, #tpu.memory_space<hbm>>) dst(%dma_wait3A_34 : memref<96x64xf32, #tpu.memory_space<vmem>>)
    %dma_wait3A_41 = arith.constant 1 : i32
    %dma_wait3A_42 = arith.constant 96 : i32
    %dma_wait3A_43 = arith.constant 0 : i32
    %dma_wait3A_44 = tpu.memref_slice %arg6[%dma_wait3A_42, %dma_wait3A_43] : memref<288x64xf32, #tpu.memory_space<vmem>> -> memref<96x64xf32, #tpu.memory_space<vmem>>
    %dma_wait3A_45 = arith.constant 0 : i32
    %dma_wait3A_46 = tpu.memref_slice %arg5[%dma_wait3A_41, %dma_wait3A_45] : memref<3x96xi32, #tpu.memory_space<vmem>> -> memref<1x96xi32, #tpu.memory_space<vmem>>
    %dma_wait3A_47 = tpu.memref_squeeze %dma_wait3A_46 : memref<1x96xi32, #tpu.memory_space<vmem>> -> memref<96xi32, #tpu.memory_space<vmem>>
    %dma_wait3A_48 = arith.constant 0 : i32
    %dma_wait3A_49 = arith.constant 0 : i32
    %dma_wait3A_50 = tpu.memref_slice %arg2[%dma_wait3A_48, %dma_wait3A_49] : memref<1024x64xf32, #tpu.memory_space<hbm>> -> memref<1024x64xf32, #tpu.memory_space<hbm>>
    tpu.wait_indirect_dma semaphore(%arg7 : memref<!tpu.dma_semaphore, #tpu.memory_space<semaphore_mem>>) src(%dma_wait3A_50 : memref<1024x64xf32, #tpu.memory_space<hbm>>) dst(%dma_wait3A_44 : memref<96x64xf32, #tpu.memory_space<vmem>>)
    %dma_wait3A_51 = arith.constant 2 : i32
    %dma_wait3A_52 = arith.constant 192 : i32
    %dma_wait3A_53 = arith.constant 0 : i32
    %dma_wait3A_54 = tpu.memref_slice %arg6[%dma_wait3A_52, %dma_wait3A_53] : memref<288x64xf32, #tpu.memory_space<vmem>> -> memref<96x64xf32, #tpu.memory_space<vmem>>
    %dma_wait3A_55 = arith.constant 0 : i32
    %dma_wait3A_56 = tpu.memref_slice %arg5[%dma_wait3A_51, %dma_wait3A_55] : memref<3x96xi32, #tpu.memory_space<vmem>> -> memref<1x96xi32, #tpu.memory_space<vmem>>
    %dma_wait3A_57 = tpu.memref_squeeze %dma_wait3A_56 : memref<1x96xi32, #tpu.memory_space<vmem>> -> memref<96xi32, #tpu.memory_space<vmem>>
    %dma_wait3A_58 = arith.constant 0 : i32
    %dma_wait3A_59 = arith.constant 0 : i32
    %dma_wait3A_60 = tpu.memref_slice %arg2[%dma_wait3A_58, %dma_wait3A_59] : memref<1024x64xf32, #tpu.memory_space<hbm>> -> memref<1024x64xf32, #tpu.memory_space<hbm>>
    tpu.wait_indirect_dma semaphore(%arg7 : memref<!tpu.dma_semaphore, #tpu.memory_space<semaphore_mem>>) src(%dma_wait3A_60 : memref<1024x64xf32, #tpu.memory_space<hbm>>) dst(%dma_wait3A_54 : memref<96x64xf32, #tpu.memory_space<vmem>>)
    "tpu.region"() ({
      %run_scoped3A = tpu.sem_alloc : memref<!tpu.dma_semaphore, #tpu.memory_space<semaphore_mem>>
      %dma_start3A_61 = arith.constant 0 : i32
      %dma_start3A_62 = tpu.memref_slice %arg4[%mul3A_2, %dma_start3A_61] : memref<9216x64xf32, #tpu.memory_space<hbm>> -> memref<288x64xf32, #tpu.memory_space<hbm>>
      %dma_start3A_63 = arith.constant 0 : i32
      %dma_start3A_64 = tpu.memref_slice %arg4[%mul3A_2, %dma_start3A_63] : memref<9216x64xf32, #tpu.memory_space<hbm>> -> memref<288x64xf32, #tpu.memory_space<hbm>>
      tpu.enqueue_dma source(%arg6 : memref<288x64xf32, #tpu.memory_space<vmem>>) target(%dma_start3A_64 : memref<288x64xf32, #tpu.memory_space<hbm>>) target_semaphore(%run_scoped3A : memref<!tpu.dma_semaphore, #tpu.memory_space<semaphore_mem>>)
      %dma_wait3A_65 = arith.constant 0 : i32
      %dma_wait3A_66 = tpu.memref_slice %arg4[%mul3A_2, %dma_wait3A_65] : memref<9216x64xf32, #tpu.memory_space<hbm>> -> memref<288x64xf32, #tpu.memory_space<hbm>>
      %dma_wait3A_67 = arith.constant 0 : i32
      %dma_wait3A_68 = tpu.memref_slice %arg4[%mul3A_2, %dma_wait3A_67] : memref<9216x64xf32, #tpu.memory_space<hbm>> -> memref<288x64xf32, #tpu.memory_space<hbm>>
      tpu.wait_dma2 semaphore(%run_scoped3A : memref<!tpu.dma_semaphore, #tpu.memory_space<semaphore_mem>>) src(%arg6 : memref<288x64xf32, #tpu.memory_space<vmem>>) dst(%dma_wait3A_68 : memref<288x64xf32, #tpu.memory_space<hbm>>)
      tpu.yield
    }) : () -> ()
    return
  }
}

#map = affine_map<(d0, d1) -> (0, 0)>
#map1 = affine_map<(d0, d1) -> (0, 0, 0)>
module attributes {stable_mosaic.version = 14 : i64} {
  func.func @_sc_gather_body(%arg0: i32, %arg1: i32, %arg2: memref<1024x64xf32, #tpu.memory_space<hbm>>, %arg3: memref<32x3x96xi32, #tpu.memory_space<hbm>>, %arg4: memref<9216x64xf32, #tpu.memory_space<hbm>>, %arg5: memref<3x96xi32, #tpu.memory_space<vmem>>, %arg6: memref<288x64xf32, #tpu.memory_space<vmem>>, %arg7: memref<!tpu.dma_semaphore, #tpu.memory_space<semaphore_mem>>) attributes {dimension_semantics = [#tpu.dimension_semantics<core_parallel>, #tpu.dimension_semantics<subcore_parallel>], iteration_bounds = array<i64: 2, 16>, scalar_prefetch = 0 : i64, scratch_operands = 3 : i64, tpu.core_type = #tpu.core_type<sc_vector_subcore>, window_params = [{transform_indices = #map}, {transform_indices = #map1}, {transform_indices = #map}]} {
    %mul3A = arith.constant 2 : i32
    %mul3A_0 = arith.muli %arg1, %mul3A : i32
    %add3A = arith.addi %mul3A_0, %arg0 : i32
    %mul3A_1 = arith.constant 288 : i32
    %mul3A_2 = arith.muli %add3A, %mul3A_1 : i32
    "tpu.region"() ({
      %run_scoped3A = tpu.sem_alloc : memref<!tpu.dma_semaphore, #tpu.memory_space<semaphore_mem>>
      %dma_start3A_61 = arith.constant 0 : i32
      %dma_start3A_62 = arith.constant 0 : i32
      %dma_start3A_63 = tpu.memref_slice %arg3[%add3A, %dma_start3A_61, %dma_start3A_62] : memref<32x3x96xi32, #tpu.memory_space<hbm>> -> memref<1x3x96xi32, #tpu.memory_space<hbm>>
      %dma_start3A_64 = tpu.memref_squeeze %dma_start3A_63 : memref<1x3x96xi32, #tpu.memory_space<hbm>> -> memref<3x96xi32, #tpu.memory_space<hbm>>
      %dma_start3A_65 = arith.constant 0 : i32
      %dma_start3A_66 = arith.constant 0 : i32
      %dma_start3A_67 = tpu.memref_slice %arg3[%add3A, %dma_start3A_65, %dma_start3A_66] : memref<32x3x96xi32, #tpu.memory_space<hbm>> -> memref<1x3x96xi32, #tpu.memory_space<hbm>>
      %dma_start3A_68 = tpu.memref_squeeze %dma_start3A_67 : memref<1x3x96xi32, #tpu.memory_space<hbm>> -> memref<3x96xi32, #tpu.memory_space<hbm>>
      tpu.enqueue_dma source(%dma_start3A_68 : memref<3x96xi32, #tpu.memory_space<hbm>>) target(%arg5 : memref<3x96xi32, #tpu.memory_space<vmem>>) target_semaphore(%run_scoped3A : memref<!tpu.dma_semaphore, #tpu.memory_space<semaphore_mem>>)
      %dma_wait3A_69 = arith.constant 0 : i32
      %dma_wait3A_70 = arith.constant 0 : i32
      %dma_wait3A_71 = tpu.memref_slice %arg3[%add3A, %dma_wait3A_69, %dma_wait3A_70] : memref<32x3x96xi32, #tpu.memory_space<hbm>> -> memref<1x3x96xi32, #tpu.memory_space<hbm>>
      %dma_wait3A_72 = tpu.memref_squeeze %dma_wait3A_71 : memref<1x3x96xi32, #tpu.memory_space<hbm>> -> memref<3x96xi32, #tpu.memory_space<hbm>>
      %dma_wait3A_73 = arith.constant 0 : i32
      %dma_wait3A_74 = arith.constant 0 : i32
      %dma_wait3A_75 = tpu.memref_slice %arg3[%add3A, %dma_wait3A_73, %dma_wait3A_74] : memref<32x3x96xi32, #tpu.memory_space<hbm>> -> memref<1x3x96xi32, #tpu.memory_space<hbm>>
      %dma_wait3A_76 = tpu.memref_squeeze %dma_wait3A_75 : memref<1x3x96xi32, #tpu.memory_space<hbm>> -> memref<3x96xi32, #tpu.memory_space<hbm>>
      tpu.wait_dma2 semaphore(%run_scoped3A : memref<!tpu.dma_semaphore, #tpu.memory_space<semaphore_mem>>) src(%dma_wait3A_76 : memref<3x96xi32, #tpu.memory_space<hbm>>) dst(%arg5 : memref<3x96xi32, #tpu.memory_space<vmem>>)
      tpu.yield
    }) : () -> ()
    %dma_start3A = arith.constant 0 : i32
    %dma_start3A_3 = arith.constant 0 : i32
    %dma_start3A_4 = arith.constant 0 : i32
    %dma_start3A_5 = tpu.memref_slice %arg6[%dma_start3A_3, %dma_start3A_4] : memref<288x64xf32, #tpu.memory_space<vmem>> -> memref<96x64xf32, #tpu.memory_space<vmem>>
    %dma_start3A_6 = arith.constant 0 : i32
    %dma_start3A_7 = tpu.memref_slice %arg5[%dma_start3A, %dma_start3A_6] : memref<3x96xi32, #tpu.memory_space<vmem>> -> memref<1x96xi32, #tpu.memory_space<vmem>>
    %dma_start3A_8 = tpu.memref_squeeze %dma_start3A_7 : memref<1x96xi32, #tpu.memory_space<vmem>> -> memref<96xi32, #tpu.memory_space<vmem>>
    %dma_start3A_9 = arith.constant 0 : i32
    %dma_start3A_10 = arith.constant 0 : i32
    %dma_start3A_11 = tpu.memref_slice %arg2[%dma_start3A_9, %dma_start3A_10] : memref<1024x64xf32, #tpu.memory_space<hbm>> -> memref<1024x64xf32, #tpu.memory_space<hbm>>
    tpu.enqueue_indirect_dma source(%dma_start3A_11 : memref<1024x64xf32, #tpu.memory_space<hbm>>) target(%dma_start3A_5 : memref<96x64xf32, #tpu.memory_space<vmem>>) offsets(%dma_start3A_8 : memref<96xi32, #tpu.memory_space<vmem>>) semaphore(%arg7 : memref<!tpu.dma_semaphore, #tpu.memory_space<semaphore_mem>>)
    %dma_start3A_12 = arith.constant 1 : i32
    %dma_start3A_13 = arith.constant 96 : i32
    %dma_start3A_14 = arith.constant 0 : i32
    %dma_start3A_15 = tpu.memref_slice %arg6[%dma_start3A_13, %dma_start3A_14] : memref<288x64xf32, #tpu.memory_space<vmem>> -> memref<96x64xf32, #tpu.memory_space<vmem>>
    %dma_start3A_16 = arith.constant 0 : i32
    %dma_start3A_17 = tpu.memref_slice %arg5[%dma_start3A_12, %dma_start3A_16] : memref<3x96xi32, #tpu.memory_space<vmem>> -> memref<1x96xi32, #tpu.memory_space<vmem>>
    %dma_start3A_18 = tpu.memref_squeeze %dma_start3A_17 : memref<1x96xi32, #tpu.memory_space<vmem>> -> memref<96xi32, #tpu.memory_space<vmem>>
    %dma_start3A_19 = arith.constant 0 : i32
    %dma_start3A_20 = arith.constant 0 : i32
    %dma_start3A_21 = tpu.memref_slice %arg2[%dma_start3A_19, %dma_start3A_20] : memref<1024x64xf32, #tpu.memory_space<hbm>> -> memref<1024x64xf32, #tpu.memory_space<hbm>>
    tpu.enqueue_indirect_dma source(%dma_start3A_21 : memref<1024x64xf32, #tpu.memory_space<hbm>>) target(%dma_start3A_15 : memref<96x64xf32, #tpu.memory_space<vmem>>) offsets(%dma_start3A_18 : memref<96xi32, #tpu.memory_space<vmem>>) semaphore(%arg7 : memref<!tpu.dma_semaphore, #tpu.memory_space<semaphore_mem>>)
    %dma_start3A_22 = arith.constant 2 : i32
    %dma_start3A_23 = arith.constant 192 : i32
    %dma_start3A_24 = arith.constant 0 : i32
    %dma_start3A_25 = tpu.memref_slice %arg6[%dma_start3A_23, %dma_start3A_24] : memref<288x64xf32, #tpu.memory_space<vmem>> -> memref<96x64xf32, #tpu.memory_space<vmem>>
    %dma_start3A_26 = arith.constant 0 : i32
    %dma_start3A_27 = tpu.memref_slice %arg5[%dma_start3A_22, %dma_start3A_26] : memref<3x96xi32, #tpu.memory_space<vmem>> -> memref<1x96xi32, #tpu.memory_space<vmem>>
    %dma_start3A_28 = tpu.memref_squeeze %dma_start3A_27 : memref<1x96xi32, #tpu.memory_space<vmem>> -> memref<96xi32, #tpu.memory_space<vmem>>
    %dma_start3A_29 = arith.constant 0 : i32
    %dma_start3A_30 = arith.constant 0 : i32
    %dma_start3A_31 = tpu.memref_slice %arg2[%dma_start3A_29, %dma_start3A_30] : memref<1024x64xf32, #tpu.memory_space<hbm>> -> memref<1024x64xf32, #tpu.memory_space<hbm>>
    tpu.enqueue_indirect_dma source(%dma_start3A_31 : memref<1024x64xf32, #tpu.memory_space<hbm>>) target(%dma_start3A_25 : memref<96x64xf32, #tpu.memory_space<vmem>>) offsets(%dma_start3A_28 : memref<96xi32, #tpu.memory_space<vmem>>) semaphore(%arg7 : memref<!tpu.dma_semaphore, #tpu.memory_space<semaphore_mem>>)
    %dma_wait3A = arith.constant 0 : i32
    %dma_wait3A_32 = arith.constant 0 : i32
    %dma_wait3A_33 = arith.constant 0 : i32
    %dma_wait3A_34 = tpu.memref_slice %arg6[%dma_wait3A_32, %dma_wait3A_33] : memref<288x64xf32, #tpu.memory_space<vmem>> -> memref<96x64xf32, #tpu.memory_space<vmem>>
    %dma_wait3A_35 = arith.constant 0 : i32
    %dma_wait3A_36 = tpu.memref_slice %arg5[%dma_wait3A, %dma_wait3A_35] : memref<3x96xi32, #tpu.memory_space<vmem>> -> memref<1x96xi32, #tpu.memory_space<vmem>>
    %dma_wait3A_37 = tpu.memref_squeeze %dma_wait3A_36 : memref<1x96xi32, #tpu.memory_space<vmem>> -> memref<96xi32, #tpu.memory_space<vmem>>
    %dma_wait3A_38 = arith.constant 0 : i32
    %dma_wait3A_39 = arith.constant 0 : i32
    %dma_wait3A_40 = tpu.memref_slice %arg2[%dma_wait3A_38, %dma_wait3A_39] : memref<1024x64xf32, #tpu.memory_space<hbm>> -> memref<1024x64xf32, #tpu.memory_space<hbm>>
    tpu.wait_indirect_dma semaphore(%arg7 : memref<!tpu.dma_semaphore, #tpu.memory_space<semaphore_mem>>) src(%dma_wait3A_40 : memref<1024x64xf32, #tpu.memory_space<hbm>>) dst(%dma_wait3A_34 : memref<96x64xf32, #tpu.memory_space<vmem>>)
    %dma_wait3A_41 = arith.constant 1 : i32
    %dma_wait3A_42 = arith.constant 96 : i32
    %dma_wait3A_43 = arith.constant 0 : i32
    %dma_wait3A_44 = tpu.memref_slice %arg6[%dma_wait3A_42, %dma_wait3A_43] : memref<288x64xf32, #tpu.memory_space<vmem>> -> memref<96x64xf32, #tpu.memory_space<vmem>>
    %dma_wait3A_45 = arith.constant 0 : i32
    %dma_wait3A_46 = tpu.memref_slice %arg5[%dma_wait3A_41, %dma_wait3A_45] : memref<3x96xi32, #tpu.memory_space<vmem>> -> memref<1x96xi32, #tpu.memory_space<vmem>>
    %dma_wait3A_47 = tpu.memref_squeeze %dma_wait3A_46 : memref<1x96xi32, #tpu.memory_space<vmem>> -> memref<96xi32, #tpu.memory_space<vmem>>
    %dma_wait3A_48 = arith.constant 0 : i32
    %dma_wait3A_49 = arith.constant 0 : i32
    %dma_wait3A_50 = tpu.memref_slice %arg2[%dma_wait3A_48, %dma_wait3A_49] : memref<1024x64xf32, #tpu.memory_space<hbm>> -> memref<1024x64xf32, #tpu.memory_space<hbm>>
    tpu.wait_indirect_dma semaphore(%arg7 : memref<!tpu.dma_semaphore, #tpu.memory_space<semaphore_mem>>) src(%dma_wait3A_50 : memref<1024x64xf32, #tpu.memory_space<hbm>>) dst(%dma_wait3A_44 : memref<96x64xf32, #tpu.memory_space<vmem>>)
    %dma_wait3A_51 = arith.constant 2 : i32
    %dma_wait3A_52 = arith.constant 192 : i32
    %dma_wait3A_53 = arith.constant 0 : i32
    %dma_wait3A_54 = tpu.memref_slice %arg6[%dma_wait3A_52, %dma_wait3A_53] : memref<288x64xf32, #tpu.memory_space<vmem>> -> memref<96x64xf32, #tpu.memory_space<vmem>>
    %dma_wait3A_55 = arith.constant 0 : i32
    %dma_wait3A_56 = tpu.memref_slice %arg5[%dma_wait3A_51, %dma_wait3A_55] : memref<3x96xi32, #tpu.memory_space<vmem>> -> memref<1x96xi32, #tpu.memory_space<vmem>>
    %dma_wait3A_57 = tpu.memref_squeeze %dma_wait3A_56 : memref<1x96xi32, #tpu.memory_space<vmem>> -> memref<96xi32, #tpu.memory_space<vmem>>
    %dma_wait3A_58 = arith.constant 0 : i32
    %dma_wait3A_59 = arith.constant 0 : i32
    %dma_wait3A_60 = tpu.memref_slice %arg2[%dma_wait3A_58, %dma_wait3A_59] : memref<1024x64xf32, #tpu.memory_space<hbm>> -> memref<1024x64xf32, #tpu.memory_space<hbm>>
    tpu.wait_indirect_dma semaphore(%arg7 : memref<!tpu.dma_semaphore, #tpu.memory_space<semaphore_mem>>) src(%dma_wait3A_60 : memref<1024x64xf32, #tpu.memory_space<hbm>>) dst(%dma_wait3A_54 : memref<96x64xf32, #tpu.memory_space<vmem>>)
    "tpu.region"() ({
      %run_scoped3A = tpu.sem_alloc : memref<!tpu.dma_semaphore, #tpu.memory_space<semaphore_mem>>
      %dma_start3A_61 = arith.constant 0 : i32
      %dma_start3A_62 = tpu.memref_slice %arg4[%mul3A_2, %dma_start3A_61] : memref<9216x64xf32, #tpu.memory_space<hbm>> -> memref<288x64xf32, #tpu.memory_space<hbm>>
      %dma_start3A_63 = arith.constant 0 : i32
      %dma_start3A_64 = tpu.memref_slice %arg4[%mul3A_2, %dma_start3A_63] : memref<9216x64xf32, #tpu.memory_space<hbm>> -> memref<288x64xf32, #tpu.memory_space<hbm>>
      tpu.enqueue_dma source(%arg6 : memref<288x64xf32, #tpu.memory_space<vmem>>) target(%dma_start3A_64 : memref<288x64xf32, #tpu.memory_space<hbm>>) target_semaphore(%run_scoped3A : memref<!tpu.dma_semaphore, #tpu.memory_space<semaphore_mem>>)
      %dma_wait3A_65 = arith.constant 0 : i32
      %dma_wait3A_66 = tpu.memref_slice %arg4[%mul3A_2, %dma_wait3A_65] : memref<9216x64xf32, #tpu.memory_space<hbm>> -> memref<288x64xf32, #tpu.memory_space<hbm>>
      %dma_wait3A_67 = arith.constant 0 : i32
      %dma_wait3A_68 = tpu.memref_slice %arg4[%mul3A_2, %dma_wait3A_67] : memref<9216x64xf32, #tpu.memory_space<hbm>> -> memref<288x64xf32, #tpu.memory_space<hbm>>
      tpu.wait_dma2 semaphore(%run_scoped3A : memref<!tpu.dma_semaphore, #tpu.memory_space<semaphore_mem>>) src(%arg6 : memref<288x64xf32, #tpu.memory_space<vmem>>) dst(%dma_wait3A_68 : memref<288x64xf32, #tpu.memory_space<hbm>>)
      tpu.yield
    }) : () -> ()
    return
  }
}

#map = affine_map<(d0, d1) -> (0, 0)>
#map1 = affine_map<(d0, d1) -> (0, 0, 0)>
module attributes {stable_mosaic.version = 14 : i64} {
  func.func @_sc_gather_add_body(%arg0: i32, %arg1: i32, %arg2: memref<1024x64xf32, #tpu.memory_space<hbm>>, %arg3: memref<32x3x96xi32, #tpu.memory_space<hbm>>, %arg4: memref<9216x64xf32, #tpu.memory_space<hbm>>, %arg5: memref<9216x64xf32, #tpu.memory_space<hbm>>, %arg6: memref<3x96xi32, #tpu.memory_space<vmem>>, %arg7: memref<288x64xf32, #tpu.memory_space<vmem>>, %arg8: memref<!tpu.dma_semaphore, #tpu.memory_space<semaphore_mem>>) attributes {dimension_semantics = [#tpu.dimension_semantics<core_parallel>, #tpu.dimension_semantics<subcore_parallel>], iteration_bounds = array<i64: 2, 16>, scalar_prefetch = 0 : i64, scratch_operands = 3 : i64, tpu.core_type = #tpu.core_type<sc_vector_subcore>, window_params = [{transform_indices = #map}, {transform_indices = #map1}, {transform_indices = #map}, {transform_indices = #map}]} {
    %mul3A = arith.constant 2 : i32
    %mul3A_0 = arith.muli %arg1, %mul3A : i32
    %add3A = arith.addi %mul3A_0, %arg0 : i32
    %mul3A_1 = arith.constant 288 : i32
    %mul3A_2 = arith.muli %add3A, %mul3A_1 : i32
    "tpu.region"() ({
      %run_scoped3A = tpu.sem_alloc : memref<!tpu.dma_semaphore, #tpu.memory_space<semaphore_mem>>
      %dma_start3A_61 = arith.constant 0 : i32
      %dma_start3A_62 = arith.constant 0 : i32
      %dma_start3A_63 = tpu.memref_slice %arg3[%add3A, %dma_start3A_61, %dma_start3A_62] : memref<32x3x96xi32, #tpu.memory_space<hbm>> -> memref<1x3x96xi32, #tpu.memory_space<hbm>>
      %dma_start3A_64 = tpu.memref_squeeze %dma_start3A_63 : memref<1x3x96xi32, #tpu.memory_space<hbm>> -> memref<3x96xi32, #tpu.memory_space<hbm>>
      %dma_start3A_65 = arith.constant 0 : i32
      %dma_start3A_66 = arith.constant 0 : i32
      %dma_start3A_67 = tpu.memref_slice %arg3[%add3A, %dma_start3A_65, %dma_start3A_66] : memref<32x3x96xi32, #tpu.memory_space<hbm>> -> memref<1x3x96xi32, #tpu.memory_space<hbm>>
      %dma_start3A_68 = tpu.memref_squeeze %dma_start3A_67 : memref<1x3x96xi32, #tpu.memory_space<hbm>> -> memref<3x96xi32, #tpu.memory_space<hbm>>
      tpu.enqueue_dma source(%dma_start3A_68 : memref<3x96xi32, #tpu.memory_space<hbm>>) target(%arg6 : memref<3x96xi32, #tpu.memory_space<vmem>>) target_semaphore(%run_scoped3A : memref<!tpu.dma_semaphore, #tpu.memory_space<semaphore_mem>>)
      %dma_wait3A_69 = arith.constant 0 : i32
      %dma_wait3A_70 = arith.constant 0 : i32
      %dma_wait3A_71 = tpu.memref_slice %arg3[%add3A, %dma_wait3A_69, %dma_wait3A_70] : memref<32x3x96xi32, #tpu.memory_space<hbm>> -> memref<1x3x96xi32, #tpu.memory_space<hbm>>
      %dma_wait3A_72 = tpu.memref_squeeze %dma_wait3A_71 : memref<1x3x96xi32, #tpu.memory_space<hbm>> -> memref<3x96xi32, #tpu.memory_space<hbm>>
      %dma_wait3A_73 = arith.constant 0 : i32
      %dma_wait3A_74 = arith.constant 0 : i32
      %dma_wait3A_75 = tpu.memref_slice %arg3[%add3A, %dma_wait3A_73, %dma_wait3A_74] : memref<32x3x96xi32, #tpu.memory_space<hbm>> -> memref<1x3x96xi32, #tpu.memory_space<hbm>>
      %dma_wait3A_76 = tpu.memref_squeeze %dma_wait3A_75 : memref<1x3x96xi32, #tpu.memory_space<hbm>> -> memref<3x96xi32, #tpu.memory_space<hbm>>
      tpu.wait_dma2 semaphore(%run_scoped3A : memref<!tpu.dma_semaphore, #tpu.memory_space<semaphore_mem>>) src(%dma_wait3A_76 : memref<3x96xi32, #tpu.memory_space<hbm>>) dst(%arg6 : memref<3x96xi32, #tpu.memory_space<vmem>>)
      tpu.yield
    }) : () -> ()
    "tpu.region"() ({
      %run_scoped3A = tpu.sem_alloc : memref<!tpu.dma_semaphore, #tpu.memory_space<semaphore_mem>>
      %dma_start3A_61 = arith.constant 0 : i32
      %dma_start3A_62 = tpu.memref_slice %arg4[%mul3A_2, %dma_start3A_61] : memref<9216x64xf32, #tpu.memory_space<hbm>> -> memref<288x64xf32, #tpu.memory_space<hbm>>
      %dma_start3A_63 = arith.constant 0 : i32
      %dma_start3A_64 = tpu.memref_slice %arg4[%mul3A_2, %dma_start3A_63] : memref<9216x64xf32, #tpu.memory_space<hbm>> -> memref<288x64xf32, #tpu.memory_space<hbm>>
      tpu.enqueue_dma source(%dma_start3A_64 : memref<288x64xf32, #tpu.memory_space<hbm>>) target(%arg7 : memref<288x64xf32, #tpu.memory_space<vmem>>) target_semaphore(%run_scoped3A : memref<!tpu.dma_semaphore, #tpu.memory_space<semaphore_mem>>)
      %dma_wait3A_65 = arith.constant 0 : i32
      %dma_wait3A_66 = tpu.memref_slice %arg4[%mul3A_2, %dma_wait3A_65] : memref<9216x64xf32, #tpu.memory_space<hbm>> -> memref<288x64xf32, #tpu.memory_space<hbm>>
      %dma_wait3A_67 = arith.constant 0 : i32
      %dma_wait3A_68 = tpu.memref_slice %arg4[%mul3A_2, %dma_wait3A_67] : memref<9216x64xf32, #tpu.memory_space<hbm>> -> memref<288x64xf32, #tpu.memory_space<hbm>>
      tpu.wait_dma2 semaphore(%run_scoped3A : memref<!tpu.dma_semaphore, #tpu.memory_space<semaphore_mem>>) src(%dma_wait3A_68 : memref<288x64xf32, #tpu.memory_space<hbm>>) dst(%arg7 : memref<288x64xf32, #tpu.memory_space<vmem>>)
      tpu.yield
    }) : () -> ()
    %dma_start3A = arith.constant 0 : i32
    %dma_start3A_3 = arith.constant 0 : i32
    %dma_start3A_4 = arith.constant 0 : i32
    %dma_start3A_5 = tpu.memref_slice %arg7[%dma_start3A_3, %dma_start3A_4] : memref<288x64xf32, #tpu.memory_space<vmem>> -> memref<96x64xf32, #tpu.memory_space<vmem>>
    %dma_start3A_6 = arith.constant 0 : i32
    %dma_start3A_7 = tpu.memref_slice %arg6[%dma_start3A, %dma_start3A_6] : memref<3x96xi32, #tpu.memory_space<vmem>> -> memref<1x96xi32, #tpu.memory_space<vmem>>
    %dma_start3A_8 = tpu.memref_squeeze %dma_start3A_7 : memref<1x96xi32, #tpu.memory_space<vmem>> -> memref<96xi32, #tpu.memory_space<vmem>>
    %dma_start3A_9 = arith.constant 0 : i32
    %dma_start3A_10 = arith.constant 0 : i32
    %dma_start3A_11 = tpu.memref_slice %arg2[%dma_start3A_9, %dma_start3A_10] : memref<1024x64xf32, #tpu.memory_space<hbm>> -> memref<1024x64xf32, #tpu.memory_space<hbm>>
    tpu.enqueue_indirect_dma source(%dma_start3A_11 : memref<1024x64xf32, #tpu.memory_space<hbm>>) target(%dma_start3A_5 : memref<96x64xf32, #tpu.memory_space<vmem>>) offsets(%dma_start3A_8 : memref<96xi32, #tpu.memory_space<vmem>>) semaphore(%arg8 : memref<!tpu.dma_semaphore, #tpu.memory_space<semaphore_mem>>) {add = true}
    %dma_start3A_12 = arith.constant 1 : i32
    %dma_start3A_13 = arith.constant 96 : i32
    %dma_start3A_14 = arith.constant 0 : i32
    %dma_start3A_15 = tpu.memref_slice %arg7[%dma_start3A_13, %dma_start3A_14] : memref<288x64xf32, #tpu.memory_space<vmem>> -> memref<96x64xf32, #tpu.memory_space<vmem>>
    %dma_start3A_16 = arith.constant 0 : i32
    %dma_start3A_17 = tpu.memref_slice %arg6[%dma_start3A_12, %dma_start3A_16] : memref<3x96xi32, #tpu.memory_space<vmem>> -> memref<1x96xi32, #tpu.memory_space<vmem>>
    %dma_start3A_18 = tpu.memref_squeeze %dma_start3A_17 : memref<1x96xi32, #tpu.memory_space<vmem>> -> memref<96xi32, #tpu.memory_space<vmem>>
    %dma_start3A_19 = arith.constant 0 : i32
    %dma_start3A_20 = arith.constant 0 : i32
    %dma_start3A_21 = tpu.memref_slice %arg2[%dma_start3A_19, %dma_start3A_20] : memref<1024x64xf32, #tpu.memory_space<hbm>> -> memref<1024x64xf32, #tpu.memory_space<hbm>>
    tpu.enqueue_indirect_dma source(%dma_start3A_21 : memref<1024x64xf32, #tpu.memory_space<hbm>>) target(%dma_start3A_15 : memref<96x64xf32, #tpu.memory_space<vmem>>) offsets(%dma_start3A_18 : memref<96xi32, #tpu.memory_space<vmem>>) semaphore(%arg8 : memref<!tpu.dma_semaphore, #tpu.memory_space<semaphore_mem>>) {add = true}
    %dma_start3A_22 = arith.constant 2 : i32
    %dma_start3A_23 = arith.constant 192 : i32
    %dma_start3A_24 = arith.constant 0 : i32
    %dma_start3A_25 = tpu.memref_slice %arg7[%dma_start3A_23, %dma_start3A_24] : memref<288x64xf32, #tpu.memory_space<vmem>> -> memref<96x64xf32, #tpu.memory_space<vmem>>
    %dma_start3A_26 = arith.constant 0 : i32
    %dma_start3A_27 = tpu.memref_slice %arg6[%dma_start3A_22, %dma_start3A_26] : memref<3x96xi32, #tpu.memory_space<vmem>> -> memref<1x96xi32, #tpu.memory_space<vmem>>
    %dma_start3A_28 = tpu.memref_squeeze %dma_start3A_27 : memref<1x96xi32, #tpu.memory_space<vmem>> -> memref<96xi32, #tpu.memory_space<vmem>>
    %dma_start3A_29 = arith.constant 0 : i32
    %dma_start3A_30 = arith.constant 0 : i32
    %dma_start3A_31 = tpu.memref_slice %arg2[%dma_start3A_29, %dma_start3A_30] : memref<1024x64xf32, #tpu.memory_space<hbm>> -> memref<1024x64xf32, #tpu.memory_space<hbm>>
    tpu.enqueue_indirect_dma source(%dma_start3A_31 : memref<1024x64xf32, #tpu.memory_space<hbm>>) target(%dma_start3A_25 : memref<96x64xf32, #tpu.memory_space<vmem>>) offsets(%dma_start3A_28 : memref<96xi32, #tpu.memory_space<vmem>>) semaphore(%arg8 : memref<!tpu.dma_semaphore, #tpu.memory_space<semaphore_mem>>) {add = true}
    %dma_wait3A = arith.constant 0 : i32
    %dma_wait3A_32 = arith.constant 0 : i32
    %dma_wait3A_33 = arith.constant 0 : i32
    %dma_wait3A_34 = tpu.memref_slice %arg7[%dma_wait3A_32, %dma_wait3A_33] : memref<288x64xf32, #tpu.memory_space<vmem>> -> memref<96x64xf32, #tpu.memory_space<vmem>>
    %dma_wait3A_35 = arith.constant 0 : i32
    %dma_wait3A_36 = tpu.memref_slice %arg6[%dma_wait3A, %dma_wait3A_35] : memref<3x96xi32, #tpu.memory_space<vmem>> -> memref<1x96xi32, #tpu.memory_space<vmem>>
    %dma_wait3A_37 = tpu.memref_squeeze %dma_wait3A_36 : memref<1x96xi32, #tpu.memory_space<vmem>> -> memref<96xi32, #tpu.memory_space<vmem>>
    %dma_wait3A_38 = arith.constant 0 : i32
    %dma_wait3A_39 = arith.constant 0 : i32
    %dma_wait3A_40 = tpu.memref_slice %arg2[%dma_wait3A_38, %dma_wait3A_39] : memref<1024x64xf32, #tpu.memory_space<hbm>> -> memref<1024x64xf32, #tpu.memory_space<hbm>>
    tpu.wait_indirect_dma semaphore(%arg8 : memref<!tpu.dma_semaphore, #tpu.memory_space<semaphore_mem>>) src(%dma_wait3A_40 : memref<1024x64xf32, #tpu.memory_space<hbm>>) dst(%dma_wait3A_34 : memref<96x64xf32, #tpu.memory_space<vmem>>)
    %dma_wait3A_41 = arith.constant 1 : i32
    %dma_wait3A_42 = arith.constant 96 : i32
    %dma_wait3A_43 = arith.constant 0 : i32
    %dma_wait3A_44 = tpu.memref_slice %arg7[%dma_wait3A_42, %dma_wait3A_43] : memref<288x64xf32, #tpu.memory_space<vmem>> -> memref<96x64xf32, #tpu.memory_space<vmem>>
    %dma_wait3A_45 = arith.constant 0 : i32
    %dma_wait3A_46 = tpu.memref_slice %arg6[%dma_wait3A_41, %dma_wait3A_45] : memref<3x96xi32, #tpu.memory_space<vmem>> -> memref<1x96xi32, #tpu.memory_space<vmem>>
    %dma_wait3A_47 = tpu.memref_squeeze %dma_wait3A_46 : memref<1x96xi32, #tpu.memory_space<vmem>> -> memref<96xi32, #tpu.memory_space<vmem>>
    %dma_wait3A_48 = arith.constant 0 : i32
    %dma_wait3A_49 = arith.constant 0 : i32
    %dma_wait3A_50 = tpu.memref_slice %arg2[%dma_wait3A_48, %dma_wait3A_49] : memref<1024x64xf32, #tpu.memory_space<hbm>> -> memref<1024x64xf32, #tpu.memory_space<hbm>>
    tpu.wait_indirect_dma semaphore(%arg8 : memref<!tpu.dma_semaphore, #tpu.memory_space<semaphore_mem>>) src(%dma_wait3A_50 : memref<1024x64xf32, #tpu.memory_space<hbm>>) dst(%dma_wait3A_44 : memref<96x64xf32, #tpu.memory_space<vmem>>)
    %dma_wait3A_51 = arith.constant 2 : i32
    %dma_wait3A_52 = arith.constant 192 : i32
    %dma_wait3A_53 = arith.constant 0 : i32
    %dma_wait3A_54 = tpu.memref_slice %arg7[%dma_wait3A_52, %dma_wait3A_53] : memref<288x64xf32, #tpu.memory_space<vmem>> -> memref<96x64xf32, #tpu.memory_space<vmem>>
    %dma_wait3A_55 = arith.constant 0 : i32
    %dma_wait3A_56 = tpu.memref_slice %arg6[%dma_wait3A_51, %dma_wait3A_55] : memref<3x96xi32, #tpu.memory_space<vmem>> -> memref<1x96xi32, #tpu.memory_space<vmem>>
    %dma_wait3A_57 = tpu.memref_squeeze %dma_wait3A_56 : memref<1x96xi32, #tpu.memory_space<vmem>> -> memref<96xi32, #tpu.memory_space<vmem>>
    %dma_wait3A_58 = arith.constant 0 : i32
    %dma_wait3A_59 = arith.constant 0 : i32
    %dma_wait3A_60 = tpu.memref_slice %arg2[%dma_wait3A_58, %dma_wait3A_59] : memref<1024x64xf32, #tpu.memory_space<hbm>> -> memref<1024x64xf32, #tpu.memory_space<hbm>>
    tpu.wait_indirect_dma semaphore(%arg8 : memref<!tpu.dma_semaphore, #tpu.memory_space<semaphore_mem>>) src(%dma_wait3A_60 : memref<1024x64xf32, #tpu.memory_space<hbm>>) dst(%dma_wait3A_54 : memref<96x64xf32, #tpu.memory_space<vmem>>)
    "tpu.region"() ({
      %run_scoped3A = tpu.sem_alloc : memref<!tpu.dma_semaphore, #tpu.memory_space<semaphore_mem>>
      %dma_start3A_61 = arith.constant 0 : i32
      %dma_start3A_62 = tpu.memref_slice %arg5[%mul3A_2, %dma_start3A_61] : memref<9216x64xf32, #tpu.memory_space<hbm>> -> memref<288x64xf32, #tpu.memory_space<hbm>>
      %dma_start3A_63 = arith.constant 0 : i32
      %dma_start3A_64 = tpu.memref_slice %arg5[%mul3A_2, %dma_start3A_63] : memref<9216x64xf32, #tpu.memory_space<hbm>> -> memref<288x64xf32, #tpu.memory_space<hbm>>
      tpu.enqueue_dma source(%arg7 : memref<288x64xf32, #tpu.memory_space<vmem>>) target(%dma_start3A_64 : memref<288x64xf32, #tpu.memory_space<hbm>>) target_semaphore(%run_scoped3A : memref<!tpu.dma_semaphore, #tpu.memory_space<semaphore_mem>>)
      %dma_wait3A_65 = arith.constant 0 : i32
      %dma_wait3A_66 = tpu.memref_slice %arg5[%mul3A_2, %dma_wait3A_65] : memref<9216x64xf32, #tpu.memory_space<hbm>> -> memref<288x64xf32, #tpu.memory_space<hbm>>
      %dma_wait3A_67 = arith.constant 0 : i32
      %dma_wait3A_68 = tpu.memref_slice %arg5[%mul3A_2, %dma_wait3A_67] : memref<9216x64xf32, #tpu.memory_space<hbm>> -> memref<288x64xf32, #tpu.memory_space<hbm>>
      tpu.wait_dma2 semaphore(%run_scoped3A : memref<!tpu.dma_semaphore, #tpu.memory_space<semaphore_mem>>) src(%arg7 : memref<288x64xf32, #tpu.memory_space<vmem>>) dst(%dma_wait3A_68 : memref<288x64xf32, #tpu.memory_space<hbm>>)
      tpu.yield
    }) : () -> ()
    return
  }
}

#map = affine_map<(d0, d1) -> (0, 0)>
#map1 = affine_map<(d0, d1) -> (0, 0, 0)>
module attributes {stable_mosaic.version = 14 : i64} {
  func.func @_sc_gather_add_body(%arg0: i32, %arg1: i32, %arg2: memref<1024x64xf32, #tpu.memory_space<hbm>>, %arg3: memref<32x3x96xi32, #tpu.memory_space<hbm>>, %arg4: memref<9216x64xf32, #tpu.memory_space<hbm>>, %arg5: memref<9216x64xf32, #tpu.memory_space<hbm>>, %arg6: memref<3x96xi32, #tpu.memory_space<vmem>>, %arg7: memref<288x64xf32, #tpu.memory_space<vmem>>, %arg8: memref<!tpu.dma_semaphore, #tpu.memory_space<semaphore_mem>>) attributes {dimension_semantics = [#tpu.dimension_semantics<core_parallel>, #tpu.dimension_semantics<subcore_parallel>], iteration_bounds = array<i64: 2, 16>, scalar_prefetch = 0 : i64, scratch_operands = 3 : i64, tpu.core_type = #tpu.core_type<sc_vector_subcore>, window_params = [{transform_indices = #map}, {transform_indices = #map1}, {transform_indices = #map}, {transform_indices = #map}]} {
    %mul3A = arith.constant 2 : i32
    %mul3A_0 = arith.muli %arg1, %mul3A : i32
    %add3A = arith.addi %mul3A_0, %arg0 : i32
    %mul3A_1 = arith.constant 288 : i32
    %mul3A_2 = arith.muli %add3A, %mul3A_1 : i32
    "tpu.region"() ({
      %run_scoped3A = tpu.sem_alloc : memref<!tpu.dma_semaphore, #tpu.memory_space<semaphore_mem>>
      %dma_start3A_61 = arith.constant 0 : i32
      %dma_start3A_62 = arith.constant 0 : i32
      %dma_start3A_63 = tpu.memref_slice %arg3[%add3A, %dma_start3A_61, %dma_start3A_62] : memref<32x3x96xi32, #tpu.memory_space<hbm>> -> memref<1x3x96xi32, #tpu.memory_space<hbm>>
      %dma_start3A_64 = tpu.memref_squeeze %dma_start3A_63 : memref<1x3x96xi32, #tpu.memory_space<hbm>> -> memref<3x96xi32, #tpu.memory_space<hbm>>
      %dma_start3A_65 = arith.constant 0 : i32
      %dma_start3A_66 = arith.constant 0 : i32
      %dma_start3A_67 = tpu.memref_slice %arg3[%add3A, %dma_start3A_65, %dma_start3A_66] : memref<32x3x96xi32, #tpu.memory_space<hbm>> -> memref<1x3x96xi32, #tpu.memory_space<hbm>>
      %dma_start3A_68 = tpu.memref_squeeze %dma_start3A_67 : memref<1x3x96xi32, #tpu.memory_space<hbm>> -> memref<3x96xi32, #tpu.memory_space<hbm>>
      tpu.enqueue_dma source(%dma_start3A_68 : memref<3x96xi32, #tpu.memory_space<hbm>>) target(%arg6 : memref<3x96xi32, #tpu.memory_space<vmem>>) target_semaphore(%run_scoped3A : memref<!tpu.dma_semaphore, #tpu.memory_space<semaphore_mem>>)
      %dma_wait3A_69 = arith.constant 0 : i32
      %dma_wait3A_70 = arith.constant 0 : i32
      %dma_wait3A_71 = tpu.memref_slice %arg3[%add3A, %dma_wait3A_69, %dma_wait3A_70] : memref<32x3x96xi32, #tpu.memory_space<hbm>> -> memref<1x3x96xi32, #tpu.memory_space<hbm>>
      %dma_wait3A_72 = tpu.memref_squeeze %dma_wait3A_71 : memref<1x3x96xi32, #tpu.memory_space<hbm>> -> memref<3x96xi32, #tpu.memory_space<hbm>>
      %dma_wait3A_73 = arith.constant 0 : i32
      %dma_wait3A_74 = arith.constant 0 : i32
      %dma_wait3A_75 = tpu.memref_slice %arg3[%add3A, %dma_wait3A_73, %dma_wait3A_74] : memref<32x3x96xi32, #tpu.memory_space<hbm>> -> memref<1x3x96xi32, #tpu.memory_space<hbm>>
      %dma_wait3A_76 = tpu.memref_squeeze %dma_wait3A_75 : memref<1x3x96xi32, #tpu.memory_space<hbm>> -> memref<3x96xi32, #tpu.memory_space<hbm>>
      tpu.wait_dma2 semaphore(%run_scoped3A : memref<!tpu.dma_semaphore, #tpu.memory_space<semaphore_mem>>) src(%dma_wait3A_76 : memref<3x96xi32, #tpu.memory_space<hbm>>) dst(%arg6 : memref<3x96xi32, #tpu.memory_space<vmem>>)
      tpu.yield
    }) : () -> ()
    "tpu.region"() ({
      %run_scoped3A = tpu.sem_alloc : memref<!tpu.dma_semaphore, #tpu.memory_space<semaphore_mem>>
      %dma_start3A_61 = arith.constant 0 : i32
      %dma_start3A_62 = tpu.memref_slice %arg4[%mul3A_2, %dma_start3A_61] : memref<9216x64xf32, #tpu.memory_space<hbm>> -> memref<288x64xf32, #tpu.memory_space<hbm>>
      %dma_start3A_63 = arith.constant 0 : i32
      %dma_start3A_64 = tpu.memref_slice %arg4[%mul3A_2, %dma_start3A_63] : memref<9216x64xf32, #tpu.memory_space<hbm>> -> memref<288x64xf32, #tpu.memory_space<hbm>>
      tpu.enqueue_dma source(%dma_start3A_64 : memref<288x64xf32, #tpu.memory_space<hbm>>) target(%arg7 : memref<288x64xf32, #tpu.memory_space<vmem>>) target_semaphore(%run_scoped3A : memref<!tpu.dma_semaphore, #tpu.memory_space<semaphore_mem>>)
      %dma_wait3A_65 = arith.constant 0 : i32
      %dma_wait3A_66 = tpu.memref_slice %arg4[%mul3A_2, %dma_wait3A_65] : memref<9216x64xf32, #tpu.memory_space<hbm>> -> memref<288x64xf32, #tpu.memory_space<hbm>>
      %dma_wait3A_67 = arith.constant 0 : i32
      %dma_wait3A_68 = tpu.memref_slice %arg4[%mul3A_2, %dma_wait3A_67] : memref<9216x64xf32, #tpu.memory_space<hbm>> -> memref<288x64xf32, #tpu.memory_space<hbm>>
      tpu.wait_dma2 semaphore(%run_scoped3A : memref<!tpu.dma_semaphore, #tpu.memory_space<semaphore_mem>>) src(%dma_wait3A_68 : memref<288x64xf32, #tpu.memory_space<hbm>>) dst(%arg7 : memref<288x64xf32, #tpu.memory_space<vmem>>)
      tpu.yield
    }) : () -> ()
    %dma_start3A = arith.constant 0 : i32
    %dma_start3A_3 = arith.constant 0 : i32
    %dma_start3A_4 = arith.constant 0 : i32
    %dma_start3A_5 = tpu.memref_slice %arg7[%dma_start3A_3, %dma_start3A_4] : memref<288x64xf32, #tpu.memory_space<vmem>> -> memref<96x64xf32, #tpu.memory_space<vmem>>
    %dma_start3A_6 = arith.constant 0 : i32
    %dma_start3A_7 = tpu.memref_slice %arg6[%dma_start3A, %dma_start3A_6] : memref<3x96xi32, #tpu.memory_space<vmem>> -> memref<1x96xi32, #tpu.memory_space<vmem>>
    %dma_start3A_8 = tpu.memref_squeeze %dma_start3A_7 : memref<1x96xi32, #tpu.memory_space<vmem>> -> memref<96xi32, #tpu.memory_space<vmem>>
    %dma_start3A_9 = arith.constant 0 : i32
    %dma_start3A_10 = arith.constant 0 : i32
    %dma_start3A_11 = tpu.memref_slice %arg2[%dma_start3A_9, %dma_start3A_10] : memref<1024x64xf32, #tpu.memory_space<hbm>> -> memref<1024x64xf32, #tpu.memory_space<hbm>>
    tpu.enqueue_indirect_dma source(%dma_start3A_11 : memref<1024x64xf32, #tpu.memory_space<hbm>>) target(%dma_start3A_5 : memref<96x64xf32, #tpu.memory_space<vmem>>) offsets(%dma_start3A_8 : memref<96xi32, #tpu.memory_space<vmem>>) semaphore(%arg8 : memref<!tpu.dma_semaphore, #tpu.memory_space<semaphore_mem>>) {add = true}
    %dma_start3A_12 = arith.constant 1 : i32
    %dma_start3A_13 = arith.constant 96 : i32
    %dma_start3A_14 = arith.constant 0 : i32
    %dma_start3A_15 = tpu.memref_slice %arg7[%dma_start3A_13, %dma_start3A_14] : memref<288x64xf32, #tpu.memory_space<vmem>> -> memref<96x64xf32, #tpu.memory_space<vmem>>
    %dma_start3A_16 = arith.constant 0 : i32
    %dma_start3A_17 = tpu.memref_slice %arg6[%dma_start3A_12, %dma_start3A_16] : memref<3x96xi32, #tpu.memory_space<vmem>> -> memref<1x96xi32, #tpu.memory_space<vmem>>
    %dma_start3A_18 = tpu.memref_squeeze %dma_start3A_17 : memref<1x96xi32, #tpu.memory_space<vmem>> -> memref<96xi32, #tpu.memory_space<vmem>>
    %dma_start3A_19 = arith.constant 0 : i32
    %dma_start3A_20 = arith.constant 0 : i32
    %dma_start3A_21 = tpu.memref_slice %arg2[%dma_start3A_19, %dma_start3A_20] : memref<1024x64xf32, #tpu.memory_space<hbm>> -> memref<1024x64xf32, #tpu.memory_space<hbm>>
    tpu.enqueue_indirect_dma source(%dma_start3A_21 : memref<1024x64xf32, #tpu.memory_space<hbm>>) target(%dma_start3A_15 : memref<96x64xf32, #tpu.memory_space<vmem>>) offsets(%dma_start3A_18 : memref<96xi32, #tpu.memory_space<vmem>>) semaphore(%arg8 : memref<!tpu.dma_semaphore, #tpu.memory_space<semaphore_mem>>) {add = true}
    %dma_start3A_22 = arith.constant 2 : i32
    %dma_start3A_23 = arith.constant 192 : i32
    %dma_start3A_24 = arith.constant 0 : i32
    %dma_start3A_25 = tpu.memref_slice %arg7[%dma_start3A_23, %dma_start3A_24] : memref<288x64xf32, #tpu.memory_space<vmem>> -> memref<96x64xf32, #tpu.memory_space<vmem>>
    %dma_start3A_26 = arith.constant 0 : i32
    %dma_start3A_27 = tpu.memref_slice %arg6[%dma_start3A_22, %dma_start3A_26] : memref<3x96xi32, #tpu.memory_space<vmem>> -> memref<1x96xi32, #tpu.memory_space<vmem>>
    %dma_start3A_28 = tpu.memref_squeeze %dma_start3A_27 : memref<1x96xi32, #tpu.memory_space<vmem>> -> memref<96xi32, #tpu.memory_space<vmem>>
    %dma_start3A_29 = arith.constant 0 : i32
    %dma_start3A_30 = arith.constant 0 : i32
    %dma_start3A_31 = tpu.memref_slice %arg2[%dma_start3A_29, %dma_start3A_30] : memref<1024x64xf32, #tpu.memory_space<hbm>> -> memref<1024x64xf32, #tpu.memory_space<hbm>>
    tpu.enqueue_indirect_dma source(%dma_start3A_31 : memref<1024x64xf32, #tpu.memory_space<hbm>>) target(%dma_start3A_25 : memref<96x64xf32, #tpu.memory_space<vmem>>) offsets(%dma_start3A_28 : memref<96xi32, #tpu.memory_space<vmem>>) semaphore(%arg8 : memref<!tpu.dma_semaphore, #tpu.memory_space<semaphore_mem>>) {add = true}
    %dma_wait3A = arith.constant 0 : i32
    %dma_wait3A_32 = arith.constant 0 : i32
    %dma_wait3A_33 = arith.constant 0 : i32
    %dma_wait3A_34 = tpu.memref_slice %arg7[%dma_wait3A_32, %dma_wait3A_33] : memref<288x64xf32, #tpu.memory_space<vmem>> -> memref<96x64xf32, #tpu.memory_space<vmem>>
    %dma_wait3A_35 = arith.constant 0 : i32
    %dma_wait3A_36 = tpu.memref_slice %arg6[%dma_wait3A, %dma_wait3A_35] : memref<3x96xi32, #tpu.memory_space<vmem>> -> memref<1x96xi32, #tpu.memory_space<vmem>>
    %dma_wait3A_37 = tpu.memref_squeeze %dma_wait3A_36 : memref<1x96xi32, #tpu.memory_space<vmem>> -> memref<96xi32, #tpu.memory_space<vmem>>
    %dma_wait3A_38 = arith.constant 0 : i32
    %dma_wait3A_39 = arith.constant 0 : i32
    %dma_wait3A_40 = tpu.memref_slice %arg2[%dma_wait3A_38, %dma_wait3A_39] : memref<1024x64xf32, #tpu.memory_space<hbm>> -> memref<1024x64xf32, #tpu.memory_space<hbm>>
    tpu.wait_indirect_dma semaphore(%arg8 : memref<!tpu.dma_semaphore, #tpu.memory_space<semaphore_mem>>) src(%dma_wait3A_40 : memref<1024x64xf32, #tpu.memory_space<hbm>>) dst(%dma_wait3A_34 : memref<96x64xf32, #tpu.memory_space<vmem>>)
    %dma_wait3A_41 = arith.constant 1 : i32
    %dma_wait3A_42 = arith.constant 96 : i32
    %dma_wait3A_43 = arith.constant 0 : i32
    %dma_wait3A_44 = tpu.memref_slice %arg7[%dma_wait3A_42, %dma_wait3A_43] : memref<288x64xf32, #tpu.memory_space<vmem>> -> memref<96x64xf32, #tpu.memory_space<vmem>>
    %dma_wait3A_45 = arith.constant 0 : i32
    %dma_wait3A_46 = tpu.memref_slice %arg6[%dma_wait3A_41, %dma_wait3A_45] : memref<3x96xi32, #tpu.memory_space<vmem>> -> memref<1x96xi32, #tpu.memory_space<vmem>>
    %dma_wait3A_47 = tpu.memref_squeeze %dma_wait3A_46 : memref<1x96xi32, #tpu.memory_space<vmem>> -> memref<96xi32, #tpu.memory_space<vmem>>
    %dma_wait3A_48 = arith.constant 0 : i32
    %dma_wait3A_49 = arith.constant 0 : i32
    %dma_wait3A_50 = tpu.memref_slice %arg2[%dma_wait3A_48, %dma_wait3A_49] : memref<1024x64xf32, #tpu.memory_space<hbm>> -> memref<1024x64xf32, #tpu.memory_space<hbm>>
    tpu.wait_indirect_dma semaphore(%arg8 : memref<!tpu.dma_semaphore, #tpu.memory_space<semaphore_mem>>) src(%dma_wait3A_50 : memref<1024x64xf32, #tpu.memory_space<hbm>>) dst(%dma_wait3A_44 : memref<96x64xf32, #tpu.memory_space<vmem>>)
    %dma_wait3A_51 = arith.constant 2 : i32
    %dma_wait3A_52 = arith.constant 192 : i32
    %dma_wait3A_53 = arith.constant 0 : i32
    %dma_wait3A_54 = tpu.memref_slice %arg7[%dma_wait3A_52, %dma_wait3A_53] : memref<288x64xf32, #tpu.memory_space<vmem>> -> memref<96x64xf32, #tpu.memory_space<vmem>>
    %dma_wait3A_55 = arith.constant 0 : i32
    %dma_wait3A_56 = tpu.memref_slice %arg6[%dma_wait3A_51, %dma_wait3A_55] : memref<3x96xi32, #tpu.memory_space<vmem>> -> memref<1x96xi32, #tpu.memory_space<vmem>>
    %dma_wait3A_57 = tpu.memref_squeeze %dma_wait3A_56 : memref<1x96xi32, #tpu.memory_space<vmem>> -> memref<96xi32, #tpu.memory_space<vmem>>
    %dma_wait3A_58 = arith.constant 0 : i32
    %dma_wait3A_59 = arith.constant 0 : i32
    %dma_wait3A_60 = tpu.memref_slice %arg2[%dma_wait3A_58, %dma_wait3A_59] : memref<1024x64xf32, #tpu.memory_space<hbm>> -> memref<1024x64xf32, #tpu.memory_space<hbm>>
    tpu.wait_indirect_dma semaphore(%arg8 : memref<!tpu.dma_semaphore, #tpu.memory_space<semaphore_mem>>) src(%dma_wait3A_60 : memref<1024x64xf32, #tpu.memory_space<hbm>>) dst(%dma_wait3A_54 : memref<96x64xf32, #tpu.memory_space<vmem>>)
    "tpu.region"() ({
      %run_scoped3A = tpu.sem_alloc : memref<!tpu.dma_semaphore, #tpu.memory_space<semaphore_mem>>
      %dma_start3A_61 = arith.constant 0 : i32
      %dma_start3A_62 = tpu.memref_slice %arg5[%mul3A_2, %dma_start3A_61] : memref<9216x64xf32, #tpu.memory_space<hbm>> -> memref<288x64xf32, #tpu.memory_space<hbm>>
      %dma_start3A_63 = arith.constant 0 : i32
      %dma_start3A_64 = tpu.memref_slice %arg5[%mul3A_2, %dma_start3A_63] : memref<9216x64xf32, #tpu.memory_space<hbm>> -> memref<288x64xf32, #tpu.memory_space<hbm>>
      tpu.enqueue_dma source(%arg7 : memref<288x64xf32, #tpu.memory_space<vmem>>) target(%dma_start3A_64 : memref<288x64xf32, #tpu.memory_space<hbm>>) target_semaphore(%run_scoped3A : memref<!tpu.dma_semaphore, #tpu.memory_space<semaphore_mem>>)
      %dma_wait3A_65 = arith.constant 0 : i32
      %dma_wait3A_66 = tpu.memref_slice %arg5[%mul3A_2, %dma_wait3A_65] : memref<9216x64xf32, #tpu.memory_space<hbm>> -> memref<288x64xf32, #tpu.memory_space<hbm>>
      %dma_wait3A_67 = arith.constant 0 : i32
      %dma_wait3A_68 = tpu.memref_slice %arg5[%mul3A_2, %dma_wait3A_67] : memref<9216x64xf32, #tpu.memory_space<hbm>> -> memref<288x64xf32, #tpu.memory_space<hbm>>
      tpu.wait_dma2 semaphore(%run_scoped3A : memref<!tpu.dma_semaphore, #tpu.memory_space<semaphore_mem>>) src(%arg7 : memref<288x64xf32, #tpu.memory_space<vmem>>) dst(%dma_wait3A_68 : memref<288x64xf32, #tpu.memory_space<hbm>>)
      tpu.yield
    }) : () -> ()
    return
  }
}

module attributes {stable_mosaic.version = 14 : i64} {
  func.func @_tc_step_body(%arg0: i32, %arg1: memref<1024x64xf32, #tpu.memory_space<vmem>>, %arg2: memref<1024x64xf32, #tpu.memory_space<vmem>>, %arg3: memref<1024x64xf32, #tpu.memory_space<vmem>>, %arg4: memref<1024xi32, #tpu.memory_space<vmem>>, %arg5: memref<1024x64xf32, #tpu.memory_space<vmem>>) attributes {dimension_semantics = [#tpu.dimension_semantics<arbitrary>], iteration_bounds = array<i64: 9>, scalar_prefetch = 0 : i64, scratch_operands = 0 : i64, tpu.core_type = #tpu.core_type<tc>, window_params = [{transform_indices = @transform_0, window_bounds = array<i64: 1024, 64>}, {transform_indices = @transform_1, window_bounds = array<i64: 1024, 64>}, {pipeline_mode = #tpu.pipeline_mode<synchronous>, transform_indices = @transform_2, window_bounds = array<i64: 1024, 64>}, {transform_indices = @transform_3, window_bounds = array<i64: 1024>}, {transform_indices = @transform_4, window_bounds = array<i64: 1024, 64>}]} {
    %get3A = arith.constant 0 : index
    %get3A_0 = arith.constant 0 : index
    %get3A_1 = vector.load %arg1[%get3A, %get3A_0] : memref<1024x64xf32, #tpu.memory_space<vmem>>, vector<1024x64xf32>
    %get3A_2 = arith.constant 0 : index
    %get3A_3 = arith.constant 0 : index
    %get3A_4 = vector.load %arg2[%get3A_2, %get3A_3] : memref<1024x64xf32, #tpu.memory_space<vmem>>, vector<1024x64xf32>
    %sub3A = arith.subf %get3A_1, %get3A_4 : vector<1024x64xf32>
    %swap3A = arith.constant 0 : index
    %swap3A_5 = arith.constant 0 : index
    %swap3A_6 = vector.load %arg5[%swap3A, %swap3A_5] : memref<1024x64xf32, #tpu.memory_space<vmem>>, vector<1024x64xf32>
    tpu.vector_store %arg5[%swap3A, %swap3A_5], %sub3A {strides = array<i32>} : memref<1024x64xf32, #tpu.memory_space<vmem>>, vector<1024x64xf32>,
    %get3A_7 = arith.constant 0 : index
    %get3A_8 = arith.constant 0 : index
    %get3A_9 = vector.load %arg3[%get3A_7, %get3A_8] : memref<1024x64xf32, #tpu.memory_space<vmem>>, vector<1024x64xf32>
    %mul3A = arith.mulf %get3A_9, %get3A_9 : vector<1024x64xf32>
    %reduce_sum3A = arith.constant dense<0.000000e+00> : vector<1024xf32>
    %reduce_sum3A_10 = vector.multi_reduction <add>, %mul3A, %reduce_sum3A [1] : vector<1024x64xf32> to vector<1024xf32>
    %dot_general3A = arith.constant dense<0.000000e+00> : vector<1024x1024xf32>
    %dot_general3A_11 = tpu.matmul %sub3A, %get3A_9, %dot_general3A {dimension_numbers = #tpu.dot_dimension_numbers<[1], [1], [0], [0], [0, 0, 1, 0], [], []>, transpose_lhs_hint = false} : vector<1024x64xf32>, vector<1024x64xf32>, vector<1024x1024xf32> -> vector<1024x1024xf32>
    %mul3A_12 = arith.mulf %sub3A, %sub3A : vector<1024x64xf32>
    %reduce_sum3A_13 = arith.constant dense<0.000000e+00> : vector<1024xf32>
    %reduce_sum3A_14 = vector.multi_reduction <add>, %mul3A_12, %reduce_sum3A_13 [1] : vector<1024x64xf32> to vector<1024xf32>
    %broadcast_in_dim3A = vector.shape_cast %reduce_sum3A_14 : vector<1024xf32> to vector<1024x1xf32>
    %mul3A_15 = arith.constant 2.000000e+00 : f32
    %mul3A_16 = vector.broadcast %mul3A_15 : f32 to vector<1024x1024xf32>
    %mul3A_17 = arith.mulf %mul3A_16, %dot_general3A_11 : vector<1024x1024xf32>
    %sub3A_18 = vector.broadcast %broadcast_in_dim3A : vector<1024x1xf32> to vector<1024x1024xf32>
    %sub3A_19 = arith.subf %sub3A_18, %mul3A_17 : vector<1024x1024xf32>
    %broadcast_in_dim3A_20 = vector.shape_cast %reduce_sum3A_10 : vector<1024xf32> to vector<1x1024xf32>
    %add3A = vector.broadcast %broadcast_in_dim3A_20 : vector<1x1024xf32> to vector<1024x1024xf32>
    %add3A_21 = arith.addf %sub3A_19, %add3A : vector<1024x1024xf32>
    %argmin3A = tpu.reduce_index %add3A_21 {axis = 1 : i32, kind = #tpu.reduction_kind<arg_min>} : vector<1024x1024xf32> -> vector<1024xi32>
    %swap3A_22 = arith.constant 0 : index
    %swap3A_23 = vector.load %arg4[%swap3A_22] : memref<1024xi32, #tpu.memory_space<vmem>>, vector<1024xi32>
    tpu.vector_store %arg4[%swap3A_22], %argmin3A {strides = array<i32>} : memref<1024xi32, #tpu.memory_space<vmem>>, vector<1024xi32>,
    return
  }
  func.func @transform_0(%arg0: i32) -> (i32, i32) {
    %add3A = arith.constant 9 : i32
    %add3A_0 = arith.addi %arg0, %add3A : i32
    %c0_i32 = arith.constant 0 : i32
    %c0_i32_1 = arith.constant 0 : i32
    return %add3A_0, %c0_i32 : i32, i32
  }
  func.func @transform_1(%arg0: i32) -> (i32, i32) {
    %c0_i32 = arith.constant 0 : i32
    %c0_i32_0 = arith.constant 0 : i32
    return %arg0, %c0_i32 : i32, i32
  }
  func.func @transform_2(%arg0: i32) -> (i32, i32) {
    %c0_i32 = arith.constant 0 : i32
    %c0_i32_0 = arith.constant 0 : i32
    %c0_i32_1 = arith.constant 0 : i32
    return %c0_i32, %c0_i32_0 : i32, i32
  }
  func.func @transform_3(%arg0: i32) -> i32 {
    %c0_i32 = arith.constant 0 : i32
    return %arg0 : i32
  }
  func.func @transform_4(%arg0: i32) -> (i32, i32) {
    %c0_i32 = arith.constant 0 : i32
    %c0_i32_0 = arith.constant 0 : i32
    return %arg0, %c0_i32 : i32, i32
  }
}

module attributes {stable_mosaic.version = 14 : i64} {
  func.func @_tc_first_body(%arg0: i32, %arg1: memref<1024x64xf32, #tpu.memory_space<vmem>>, %arg2: memref<1024x64xf32, #tpu.memory_space<vmem>>, %arg3: memref<1024xi32, #tpu.memory_space<vmem>>) attributes {dimension_semantics = [#tpu.dimension_semantics<arbitrary>], iteration_bounds = array<i64: 9>, scalar_prefetch = 0 : i64, scratch_operands = 0 : i64, tpu.core_type = #tpu.core_type<tc>, window_params = [{transform_indices = @transform_0, window_bounds = array<i64: 1024, 64>}, {pipeline_mode = #tpu.pipeline_mode<synchronous>, transform_indices = @transform_1, window_bounds = array<i64: 1024, 64>}, {transform_indices = @transform_2, window_bounds = array<i64: 1024>}]} {
    %get3A = arith.constant 0 : index
    %get3A_0 = arith.constant 0 : index
    %get3A_1 = vector.load %arg1[%get3A, %get3A_0] : memref<1024x64xf32, #tpu.memory_space<vmem>>, vector<1024x64xf32>
    %get3A_2 = arith.constant 0 : index
    %get3A_3 = arith.constant 0 : index
    %get3A_4 = vector.load %arg2[%get3A_2, %get3A_3] : memref<1024x64xf32, #tpu.memory_space<vmem>>, vector<1024x64xf32>
    %mul3A = arith.mulf %get3A_4, %get3A_4 : vector<1024x64xf32>
    %reduce_sum3A = arith.constant dense<0.000000e+00> : vector<1024xf32>
    %reduce_sum3A_5 = vector.multi_reduction <add>, %mul3A, %reduce_sum3A [1] : vector<1024x64xf32> to vector<1024xf32>
    %dot_general3A = arith.constant dense<0.000000e+00> : vector<1024x1024xf32>
    %dot_general3A_6 = tpu.matmul %get3A_1, %get3A_4, %dot_general3A {dimension_numbers = #tpu.dot_dimension_numbers<[1], [1], [0], [0], [0, 0, 1, 0], [], []>, transpose_lhs_hint = false} : vector<1024x64xf32>, vector<1024x64xf32>, vector<1024x1024xf32> -> vector<1024x1024xf32>
    %mul3A_7 = arith.mulf %get3A_1, %get3A_1 : vector<1024x64xf32>
    %reduce_sum3A_8 = arith.constant dense<0.000000e+00> : vector<1024xf32>
    %reduce_sum3A_9 = vector.multi_reduction <add>, %mul3A_7, %reduce_sum3A_8 [1] : vector<1024x64xf32> to vector<1024xf32>
    %broadcast_in_dim3A = vector.shape_cast %reduce_sum3A_9 : vector<1024xf32> to vector<1024x1xf32>
    %mul3A_10 = arith.constant 2.000000e+00 : f32
    %mul3A_11 = vector.broadcast %mul3A_10 : f32 to vector<1024x1024xf32>
    %mul3A_12 = arith.mulf %mul3A_11, %dot_general3A_6 : vector<1024x1024xf32>
    %sub3A = vector.broadcast %broadcast_in_dim3A : vector<1024x1xf32> to vector<1024x1024xf32>
    %sub3A_13 = arith.subf %sub3A, %mul3A_12 : vector<1024x1024xf32>
    %broadcast_in_dim3A_14 = vector.shape_cast %reduce_sum3A_5 : vector<1024xf32> to vector<1x1024xf32>
    %add3A = vector.broadcast %broadcast_in_dim3A_14 : vector<1x1024xf32> to vector<1024x1024xf32>
    %add3A_15 = arith.addf %sub3A_13, %add3A : vector<1024x1024xf32>
    %argmin3A = tpu.reduce_index %add3A_15 {axis = 1 : i32, kind = #tpu.reduction_kind<arg_min>} : vector<1024x1024xf32> -> vector<1024xi32>
    %swap3A = arith.constant 0 : index
    %swap3A_16 = vector.load %arg3[%swap3A] : memref<1024xi32, #tpu.memory_space<vmem>>, vector<1024xi32>
    tpu.vector_store %arg3[%swap3A], %argmin3A {strides = array<i32>} : memref<1024xi32, #tpu.memory_space<vmem>>, vector<1024xi32>,
    return
  }
  func.func @transform_0(%arg0: i32) -> (i32, i32) {
    %add3A = arith.constant 0 : i32
    %add3A_0 = arith.addi %arg0, %add3A : i32
    %c0_i32 = arith.constant 0 : i32
    %c0_i32_1 = arith.constant 0 : i32
    return %add3A_0, %c0_i32 : i32, i32
  }
  func.func @transform_1(%arg0: i32) -> (i32, i32) {
    %c0_i32 = arith.constant 0 : i32
    %c0_i32_0 = arith.constant 0 : i32
    %c0_i32_1 = arith.constant 0 : i32
    return %c0_i32, %c0_i32_0 : i32, i32
  }
  func.func @transform_2(%arg0: i32) -> i32 {
    %c0_i32 = arith.constant 0 : i32
    return %arg0 : i32
  }
}

module attributes {stable_mosaic.version = 14 : i64} {
  func.func @_tc_first_body(%arg0: i32, %arg1: memref<1024x64xf32, #tpu.memory_space<vmem>>, %arg2: memref<1024x64xf32, #tpu.memory_space<vmem>>, %arg3: memref<1024xi32, #tpu.memory_space<vmem>>) attributes {dimension_semantics = [#tpu.dimension_semantics<arbitrary>], iteration_bounds = array<i64: 9>, scalar_prefetch = 0 : i64, scratch_operands = 0 : i64, tpu.core_type = #tpu.core_type<tc>, window_params = [{transform_indices = @transform_0, window_bounds = array<i64: 1024, 64>}, {pipeline_mode = #tpu.pipeline_mode<synchronous>, transform_indices = @transform_1, window_bounds = array<i64: 1024, 64>}, {transform_indices = @transform_2, window_bounds = array<i64: 1024>}]} {
    %get3A = arith.constant 0 : index
    %get3A_0 = arith.constant 0 : index
    %get3A_1 = vector.load %arg1[%get3A, %get3A_0] : memref<1024x64xf32, #tpu.memory_space<vmem>>, vector<1024x64xf32>
    %get3A_2 = arith.constant 0 : index
    %get3A_3 = arith.constant 0 : index
    %get3A_4 = vector.load %arg2[%get3A_2, %get3A_3] : memref<1024x64xf32, #tpu.memory_space<vmem>>, vector<1024x64xf32>
    %mul3A = arith.mulf %get3A_4, %get3A_4 : vector<1024x64xf32>
    %reduce_sum3A = arith.constant dense<0.000000e+00> : vector<1024xf32>
    %reduce_sum3A_5 = vector.multi_reduction <add>, %mul3A, %reduce_sum3A [1] : vector<1024x64xf32> to vector<1024xf32>
    %dot_general3A = arith.constant dense<0.000000e+00> : vector<1024x1024xf32>
    %dot_general3A_6 = tpu.matmul %get3A_1, %get3A_4, %dot_general3A {dimension_numbers = #tpu.dot_dimension_numbers<[1], [1], [0], [0], [0, 0, 1, 0], [], []>, transpose_lhs_hint = false} : vector<1024x64xf32>, vector<1024x64xf32>, vector<1024x1024xf32> -> vector<1024x1024xf32>
    %mul3A_7 = arith.mulf %get3A_1, %get3A_1 : vector<1024x64xf32>
    %reduce_sum3A_8 = arith.constant dense<0.000000e+00> : vector<1024xf32>
    %reduce_sum3A_9 = vector.multi_reduction <add>, %mul3A_7, %reduce_sum3A_8 [1] : vector<1024x64xf32> to vector<1024xf32>
    %broadcast_in_dim3A = vector.shape_cast %reduce_sum3A_9 : vector<1024xf32> to vector<1024x1xf32>
    %mul3A_10 = arith.constant 2.000000e+00 : f32
    %mul3A_11 = vector.broadcast %mul3A_10 : f32 to vector<1024x1024xf32>
    %mul3A_12 = arith.mulf %mul3A_11, %dot_general3A_6 : vector<1024x1024xf32>
    %sub3A = vector.broadcast %broadcast_in_dim3A : vector<1024x1xf32> to vector<1024x1024xf32>
    %sub3A_13 = arith.subf %sub3A, %mul3A_12 : vector<1024x1024xf32>
    %broadcast_in_dim3A_14 = vector.shape_cast %reduce_sum3A_5 : vector<1024xf32> to vector<1x1024xf32>
    %add3A = vector.broadcast %broadcast_in_dim3A_14 : vector<1x1024xf32> to vector<1024x1024xf32>
    %add3A_15 = arith.addf %sub3A_13, %add3A : vector<1024x1024xf32>
    %argmin3A = tpu.reduce_index %add3A_15 {axis = 1 : i32, kind = #tpu.reduction_kind<arg_min>} : vector<1024x1024xf32> -> vector<1024xi32>
    %swap3A = arith.constant 0 : index
    %swap3A_16 = vector.load %arg3[%swap3A] : memref<1024xi32, #tpu.memory_space<vmem>>, vector<1024xi32>
    tpu.vector_store %arg3[%swap3A], %argmin3A {strides = array<i32>} : memref<1024xi32, #tpu.memory_space<vmem>>, vector<1024xi32>,
    return
  }
  func.func @transform_0(%arg0: i32) -> (i32, i32) {
    %add3A = arith.constant 9 : i32
    %add3A_0 = arith.addi %arg0, %add3A : i32
    %c0_i32 = arith.constant 0 : i32
    %c0_i32_1 = arith.constant 0 : i32
    return %add3A_0, %c0_i32 : i32, i32
  }
  func.func @transform_1(%arg0: i32) -> (i32, i32) {
    %c0_i32 = arith.constant 0 : i32
    %c0_i32_0 = arith.constant 0 : i32
    %c0_i32_1 = arith.constant 0 : i32
    return %c0_i32, %c0_i32_0 : i32, i32
  }
  func.func @transform_2(%arg0: i32) -> i32 {
    %c0_i32 = arith.constant 0 : i32
    return %arg0 : i32
  }
}

module attributes {stable_mosaic.version = 14 : i64} {
  func.func @_tc_step_body(%arg0: i32, %arg1: memref<1024x64xf32, #tpu.memory_space<vmem>>, %arg2: memref<1024x64xf32, #tpu.memory_space<vmem>>, %arg3: memref<1024x64xf32, #tpu.memory_space<vmem>>, %arg4: memref<1024xi32, #tpu.memory_space<vmem>>, %arg5: memref<1024x64xf32, #tpu.memory_space<vmem>>) attributes {dimension_semantics = [#tpu.dimension_semantics<arbitrary>], iteration_bounds = array<i64: 9>, scalar_prefetch = 0 : i64, scratch_operands = 0 : i64, tpu.core_type = #tpu.core_type<tc>, window_params = [{transform_indices = @transform_0, window_bounds = array<i64: 1024, 64>}, {transform_indices = @transform_1, window_bounds = array<i64: 1024, 64>}, {pipeline_mode = #tpu.pipeline_mode<synchronous>, transform_indices = @transform_2, window_bounds = array<i64: 1024, 64>}, {transform_indices = @transform_3, window_bounds = array<i64: 1024>}, {transform_indices = @transform_4, window_bounds = array<i64: 1024, 64>}]} {
    %get3A = arith.constant 0 : index
    %get3A_0 = arith.constant 0 : index
    %get3A_1 = vector.load %arg1[%get3A, %get3A_0] : memref<1024x64xf32, #tpu.memory_space<vmem>>, vector<1024x64xf32>
    %get3A_2 = arith.constant 0 : index
    %get3A_3 = arith.constant 0 : index
    %get3A_4 = vector.load %arg2[%get3A_2, %get3A_3] : memref<1024x64xf32, #tpu.memory_space<vmem>>, vector<1024x64xf32>
    %sub3A = arith.subf %get3A_1, %get3A_4 : vector<1024x64xf32>
    %swap3A = arith.constant 0 : index
    %swap3A_5 = arith.constant 0 : index
    %swap3A_6 = vector.load %arg5[%swap3A, %swap3A_5] : memref<1024x64xf32, #tpu.memory_space<vmem>>, vector<1024x64xf32>
    tpu.vector_store %arg5[%swap3A, %swap3A_5], %sub3A {strides = array<i32>} : memref<1024x64xf32, #tpu.memory_space<vmem>>, vector<1024x64xf32>,
    %get3A_7 = arith.constant 0 : index
    %get3A_8 = arith.constant 0 : index
    %get3A_9 = vector.load %arg3[%get3A_7, %get3A_8] : memref<1024x64xf32, #tpu.memory_space<vmem>>, vector<1024x64xf32>
    %mul3A = arith.mulf %get3A_9, %get3A_9 : vector<1024x64xf32>
    %reduce_sum3A = arith.constant dense<0.000000e+00> : vector<1024xf32>
    %reduce_sum3A_10 = vector.multi_reduction <add>, %mul3A, %reduce_sum3A [1] : vector<1024x64xf32> to vector<1024xf32>
    %dot_general3A = arith.constant dense<0.000000e+00> : vector<1024x1024xf32>
    %dot_general3A_11 = tpu.matmul %sub3A, %get3A_9, %dot_general3A {dimension_numbers = #tpu.dot_dimension_numbers<[1], [1], [0], [0], [0, 0, 1, 0], [], []>, transpose_lhs_hint = false} : vector<1024x64xf32>, vector<1024x64xf32>, vector<1024x1024xf32> -> vector<1024x1024xf32>
    %mul3A_12 = arith.mulf %sub3A, %sub3A : vector<1024x64xf32>
    %reduce_sum3A_13 = arith.constant dense<0.000000e+00> : vector<1024xf32>
    %reduce_sum3A_14 = vector.multi_reduction <add>, %mul3A_12, %reduce_sum3A_13 [1] : vector<1024x64xf32> to vector<1024xf32>
    %broadcast_in_dim3A = vector.shape_cast %reduce_sum3A_14 : vector<1024xf32> to vector<1024x1xf32>
    %mul3A_15 = arith.constant 2.000000e+00 : f32
    %mul3A_16 = vector.broadcast %mul3A_15 : f32 to vector<1024x1024xf32>
    %mul3A_17 = arith.mulf %mul3A_16, %dot_general3A_11 : vector<1024x1024xf32>
    %sub3A_18 = vector.broadcast %broadcast_in_dim3A : vector<1024x1xf32> to vector<1024x1024xf32>
    %sub3A_19 = arith.subf %sub3A_18, %mul3A_17 : vector<1024x1024xf32>
    %broadcast_in_dim3A_20 = vector.shape_cast %reduce_sum3A_10 : vector<1024xf32> to vector<1x1024xf32>
    %add3A = vector.broadcast %broadcast_in_dim3A_20 : vector<1x1024xf32> to vector<1024x1024xf32>
    %add3A_21 = arith.addf %sub3A_19, %add3A : vector<1024x1024xf32>
    %argmin3A = tpu.reduce_index %add3A_21 {axis = 1 : i32, kind = #tpu.reduction_kind<arg_min>} : vector<1024x1024xf32> -> vector<1024xi32>
    %swap3A_22 = arith.constant 0 : index
    %swap3A_23 = vector.load %arg4[%swap3A_22] : memref<1024xi32, #tpu.memory_space<vmem>>, vector<1024xi32>
    tpu.vector_store %arg4[%swap3A_22], %argmin3A {strides = array<i32>} : memref<1024xi32, #tpu.memory_space<vmem>>, vector<1024xi32>,
    return
  }
  func.func @transform_0(%arg0: i32) -> (i32, i32) {
    %add3A = arith.constant 0 : i32
    %add3A_0 = arith.addi %arg0, %add3A : i32
    %c0_i32 = arith.constant 0 : i32
    %c0_i32_1 = arith.constant 0 : i32
    return %add3A_0, %c0_i32 : i32, i32
  }
  func.func @transform_1(%arg0: i32) -> (i32, i32) {
    %c0_i32 = arith.constant 0 : i32
    %c0_i32_0 = arith.constant 0 : i32
    return %arg0, %c0_i32 : i32, i32
  }
  func.func @transform_2(%arg0: i32) -> (i32, i32) {
    %c0_i32 = arith.constant 0 : i32
    %c0_i32_0 = arith.constant 0 : i32
    %c0_i32_1 = arith.constant 0 : i32
    return %c0_i32, %c0_i32_0 : i32, i32
  }
  func.func @transform_3(%arg0: i32) -> i32 {
    %c0_i32 = arith.constant 0 : i32
    return %arg0 : i32
  }
  func.func @transform_4(%arg0: i32) -> (i32, i32) {
    %c0_i32 = arith.constant 0 : i32
    %c0_i32_0 = arith.constant 0 : i32
    return %arg0, %c0_i32 : i32, i32
  }
}

module attributes {stable_mosaic.version = 14 : i64} {
  func.func @_tc_step_body(%arg0: i32, %arg1: memref<1024x64xf32, #tpu.memory_space<vmem>>, %arg2: memref<1024x64xf32, #tpu.memory_space<vmem>>, %arg3: memref<1024x64xf32, #tpu.memory_space<vmem>>, %arg4: memref<1024xi32, #tpu.memory_space<vmem>>, %arg5: memref<1024x64xf32, #tpu.memory_space<vmem>>) attributes {dimension_semantics = [#tpu.dimension_semantics<arbitrary>], iteration_bounds = array<i64: 9>, scalar_prefetch = 0 : i64, scratch_operands = 0 : i64, tpu.core_type = #tpu.core_type<tc>, window_params = [{transform_indices = @transform_0, window_bounds = array<i64: 1024, 64>}, {transform_indices = @transform_1, window_bounds = array<i64: 1024, 64>}, {pipeline_mode = #tpu.pipeline_mode<synchronous>, transform_indices = @transform_2, window_bounds = array<i64: 1024, 64>}, {transform_indices = @transform_3, window_bounds = array<i64: 1024>}, {transform_indices = @transform_4, window_bounds = array<i64: 1024, 64>}]} {
    %get3A = arith.constant 0 : index
    %get3A_0 = arith.constant 0 : index
    %get3A_1 = vector.load %arg1[%get3A, %get3A_0] : memref<1024x64xf32, #tpu.memory_space<vmem>>, vector<1024x64xf32>
    %get3A_2 = arith.constant 0 : index
    %get3A_3 = arith.constant 0 : index
    %get3A_4 = vector.load %arg2[%get3A_2, %get3A_3] : memref<1024x64xf32, #tpu.memory_space<vmem>>, vector<1024x64xf32>
    %sub3A = arith.subf %get3A_1, %get3A_4 : vector<1024x64xf32>
    %swap3A = arith.constant 0 : index
    %swap3A_5 = arith.constant 0 : index
    %swap3A_6 = vector.load %arg5[%swap3A, %swap3A_5] : memref<1024x64xf32, #tpu.memory_space<vmem>>, vector<1024x64xf32>
    tpu.vector_store %arg5[%swap3A, %swap3A_5], %sub3A {strides = array<i32>} : memref<1024x64xf32, #tpu.memory_space<vmem>>, vector<1024x64xf32>,
    %get3A_7 = arith.constant 0 : index
    %get3A_8 = arith.constant 0 : index
    %get3A_9 = vector.load %arg3[%get3A_7, %get3A_8] : memref<1024x64xf32, #tpu.memory_space<vmem>>, vector<1024x64xf32>
    %mul3A = arith.mulf %get3A_9, %get3A_9 : vector<1024x64xf32>
    %reduce_sum3A = arith.constant dense<0.000000e+00> : vector<1024xf32>
    %reduce_sum3A_10 = vector.multi_reduction <add>, %mul3A, %reduce_sum3A [1] : vector<1024x64xf32> to vector<1024xf32>
    %dot_general3A = arith.constant dense<0.000000e+00> : vector<1024x1024xf32>
    %dot_general3A_11 = tpu.matmul %sub3A, %get3A_9, %dot_general3A {dimension_numbers = #tpu.dot_dimension_numbers<[1], [1], [0], [0], [0, 0, 1, 0], [], []>, transpose_lhs_hint = false} : vector<1024x64xf32>, vector<1024x64xf32>, vector<1024x1024xf32> -> vector<1024x1024xf32>
    %mul3A_12 = arith.mulf %sub3A, %sub3A : vector<1024x64xf32>
    %reduce_sum3A_13 = arith.constant dense<0.000000e+00> : vector<1024xf32>
    %reduce_sum3A_14 = vector.multi_reduction <add>, %mul3A_12, %reduce_sum3A_13 [1] : vector<1024x64xf32> to vector<1024xf32>
    %broadcast_in_dim3A = vector.shape_cast %reduce_sum3A_14 : vector<1024xf32> to vector<1024x1xf32>
    %mul3A_15 = arith.constant 2.000000e+00 : f32
    %mul3A_16 = vector.broadcast %mul3A_15 : f32 to vector<1024x1024xf32>
    %mul3A_17 = arith.mulf %mul3A_16, %dot_general3A_11 : vector<1024x1024xf32>
    %sub3A_18 = vector.broadcast %broadcast_in_dim3A : vector<1024x1xf32> to vector<1024x1024xf32>
    %sub3A_19 = arith.subf %sub3A_18, %mul3A_17 : vector<1024x1024xf32>
    %broadcast_in_dim3A_20 = vector.shape_cast %reduce_sum3A_10 : vector<1024xf32> to vector<1x1024xf32>
    %add3A = vector.broadcast %broadcast_in_dim3A_20 : vector<1x1024xf32> to vector<1024x1024xf32>
    %add3A_21 = arith.addf %sub3A_19, %add3A : vector<1024x1024xf32>
    %argmin3A = tpu.reduce_index %add3A_21 {axis = 1 : i32, kind = #tpu.reduction_kind<arg_min>} : vector<1024x1024xf32> -> vector<1024xi32>
    %swap3A_22 = arith.constant 0 : index
    %swap3A_23 = vector.load %arg4[%swap3A_22] : memref<1024xi32, #tpu.memory_space<vmem>>, vector<1024xi32>
    tpu.vector_store %arg4[%swap3A_22], %argmin3A {strides = array<i32>} : memref<1024xi32, #tpu.memory_space<vmem>>, vector<1024xi32>,
    return
  }
  func.func @transform_0(%arg0: i32) -> (i32, i32) {
    %c0_i32 = arith.constant 0 : i32
    %c0_i32_0 = arith.constant 0 : i32
    return %arg0, %c0_i32 : i32, i32
  }
  func.func @transform_1(%arg0: i32) -> (i32, i32) {
    %c0_i32 = arith.constant 0 : i32
    %c0_i32_0 = arith.constant 0 : i32
    return %arg0, %c0_i32 : i32, i32
  }
  func.func @transform_2(%arg0: i32) -> (i32, i32) {
    %c0_i32 = arith.constant 0 : i32
    %c0_i32_0 = arith.constant 0 : i32
    %c0_i32_1 = arith.constant 0 : i32
    return %c0_i32, %c0_i32_0 : i32, i32
  }
  func.func @transform_3(%arg0: i32) -> i32 {
    %c0_i32 = arith.constant 0 : i32
    return %arg0 : i32
  }
  func.func @transform_4(%arg0: i32) -> (i32, i32) {
    %c0_i32 = arith.constant 0 : i32
    %c0_i32_0 = arith.constant 0 : i32
    return %arg0, %c0_i32 : i32, i32
  }
}

module attributes {stable_mosaic.version = 14 : i64} {
  func.func @_tc_last_body(%arg0: i32, %arg1: memref<1024x64xf32, #tpu.memory_space<vmem>>, %arg2: memref<1024x64xf32, #tpu.memory_space<vmem>>, %arg3: memref<1024x64xf32, #tpu.memory_space<vmem>>, %arg4: memref<1024x64xf32, #tpu.memory_space<vmem>>, %arg5: memref<1024xi32, #tpu.memory_space<vmem>>, %arg6: memref<1024x64xf32, #tpu.memory_space<vmem>>) attributes {dimension_semantics = [#tpu.dimension_semantics<arbitrary>], iteration_bounds = array<i64: 9>, scalar_prefetch = 0 : i64, scratch_operands = 0 : i64, tpu.core_type = #tpu.core_type<tc>, window_params = [{transform_indices = @transform_0, window_bounds = array<i64: 1024, 64>}, {transform_indices = @transform_1, window_bounds = array<i64: 1024, 64>}, {pipeline_mode = #tpu.pipeline_mode<synchronous>, transform_indices = @transform_2, window_bounds = array<i64: 1024, 64>}, {transform_indices = @transform_3, window_bounds = array<i64: 1024, 64>}, {transform_indices = @transform_4, window_bounds = array<i64: 1024>}, {transform_indices = @transform_5, window_bounds = array<i64: 1024, 64>}]} {
    %get3A = arith.constant 0 : index
    %get3A_0 = arith.constant 0 : index
    %get3A_1 = vector.load %arg1[%get3A, %get3A_0] : memref<1024x64xf32, #tpu.memory_space<vmem>>, vector<1024x64xf32>
    %get3A_2 = arith.constant 0 : index
    %get3A_3 = arith.constant 0 : index
    %get3A_4 = vector.load %arg2[%get3A_2, %get3A_3] : memref<1024x64xf32, #tpu.memory_space<vmem>>, vector<1024x64xf32>
    %sub3A = arith.subf %get3A_1, %get3A_4 : vector<1024x64xf32>
    %get3A_5 = arith.constant 0 : index
    %get3A_6 = arith.constant 0 : index
    %get3A_7 = vector.load %arg4[%get3A_5, %get3A_6] : memref<1024x64xf32, #tpu.memory_space<vmem>>, vector<1024x64xf32>
    %sub3A_8 = arith.subf %get3A_7, %sub3A : vector<1024x64xf32>
    %swap3A = arith.constant 0 : index
    %swap3A_9 = arith.constant 0 : index
    %swap3A_10 = vector.load %arg6[%swap3A, %swap3A_9] : memref<1024x64xf32, #tpu.memory_space<vmem>>, vector<1024x64xf32>
    tpu.vector_store %arg6[%swap3A, %swap3A_9], %sub3A_8 {strides = array<i32>} : memref<1024x64xf32, #tpu.memory_space<vmem>>, vector<1024x64xf32>,
    %get3A_11 = arith.constant 0 : index
    %get3A_12 = arith.constant 0 : index
    %get3A_13 = vector.load %arg3[%get3A_11, %get3A_12] : memref<1024x64xf32, #tpu.memory_space<vmem>>, vector<1024x64xf32>
    %mul3A = arith.mulf %get3A_13, %get3A_13 : vector<1024x64xf32>
    %reduce_sum3A = arith.constant dense<0.000000e+00> : vector<1024xf32>
    %reduce_sum3A_14 = vector.multi_reduction <add>, %mul3A, %reduce_sum3A [1] : vector<1024x64xf32> to vector<1024xf32>
    %dot_general3A = arith.constant dense<0.000000e+00> : vector<1024x1024xf32>
    %dot_general3A_15 = tpu.matmul %sub3A, %get3A_13, %dot_general3A {dimension_numbers = #tpu.dot_dimension_numbers<[1], [1], [0], [0], [0, 0, 1, 0], [], []>, transpose_lhs_hint = false} : vector<1024x64xf32>, vector<1024x64xf32>, vector<1024x1024xf32> -> vector<1024x1024xf32>
    %mul3A_16 = arith.mulf %sub3A, %sub3A : vector<1024x64xf32>
    %reduce_sum3A_17 = arith.constant dense<0.000000e+00> : vector<1024xf32>
    %reduce_sum3A_18 = vector.multi_reduction <add>, %mul3A_16, %reduce_sum3A_17 [1] : vector<1024x64xf32> to vector<1024xf32>
    %broadcast_in_dim3A = vector.shape_cast %reduce_sum3A_18 : vector<1024xf32> to vector<1024x1xf32>
    %mul3A_19 = arith.constant 2.000000e+00 : f32
    %mul3A_20 = vector.broadcast %mul3A_19 : f32 to vector<1024x1024xf32>
    %mul3A_21 = arith.mulf %mul3A_20, %dot_general3A_15 : vector<1024x1024xf32>
    %sub3A_22 = vector.broadcast %broadcast_in_dim3A : vector<1024x1xf32> to vector<1024x1024xf32>
    %sub3A_23 = arith.subf %sub3A_22, %mul3A_21 : vector<1024x1024xf32>
    %broadcast_in_dim3A_24 = vector.shape_cast %reduce_sum3A_14 : vector<1024xf32> to vector<1x1024xf32>
    %add3A = vector.broadcast %broadcast_in_dim3A_24 : vector<1x1024xf32> to vector<1024x1024xf32>
    %add3A_25 = arith.addf %sub3A_23, %add3A : vector<1024x1024xf32>
    %argmin3A = tpu.reduce_index %add3A_25 {axis = 1 : i32, kind = #tpu.reduction_kind<arg_min>} : vector<1024x1024xf32> -> vector<1024xi32>
    %swap3A_26 = arith.constant 0 : index
    %swap3A_27 = vector.load %arg5[%swap3A_26] : memref<1024xi32, #tpu.memory_space<vmem>>, vector<1024xi32>
    tpu.vector_store %arg5[%swap3A_26], %argmin3A {strides = array<i32>} : memref<1024xi32, #tpu.memory_space<vmem>>, vector<1024xi32>,
    return
  }
  func.func @transform_0(%arg0: i32) -> (i32, i32) {
    %c0_i32 = arith.constant 0 : i32
    %c0_i32_0 = arith.constant 0 : i32
    return %arg0, %c0_i32 : i32, i32
  }
  func.func @transform_1(%arg0: i32) -> (i32, i32) {
    %c0_i32 = arith.constant 0 : i32
    %c0_i32_0 = arith.constant 0 : i32
    return %arg0, %c0_i32 : i32, i32
  }
  func.func @transform_2(%arg0: i32) -> (i32, i32) {
    %c0_i32 = arith.constant 0 : i32
    %c0_i32_0 = arith.constant 0 : i32
    %c0_i32_1 = arith.constant 0 : i32
    return %c0_i32, %c0_i32_0 : i32, i32
  }
  func.func @transform_3(%arg0: i32) -> (i32, i32) {
    %add3A = arith.constant 9 : i32
    %add3A_0 = arith.addi %arg0, %add3A : i32
    %c0_i32 = arith.constant 0 : i32
    %c0_i32_1 = arith.constant 0 : i32
    return %add3A_0, %c0_i32 : i32, i32
  }
  func.func @transform_4(%arg0: i32) -> i32 {
    %c0_i32 = arith.constant 0 : i32
    return %arg0 : i32
  }
  func.func @transform_5(%arg0: i32) -> (i32, i32) {
    %c0_i32 = arith.constant 0 : i32
    %c0_i32_0 = arith.constant 0 : i32
    return %arg0, %c0_i32 : i32, i32
  }
}

module attributes {stable_mosaic.version = 14 : i64} {
  func.func @_tc_last_body(%arg0: i32, %arg1: memref<1024x64xf32, #tpu.memory_space<vmem>>, %arg2: memref<1024x64xf32, #tpu.memory_space<vmem>>, %arg3: memref<1024x64xf32, #tpu.memory_space<vmem>>, %arg4: memref<1024x64xf32, #tpu.memory_space<vmem>>, %arg5: memref<1024xi32, #tpu.memory_space<vmem>>, %arg6: memref<1024x64xf32, #tpu.memory_space<vmem>>) attributes {dimension_semantics = [#tpu.dimension_semantics<arbitrary>], iteration_bounds = array<i64: 9>, scalar_prefetch = 0 : i64, scratch_operands = 0 : i64, tpu.core_type = #tpu.core_type<tc>, window_params = [{transform_indices = @transform_0, window_bounds = array<i64: 1024, 64>}, {transform_indices = @transform_1, window_bounds = array<i64: 1024, 64>}, {pipeline_mode = #tpu.pipeline_mode<synchronous>, transform_indices = @transform_2, window_bounds = array<i64: 1024, 64>}, {transform_indices = @transform_3, window_bounds = array<i64: 1024, 64>}, {transform_indices = @transform_4, window_bounds = array<i64: 1024>}, {transform_indices = @transform_5, window_bounds = array<i64: 1024, 64>}]} {
    %get3A = arith.constant 0 : index
    %get3A_0 = arith.constant 0 : index
    %get3A_1 = vector.load %arg1[%get3A, %get3A_0] : memref<1024x64xf32, #tpu.memory_space<vmem>>, vector<1024x64xf32>
    %get3A_2 = arith.constant 0 : index
    %get3A_3 = arith.constant 0 : index
    %get3A_4 = vector.load %arg2[%get3A_2, %get3A_3] : memref<1024x64xf32, #tpu.memory_space<vmem>>, vector<1024x64xf32>
    %sub3A = arith.subf %get3A_1, %get3A_4 : vector<1024x64xf32>
    %get3A_5 = arith.constant 0 : index
    %get3A_6 = arith.constant 0 : index
    %get3A_7 = vector.load %arg4[%get3A_5, %get3A_6] : memref<1024x64xf32, #tpu.memory_space<vmem>>, vector<1024x64xf32>
    %sub3A_8 = arith.subf %get3A_7, %sub3A : vector<1024x64xf32>
    %swap3A = arith.constant 0 : index
    %swap3A_9 = arith.constant 0 : index
    %swap3A_10 = vector.load %arg6[%swap3A, %swap3A_9] : memref<1024x64xf32, #tpu.memory_space<vmem>>, vector<1024x64xf32>
    tpu.vector_store %arg6[%swap3A, %swap3A_9], %sub3A_8 {strides = array<i32>} : memref<1024x64xf32, #tpu.memory_space<vmem>>, vector<1024x64xf32>,
    %get3A_11 = arith.constant 0 : index
    %get3A_12 = arith.constant 0 : index
    %get3A_13 = vector.load %arg3[%get3A_11, %get3A_12] : memref<1024x64xf32, #tpu.memory_space<vmem>>, vector<1024x64xf32>
    %mul3A = arith.mulf %get3A_13, %get3A_13 : vector<1024x64xf32>
    %reduce_sum3A = arith.constant dense<0.000000e+00> : vector<1024xf32>
    %reduce_sum3A_14 = vector.multi_reduction <add>, %mul3A, %reduce_sum3A [1] : vector<1024x64xf32> to vector<1024xf32>
    %dot_general3A = arith.constant dense<0.000000e+00> : vector<1024x1024xf32>
    %dot_general3A_15 = tpu.matmul %sub3A, %get3A_13, %dot_general3A {dimension_numbers = #tpu.dot_dimension_numbers<[1], [1], [0], [0], [0, 0, 1, 0], [], []>, transpose_lhs_hint = false} : vector<1024x64xf32>, vector<1024x64xf32>, vector<1024x1024xf32> -> vector<1024x1024xf32>
    %mul3A_16 = arith.mulf %sub3A, %sub3A : vector<1024x64xf32>
    %reduce_sum3A_17 = arith.constant dense<0.000000e+00> : vector<1024xf32>
    %reduce_sum3A_18 = vector.multi_reduction <add>, %mul3A_16, %reduce_sum3A_17 [1] : vector<1024x64xf32> to vector<1024xf32>
    %broadcast_in_dim3A = vector.shape_cast %reduce_sum3A_18 : vector<1024xf32> to vector<1024x1xf32>
    %mul3A_19 = arith.constant 2.000000e+00 : f32
    %mul3A_20 = vector.broadcast %mul3A_19 : f32 to vector<1024x1024xf32>
    %mul3A_21 = arith.mulf %mul3A_20, %dot_general3A_15 : vector<1024x1024xf32>
    %sub3A_22 = vector.broadcast %broadcast_in_dim3A : vector<1024x1xf32> to vector<1024x1024xf32>
    %sub3A_23 = arith.subf %sub3A_22, %mul3A_21 : vector<1024x1024xf32>
    %broadcast_in_dim3A_24 = vector.shape_cast %reduce_sum3A_14 : vector<1024xf32> to vector<1x1024xf32>
    %add3A = vector.broadcast %broadcast_in_dim3A_24 : vector<1x1024xf32> to vector<1024x1024xf32>
    %add3A_25 = arith.addf %sub3A_23, %add3A : vector<1024x1024xf32>
    %argmin3A = tpu.reduce_index %add3A_25 {axis = 1 : i32, kind = #tpu.reduction_kind<arg_min>} : vector<1024x1024xf32> -> vector<1024xi32>
    %swap3A_26 = arith.constant 0 : index
    %swap3A_27 = vector.load %arg5[%swap3A_26] : memref<1024xi32, #tpu.memory_space<vmem>>, vector<1024xi32>
    tpu.vector_store %arg5[%swap3A_26], %argmin3A {strides = array<i32>} : memref<1024xi32, #tpu.memory_space<vmem>>, vector<1024xi32>,
    return
  }
  func.func @transform_0(%arg0: i32) -> (i32, i32) {
    %c0_i32 = arith.constant 0 : i32
    %c0_i32_0 = arith.constant 0 : i32
    return %arg0, %c0_i32 : i32, i32
  }
  func.func @transform_1(%arg0: i32) -> (i32, i32) {
    %c0_i32 = arith.constant 0 : i32
    %c0_i32_0 = arith.constant 0 : i32
    return %arg0, %c0_i32 : i32, i32
  }
  func.func @transform_2(%arg0: i32) -> (i32, i32) {
    %c0_i32 = arith.constant 0 : i32
    %c0_i32_0 = arith.constant 0 : i32
    %c0_i32_1 = arith.constant 0 : i32
    return %c0_i32, %c0_i32_0 : i32, i32
  }
  func.func @transform_3(%arg0: i32) -> (i32, i32) {
    %add3A = arith.constant 0 : i32
    %add3A_0 = arith.addi %arg0, %add3A : i32
    %c0_i32 = arith.constant 0 : i32
    %c0_i32_1 = arith.constant 0 : i32
    return %add3A_0, %c0_i32 : i32, i32
  }
  func.func @transform_4(%arg0: i32) -> i32 {
    %c0_i32 = arith.constant 0 : i32
    return %arg0 : i32
  }
  func.func @transform_5(%arg0: i32) -> (i32, i32) {
    %c0_i32 = arith.constant 0 : i32
    %c0_i32_0 = arith.constant 0 : i32
    return %arg0, %c0_i32 : i32, i32
  }
}

</mosaic_0001>

<sc_bundles>
// kernel: kernel.18.cloned.1.call-start
scs
__scs_entry_jumppad:
0x0: {  	(pc) =	sbr.rel $0x88, $3  }
0x1: {  	(tag) =	ssettag $0x0;
	lr =	simm.s32 $0x1  }
0x2: {  	[smem:$0x3F9F] =	sst lr;
	_ =	strace $0xD0000000  }
0x3: {  	_ = 	snop  }
0x4: {  	_ = 	snop  }
0x5: {  	_ = 	snop  }
0x6: {  	_ = 	snop  }
0x7: {  	_ = 	snop  }
__scs_overlays_trampoline_lowered:
0x8: {  	[smem:$0x3FAE] =	sst s0  }
0x9: {  	[smem:$0x3FAF] =	sst s1  }
0xa: {  	[smem:$0x3FB0] =	sst s2  }
0xb: {  	[smem:$0x3FB1] =	sst s3  }
0xc: {  	[smem:$0x3FB2] =	sst s4  }
0xd: {  	[smem:$0x3FB3] =	sst s5  }
0xe: {  	[smem:$0x3FB4] =	sst s6  }
0xf: {  	[smem:$0x3FB5] =	sst s7  }
0x10: {  	[smem:$0x3FB6] =	sst s8  }
0x11: {  	[smem:$0x3FB7] =	sst s9;
	s0 =	simm.s32 @!p0 $0x0  }
0x12: {  	s1 =	sld [smem:$0x3F9D];
	s0 =	simm.s32 @p0 $0x1  }
0x13: {  	[smem:$0x3FB8] =	sst s0;
	s0 =	simm.s32 @!p1 $0x0  }
0x14: {  	s2 =	sld [smem:$0x3F9C];
	s0 =	simm.s32 @p1 $0x1  }
0x15: {  	[smem:$0x3FB9] =	sst s0;
	s0 =	simm.s32 @!p2 $0x0  }
0x16: {  	s3 =	sld [smem:$0x3FDB];
	s0 =	simm.s32 @p2 $0x1  }
0x17: {  	s4 =	simm.s32 $0x1BF5;
	[smem:$0x3FBB] =	sst s0  }
0x18: {  	s0 =	sld [smem:$0x3F9E];
	_ =	swait.ge [sflag:s4], $0x0  }
0x19: {  	s7 =	sld [smem:$0x3F9F]  }
0x1a: {  	s8 =	sadd.s32 $0xFFFFE003, lr  }
0x1b: {  	s9 =	sadd.s32 $0xFFFFFEF7, lr;
	s5 =	simm.s32 $0xFFFFFFFF;
	p2 =	slt.u32 s8, $0xFFFFF086  }
0x1c: {  	p1 =	slt.u32 s9, $0xF7A;
	s5 =	simm.s32 @!p2 $0x0  }
0x1d: {  	s5 =	simm.s32 @p1 $0x1;
	p0 =	seq.s32 s7, s2  }
0x1e: {  	s7 =	smul.u32 @!p0 $0xF7A, s2;
	p2 =	seq.s32 @!p0 s5, $0x0  }
0x1f: {  	s9 =	smul.u32 $0xF7A, s1;
	s8 =	simm.s32 @!p0 $0x1BF5;
	p2 =	por !p2, p0  }
0x20: {  	[sflag:s8] =	ssyncset.s32 @!p0 $0xFFFFF086;
	s6 =	sadd.s32 @!p0 s3, s7;
	s7 =	simm.s32 @!p0 $0x108  }
0x21: {  	s3 =	sadd.s32 s3, s9;
	s6 =	sadd.s32 @!p0 $0x88, s6;
	s7 =	simm.s32 @p2 $0x1082  }
0x22: {  	[simem:s7], [sflag:s8] =	dma.local @!p0 [hbm:s6], $0xF7A  }
0x23: {  	s9 =	sor.u32 $0xD0000000, s2;
	s6 =	simm.s32 $0x108;
	_ =	swait.ge @!p0 [sflag:s8], $0x0  }
0x24: {  	s3 =	sadd.s32 $0x88, s3;
	s6 =	simm.s32 @!p1 $0x1082;
	[sflag:s4] =	ssyncset.s32 $0xFFFFF086  }
0x25: {  	[simem:s6], [sflag:s4] =	dma.local [hbm:s3], $0xF7A  }
0x26: {  	[smem:$0x3F9F] =	sst s1;
	(tag) =	ssettag s2;
	_ =	strace s9  }
0x27: {  	s1 =	sld [smem:$0x3FAF]  }
0x28: {  	s2 =	sld [smem:$0x3FB0]  }
0x29: {  	s4 =	sld [smem:$0x3FB2]  }
0x2a: {  	p0 =	seq.s32 s5, $0x0;
	s5 =	sld [smem:$0x3FB3]  }
0x2b: {  	s6 =	sld [smem:$0x3FB4]  }
0x2c: {  	s7 =	sld [smem:$0x3FB5]  }
0x2d: {  	s3 =	simm.s32 $0x108;
	s8 =	sld [smem:$0x3FB6]  }
0x2e: {  	s3 =	simm.s32 @!p0 $0x1082;
	s9 =	sld [smem:$0x3FB7]  }
0x2f: {  	lr =	sadd.s32 s0, s3;
	s0 =	sld [smem:$0x3FAE]  }
0x30: {  	s3 =	sld [smem:$0x3FB1]  }
0x31: {  	[smem:$0x3FBA] =	sst s10  }
0x32: {  	s10 =	sld [smem:$0x3FB8];
	_ =	sdelay $0x3  }
0x33: {  	p0 =	seq.s32 s10, $0x1;
	s10 =	sld [smem:$0x3FBA];
	_ =	sdelay $0x3  }
0x34: {  	[smem:$0x3FBA] =	sst s10  }
0x35: {  	s10 =	sld [smem:$0x3FB9];
	_ =	sdelay $0x3  }
0x36: {  	p1 =	seq.s32 s10, $0x1;
	s10 =	sld [smem:$0x3FBA];
	_ =	sdelay $0x3  }
0x37: {  	[smem:$0x3FBA] =	sst s10  }
0x38: {  	s10 =	sld [smem:$0x3FBB]  }
0x39: {  	_ = 	snop;
	(pc) =	sbr.ind lr, $3  }
0x3a: {  	_ = 	snop  }
0x3b: {  	_ = 	snop  }
0x3c: {  	p2 =	seq.s32 s10, $0x1;
	s10 =	sld [smem:$0x3FBA]  }
0x3d: {  	_ =	shalt  }
0x3e: {  	_ =	shalt  }
0x3f: {  	_ =	shalt  }
0x40: {  	_ =	shalt  }
0x41: {  	_ =	shalt  }
0x42: {  	_ =	shalt  }
0x43: {  	_ =	shalt  }
0x44: {  	_ =	shalt  }
0x45: {  	_ =	shalt  }
0x46: {  	_ =	shalt  }
0x47: {  	_ =	shalt  }
0x48: {  	_ =	shalt  }
0x49: {  	_ =	shalt  }
0x4a: {  	_ =	shalt  }
0x4b: {  	_ =	shalt  }
0x4c: {  	_ =	shalt  }
0x4d: {  	_ =	shalt  }
0x4e: {  	_ =	shalt  }
0x4f: {  	_ =	shalt  }
0x50: {  	_ =	shalt  }
0x51: {  	_ =	shalt  }
0x52: {  	_ =	shalt  }
0x53: {  	_ =	shalt  }
0x54: {  	_ =	shalt  }
0x55: {  	_ =	shalt  }
0x56: {  	_ =	shalt  }
0x57: {  	_ =	shalt  }
0x58: {  	_ =	shalt  }
0x59: {  	_ =	shalt  }
0x5a: {  	_ =	shalt  }
0x5b: {  	_ =	shalt  }
0x5c: {  	_ =	shalt  }
0x5d: {  	_ =	shalt  }
0x5e: {  	_ =	shalt  }
0x5f: {  	_ =	shalt  }
0x60: {  	_ =	shalt  }
0x61: {  	_ =	shalt  }
0x62: {  	_ =	shalt  }
0x63: {  	_ =	shalt  }
0x64: {  	_ =	shalt  }
0x65: {  	_ =	shalt  }
0x66: {  	_ =	shalt  }
0x67: {  	_ =	shalt  }
0x68: {  	_ =	shalt  }
0x69: {  	_ =	shalt  }
0x6a: {  	_ =	shalt  }
0x6b: {  	_ =	shalt  }
0x6c: {  	_ =	shalt  }
0x6d: {  	_ =	shalt  }
0x6e: {  	_ =	shalt  }
0x6f: {  	_ =	shalt  }
0x70: {  	_ =	shalt  }
0x71: {  	_ =	shalt  }
0x72: {  	_ =	shalt  }
0x73: {  	_ =	shalt  }
0x74: {  	_ =	shalt  }
0x75: {  	_ =	shalt  }
0x76: {  	_ =	shalt  }
0x77: {  	_ =	shalt  }
0x78: {  	_ =	shalt  }
0x79: {  	_ =	shalt  }
0x7a: {  	_ =	shalt  }
0x7b: {  	_ =	shalt  }
0x7c: {  	_ =	shalt  }
0x7d: {  	_ =	shalt  }
0x7e: {  	_ =	shalt  }
0x7f: {  	_ =	shalt  }
0x80: {  	_ =	shalt  }
0x81: {  	_ =	shalt  }
0x82: {  	_ =	shalt  }
0x83: {  	_ =	shalt  }
0x84: {  	_ =	shalt  }
0x85: {  	_ =	shalt  }
0x86: {  	_ =	shalt  }
0x87: {  	_ =	shalt  }
.Lfunc_end0:
.L_simem_size_0:
called_computation_lowered:
.L_overlay_start_0:
0x88: {  	s2 =	sld [smem:$0x3FD9]  }
0x89: {  	s3 =	sld [smem:$0x3FFE];
	_ =	sdelay $0x1  }
0x8a: {  	s1 =	srdreg.scid  }
0x8b: {  	s0 =	sand.u32 $0x1, s1  }
0x8c: {  	s17 =	sshll.u32 s0, $0xA;
	s2 =	sadd.s32 s3, s2  }
0x8d: {  	s2 =	sadd.s32 s2, s17  }
0x8e: {  	[smem:$0x3FC6] =	sst s2  }
0x8f: {  	_ = 	snop  }
0x90: {  	(tm) =	ssettm $0x1  }
0x91: {  	s18 =	sld [smem:$0x3FFB];
	_ =	sdelay $0x3  }
0x92: {  	_ =	strace s18  }
0x93: {  	s2 =	sld [smem:$0x3FFC];
	_ =	sdelay $0x3  }
0x94: {  	_ =	strace s2  }
0x95: {  	s2 =	sld [smem:$0x3FFD];
	_ =	sdelay $0x3  }
0x96: {  	_ =	strace s2  }
0x97: {  	_ =	strace $0x8FFFFFFF  }
0x98: {  	s19 =	sld [smem:$0x3FDB];
	_ =	sdelay $0x1  }
0x99: {  	s20 =	simm.s32 $_scs_section_size  }
0x9a: {  	s4 =	simm.s32 $_size__tile_overlayer_lowered;
	s5 =	simm.s32 $_tile_overlayer_lowered  }
0x9b: {  	s6 =	simm.s32 $0x1BFF;
	s21 =	sshll.u32 s5, $0x1;
	s3 =	sadd.s32 s20, s19  }
0x9c: {  	s22 =	simm.s32 $0x0;
	s4 =	sshll.u32 s4, $0x1;
	s5 =	sadd.s32 s21, s3  }
0x9d: {  	[timem:s22], [sflag:s6] =	dma.local [hbm:s5], s4  }
0x9e: {  	_ =	swait.ge [sflag:s6], s4  }
0x9f: {  	s4 =	ssub.s32 $0x0, s4;
	[sflag:s6] =	ssyncset.done $0x0  }
0xa0: {  	[sflag:s6] =	ssyncadd.s32 s4;
	_ =	sdelay $0x1  }
0xa1: {  	s23 =	simm.s32 $0x1B8B  }
0xa2: {  	_ =	swait.ge [sflag:s23], $0x1  }
0xa3: {  	[sflag:s23] =	ssyncset.done $0x0  }
0xa4: {  	[sflag:s23] =	ssyncadd.s32 $0xFFFFFFFF  }
0xa5: {  	s4 =	sld [smem:$0x0]  }
0xa6: {  	s5 =	sand.u32 $0xFFFFFFFE, s1  }
0xa7: {  	p0 =	sne.s32 s1, s5  }
0xa8: {  	s5 =	sshll.u32 @p0 s5, $0xE  }
0xa9: {  	s5 =	sadd.s32 @p0 $0x11B8D, s5;
	s6 =	sshll.u32 @p0 s4, $0x11  }
0xaa: {  	s5 =	sor.u32 @p0 s6, s5  }
0xab: {  	[sflag:s5] =	ssyncadd.remote.s32 @p0 $0x1;
	_ =	sdelay $0x1  }
0xac: {  	s5 =	simm.s32 @p0 $0x1B8D  }
0xad: {  	_ =	swait.eq @p0 [sflag:s5], $0x1  }
0xae: {  	[sflag:s5] =	ssyncadd.s32 @p0 $0xFFFFFFFF  }
0xaf: {  	s6 =	sshll.u32 @!p0 s1, $0xE  }
0xb0: {  	s6 =	sor.u32 @!p0 $0x4000, s6;
	s5 =	simm.s32 @!p0 $0x1B8D  }
0xb1: {  	s4 =	sshll.u32 @!p0 s4, $0x11;
	s6 =	sadd.s32 @!p0 $0x11B8D, s6;
	_ =	swait.eq @!p0 [sflag:s5], $0x1  }
0xb2: {  	s4 =	sor.u32 @!p0 s4, s6;
	[sflag:s5] =	ssyncadd.s32 @!p0 $0xFFFFFFFF  }
0xb3: {  	s25 =	simm.s32 $0x1B8E;
	s24 =	sld [smem:$0x3FFE];
	[sflag:s4] =	ssyncadd.remote.s32 @!p0 $0x1  }
0xb4: {  	s26 =	simm.s32 $execute0_lowered;
	[smem:$0x3FD2] =	sst s25  }
0xb5: {  	s5 =	sshll.u32 s26, $0x1;
	_ =	strace $0x80000049;
	[dreg:$0x1] =	wrdreg $0xFFFFFFFF  }
0xb6: {  	s28 =	simm.s32 $_size_execute0_lowered;
	s3 =	sadd.s32 s3, s5;
	[dreg:$0x0] =	wrdreg $0x0  }
0xb7: {  	s5 =	sshll.u32 s28, $0x1;
	[dreg:$0x2] =	wrdreg s3  }
0xb8: {  	[dreg:$0x3] =	wrdreg s5  }
0xb9: {  	[dreg:$0x4] =	wrdreg $0xC0  }
0xba: {  	_ =	task [dreg:s22], $0x5FFFF  }
0xbb: {  	[dreg:$0x1] =	wrdreg $0xFFFFFFFF  }
0xbc: {  	[dreg:$0x0] =	wrdreg $0x60  }
0xbd: {  	[dreg:$0x2] =	wrdreg s24  }
0xbe: {  	[dreg:$0x3] =	wrdreg $0x9  }
0xbf: {  	_ =	task.clear_ibuf [dreg:s22], $0x4FFFF;
	_ =	strace $0x90000049  }
0xc0: {  	s29 =	simm.s32 $0x9;
	_ =	strace $0x8000004B  }
0xc1: {  	_ =	swait.ge [sflag:s29], $0x1  }
0xc2: {  	[sflag:s29] =	ssyncadd.s32 $0xFFFFFFFF  }
0xc3: {  	_ =	strace $0x9000004B  }
0xc4: {  	_ =	sfence  }
0xc5: {  	s30 =	sld [smem:$0x0];
	_ =	sdelay $0x2  }
0xc6: {  	s31 =	sshll.u32 s1, $0xD;
	s1 =	sshrl.u32 s1, $0x2  }
0xc7: {  	s4 =	sand.u32 $0x4000, s31;
	s1 =	sadd.s32 s1, s30  }
0xc8: {  	s0 =	sor.u32 s4, s0;
	s1 =	sshll.u32 s1, $0x11  }
0xc9: {  	s0 =	sor.u32 s1, s0  }
0xca: {  	s0 =	sadd.s32 $0x8F2B, s0  }
0xcb: {  	[sflag:s0] =	ssyncadd.remote.s32 $0x1  }
0xcc: {  	_ =	sfence.sel $0xFFFF  }
0xcd: {  	[dreg:$0x0] =	wrdreg $0xFFFFFFFF;
	(pc) =	sbr.abs _section_cstart, $3  }
0xce: {  	[dreg:$0x1] =	wrdreg $0xFFFFFFFF  }
0xcf: {  	_ =	task.clear_ibuf [dreg:s22], $0x2FFFF;
	_ =	strace $0x9FFFFFFF  }
0xd0: {  	(tm) =	ssettm $0x7FFFFFFF  }
0xd1: {  	_ =	shalt  }
tec
execute0_lowered:
.L_overlay_start_1:
0x0: {  	(tag) =	ssettag $0x1  }
0x1: {  	s1 =	srdreg.scid;
	s0 =	stileid.u32  }
0x2: {  	s12 =	sand.u32 $0x1, s1;
	s29 =	sshll.u32 s0, $0x1  }
0x3: {  	s13 =	sor.u32 s12, s29  }
0x4: {  	s14 =	rddreg [dreg:$0x0];
	s3 =	smul.u32 $0x24, s13  }
0x5: {  	s2 =	simm.s32 $0x0;
	s1 =	rddreg [dreg:$0x1]  }
0x6: {  	[smem:$0x7FF] =	sst s2;
	s3 =	sadd.s32 s3, s14  }
0x7: {  	_ =	strace $0x8000004A;
	s4 =	sadd.s32 $0x4FA00, s3;
	s3 =	simm.s32 $0x2  }
0x8: {  	[tilespmem:s2], [sflag:$0x2] =	stream.linear.gather [hbm4b:s4+s2], $0x120, $0x38;
	[tilespmem:$0x4920] =	vst v63  }
0x9: {  	_ =	swait.ge [sflag:s3], $0x120  }
0xa: {  	s6 =	simm.s32 $0x60;
	[sflag:s3] =	ssyncset.done $0x0  }
0xb: {  	s7 =	simm.s32 $0x120;
	s5 =	sadd.s32 $0x5400, s14;
	[sflag:s3] =	ssyncadd.s32 $0xFFFFFEE0  }
0xc: {  	[tilespmem:s7], [sflag:$0x1] =	stream.indirect.gather [hbm4b:s5+s6], $0x40, s2, s6, $0xb8;
	[tilespmem:$0x4920] =	vst v63  }
0xd: {  	s8 =	simm.s32 $0x1920  }
0xe: {  	[tilespmem:s8], [sflag:$0x1] =	stream.indirect.gather [hbm4b:s5+s6], $0x40, s6, s6, $0xb8;
	[tilespmem:$0x4920] =	vst v63  }
0xf: {  	s9 =	simm.s32 $0xC0;
	s10 =	simm.s32 $0x3120;
	s11 =	simm.s32 $0x1  }
0x10: {  	[tilespmem:s10], [sflag:$0x1] =	stream.indirect.gather [hbm4b:s5+s6], $0x40, s9, s6, $0xb8;
	[tilespmem:$0x4920] =	vst v63  }
0x11: {  	_ =	swait.ge [sflag:s11], $0x1800  }
0x12: {  	[sflag:s11] =	ssyncset.done $0x0  }
0x13: {  	s12 =	ssub.s32 $0x2, s12;
	[sflag:s11] =	ssyncadd.s32 $0xFFFFE800  }
0x14: {  	s15 =	sshrl.u32 s12, $0x1;
	_ =	swait.ge [sflag:s11], $0x1800  }
0x15: {  	s30 =	ssub.s32 s12, s15;
	[sflag:s11] =	ssyncset.done $0x0  }
0x16: {  	s13 =	smul.u32 $0x900, s13;
	s31 =	smax.u32 s30, $0x1;
	[sflag:s11] =	ssyncadd.s32 $0xFFFFE800  }
0x17: {  	p0 =	sne.s32 s31, $0x1;
	_ =	swait.ge [sflag:s11], $0x1800  }
.Ltmp0:
0x18: {  	s13 =	sadd.s32 s13, s14;
	[sflag:s11] =	ssyncset.done $0x0;
	(pc) =	sbr.rel @!p0 .LBB2_2-.Ltmp0, $4  }
0x19: {  	s12 =	sadd.s32 $0x50000, s13;
	[sflag:s11] =	ssyncadd.s32 $0xFFFFE800  }
0x1a: {  	[hbm4b:s12+s2] =	stream.linear.scatter [tilespmem:s7], [sflag:$0x2], $0x4800, $0x38;
	[tilespmem:$0x4920] =	vst v63  }
0x1b: {  	_ =	swait.ge [sflag:s3], $0x4800  }
0x1c: {  	s13 =	sadd.s32 $0xFFFFFFFF, s31;
	[sflag:s3] =	ssyncset.done $0x0  }
.LBB2_1:
0x1d: {  	p0 =	sne.s32 s13, $0x1;
	s13 =	sadd.s32 $0xFFFFFFFF, s13;
	[sflag:s3] =	ssyncadd.s32 $0xFFFFB800  }
0x1e: {  	[tilespmem:s2], [sflag:$0x2] =	stream.linear.gather [hbm4b:s4+s2], $0x120, $0x38;
	[tilespmem:$0x4920] =	vst v63  }
0x1f: {  	_ =	swait.ge [sflag:s3], $0x120  }
0x20: {  	[sflag:s3] =	ssyncset.done $0x0  }
0x21: {  	[sflag:s3] =	ssyncadd.s32 $0xFFFFFEE0  }
0x22: {  	[tilespmem:s7], [sflag:$0x1] =	stream.indirect.gather [hbm4b:s5+s6], $0x40, s2, s6, $0xb8;
	[tilespmem:$0x4920] =	vst v63  }
0x23: {  	_ = 	snop  }
0x24: {  	[tilespmem:s8], [sflag:$0x1] =	stream.indirect.gather [hbm4b:s5+s6], $0x40, s6, s6, $0xb8;
	[tilespmem:$0x4920] =	vst v63  }
0x25: {  	_ = 	snop  }
0x26: {  	[tilespmem:s10], [sflag:$0x1] =	stream.indirect.gather [hbm4b:s5+s6], $0x40, s9, s6, $0xb8;
	[tilespmem:$0x4920] =	vst v63  }
0x27: {  	_ =	swait.ge [sflag:s11], $0x1800  }
0x28: {  	[sflag:s11] =	ssyncset.done $0x0  }
0x29: {  	[sflag:s11] =	ssyncadd.s32 $0xFFFFE800  }
0x2a: {  	_ =	swait.ge [sflag:s11], $0x1800  }
0x2b: {  	[sflag:s11] =	ssyncset.done $0x0  }
0x2c: {  	[sflag:s11] =	ssyncadd.s32 $0xFFFFE800  }
0x2d: {  	_ =	swait.ge [sflag:s11], $0x1800  }
.Ltmp1:
0x2e: {  	[sflag:s11] =	ssyncset.done $0x0;
	(pc) =	sbr.rel @p0 .LBB2_1-.Ltmp1, $4  }
0x2f: {  	[sflag:s11] =	ssyncadd.s32 $0xFFFFE800  }
0x30: {  	[hbm4b:s12+s2] =	stream.linear.scatter [tilespmem:s7], [sflag:$0x2], $0x4800, $0x38;
	[tilespmem:$0x4920] =	vst v63  }
0x31: {  	_ =	swait.ge [sflag:s3], $0x4800  }
0x32: {  	[sflag:s3] =	ssyncset.done $0x0  }
.LBB2_2:
0x33: {  	[sflag:s3] =	ssyncadd.s32 $0xFFFFB800  }
0x34: {  	_ =	sfence.sel $0x180000  }
0x35: {  	[bflag:$0x0] =	sbarrier.arrive $0xFFFF  }
0x36: {  	p0 =	sne.s32 s0, $0x0;
	_ =	strace $0x9000004A  }
0x37: {  	s0 =	sadd.s32 @!p0 $0x100000, s1;
	[bflag:$0x2] =	sbarrier.arrive $0xFFFF  }
0x38: {  	[sflag:s0] =	ssyncadd.tile.s32 @!p0 $0x1;
	_ =	shalt  }
.Lfunc_end2:
_tile_overlayer_lowered:
.L_overlay_start_2:
0x39: {  	(tag) =	ssettag $0x2  }
0x3a: {  	s0 =	rddreg [dreg:$0x0];
	s2 =	stileid.u32  }
0x3b: {  	s1 =	rddreg [dreg:$0x1];
	p0 =	sne.s32 s2, $0x0  }
0x3c: {  	s3 =	rddreg [dreg:$0x2];
	[bflag:$0x3] =	sbarrier.arrive $0xFFFF;
	s2 =	simm.s32 @!p0 $0x1C02  }
0x3d: {  	[timem:s3], [sflag:s2] =	dma.local @!p0 [hbm:s0], s1  }
0x3e: {  	s0 =	simm.s32 @!p0 $0x2  }
0x3f: {  	_ =	swait.ge @!p0 [sflag:s0], s1  }
0x40: {  	s1 =	ssub.s32 @!p0 $0x0, s1;
	[sflag:s0] =	ssyncset.done @!p0 $0x0  }
0x41: {  	[sflag:s0] =	ssyncadd.s32 @!p0 s1  }
0x42: {  	[bflag:$0x3] =	sbarrier.arrive $0xFFFF  }
0x43: {  	_ =	shalt  }

// kernel: kernel.21.cloned.1.call-start
scs
__scs_entry_jumppad:
0x0: {  	(pc) =	sbr.rel $0x88, $3  }
0x1: {  	(tag) =	ssettag $0x0;
	lr =	simm.s32 $0x1  }
0x2: {  	[smem:$0x3F9F] =	sst lr;
	_ =	strace $0xD0000000  }
0x3: {  	_ = 	snop  }
0x4: {  	_ = 	snop  }
0x5: {  	_ = 	snop  }
0x6: {  	_ = 	snop  }
0x7: {  	_ = 	snop  }
__scs_overlays_trampoline_lowered:
0x8: {  	[smem:$0x3FAE] =	sst s0  }
0x9: {  	[smem:$0x3FAF] =	sst s1  }
0xa: {  	[smem:$0x3FB0] =	sst s2  }
0xb: {  	[smem:$0x3FB1] =	sst s3  }
0xc: {  	[smem:$0x3FB2] =	sst s4  }
0xd: {  	[smem:$0x3FB3] =	sst s5  }
0xe: {  	[smem:$0x3FB4] =	sst s6  }
0xf: {  	[smem:$0x3FB5] =	sst s7  }
0x10: {  	[smem:$0x3FB6] =	sst s8  }
0x11: {  	[smem:$0x3FB7] =	sst s9;
	s0 =	simm.s32 @!p0 $0x0  }
0x12: {  	s1 =	sld [smem:$0x3F9D];
	s0 =	simm.s32 @p0 $0x1  }
0x13: {  	[smem:$0x3FB8] =	sst s0;
	s0 =	simm.s32 @!p1 $0x0  }
0x14: {  	s2 =	sld [smem:$0x3F9C];
	s0 =	simm.s32 @p1 $0x1  }
0x15: {  	[smem:$0x3FB9] =	sst s0;
	s0 =	simm.s32 @!p2 $0x0  }
0x16: {  	s3 =	sld [smem:$0x3FDB];
	s0 =	simm.s32 @p2 $0x1  }
0x17: {  	s4 =	simm.s32 $0x1BF5;
	[smem:$0x3FBB] =	sst s0  }
0x18: {  	s0 =	sld [smem:$0x3F9E];
	_ =	swait.ge [sflag:s4], $0x0  }
0x19: {  	s7 =	sld [smem:$0x3F9F]  }
0x1a: {  	s8 =	sadd.s32 $0xFFFFE003, lr  }
0x1b: {  	s9 =	sadd.s32 $0xFFFFFEF7, lr;
	s5 =	simm.s32 $0xFFFFFFFF;
	p2 =	slt.u32 s8, $0xFFFFF086  }
0x1c: {  	p1 =	slt.u32 s9, $0xF7A;
	s5 =	simm.s32 @!p2 $0x0  }
0x1d: {  	s5 =	simm.s32 @p1 $0x1;
	p0 =	seq.s32 s7, s2  }
0x1e: {  	s7 =	smul.u32 @!p0 $0xF7A, s2;
	p2 =	seq.s32 @!p0 s5, $0x0  }
0x1f: {  	s9 =	smul.u32 $0xF7A, s1;
	s8 =	simm.s32 @!p0 $0x1BF5;
	p2 =	por !p2, p0  }
0x20: {  	[sflag:s8] =	ssyncset.s32 @!p0 $0xFFFFF086;
	s6 =	sadd.s32 @!p0 s3, s7;
	s7 =	simm.s32 @!p0 $0x108  }
0x21: {  	s3 =	sadd.s32 s3, s9;
	s6 =	sadd.s32 @!p0 $0x88, s6;
	s7 =	simm.s32 @p2 $0x1082  }
0x22: {  	[simem:s7], [sflag:s8] =	dma.local @!p0 [hbm:s6], $0xF7A  }
0x23: {  	s9 =	sor.u32 $0xD0000000, s2;
	s6 =	simm.s32 $0x108;
	_ =	swait.ge @!p0 [sflag:s8], $0x0  }
0x24: {  	s3 =	sadd.s32 $0x88, s3;
	s6 =	simm.s32 @!p1 $0x1082;
	[sflag:s4] =	ssyncset.s32 $0xFFFFF086  }
0x25: {  	[simem:s6], [sflag:s4] =	dma.local [hbm:s3], $0xF7A  }
0x26: {  	[smem:$0x3F9F] =	sst s1;
	(tag) =	ssettag s2;
	_ =	strace s9  }
0x27: {  	s1 =	sld [smem:$0x3FAF]  }
0x28: {  	s2 =	sld [smem:$0x3FB0]  }
0x29: {  	s4 =	sld [smem:$0x3FB2]  }
0x2a: {  	p0 =	seq.s32 s5, $0x0;
	s5 =	sld [smem:$0x3FB3]  }
0x2b: {  	s6 =	sld [smem:$0x3FB4]  }
0x2c: {  	s7 =	sld [smem:$0x3FB5]  }
0x2d: {  	s3 =	simm.s32 $0x108;
	s8 =	sld [smem:$0x3FB6]  }
0x2e: {  	s3 =	simm.s32 @!p0 $0x1082;
	s9 =	sld [smem:$0x3FB7]  }
0x2f: {  	lr =	sadd.s32 s0, s3;
	s0 =	sld [smem:$0x3FAE]  }
0x30: {  	s3 =	sld [smem:$0x3FB1]  }
0x31: {  	[smem:$0x3FBA] =	sst s10  }
0x32: {  	s10 =	sld [smem:$0x3FB8];
	_ =	sdelay $0x3  }
0x33: {  	p0 =	seq.s32 s10, $0x1;
	s10 =	sld [smem:$0x3FBA];
	_ =	sdelay $0x3  }
0x34: {  	[smem:$0x3FBA] =	sst s10  }
0x35: {  	s10 =	sld [smem:$0x3FB9];
	_ =	sdelay $0x3  }
0x36: {  	p1 =	seq.s32 s10, $0x1;
	s10 =	sld [smem:$0x3FBA];
	_ =	sdelay $0x3  }
0x37: {  	[smem:$0x3FBA] =	sst s10  }
0x38: {  	s10 =	sld [smem:$0x3FBB]  }
0x39: {  	_ = 	snop;
	(pc) =	sbr.ind lr, $3  }
0x3a: {  	_ = 	snop  }
0x3b: {  	_ = 	snop  }
0x3c: {  	p2 =	seq.s32 s10, $0x1;
	s10 =	sld [smem:$0x3FBA]  }
0x3d: {  	_ =	shalt  }
0x3e: {  	_ =	shalt  }
0x3f: {  	_ =	shalt  }
0x40: {  	_ =	shalt  }
0x41: {  	_ =	shalt  }
0x42: {  	_ =	shalt  }
0x43: {  	_ =	shalt  }
0x44: {  	_ =	shalt  }
0x45: {  	_ =	shalt  }
0x46: {  	_ =	shalt  }
0x47: {  	_ =	shalt  }
0x48: {  	_ =	shalt  }
0x49: {  	_ =	shalt  }
0x4a: {  	_ =	shalt  }
0x4b: {  	_ =	shalt  }
0x4c: {  	_ =	shalt  }
0x4d: {  	_ =	shalt  }
0x4e: {  	_ =	shalt  }
0x4f: {  	_ =	shalt  }
0x50: {  	_ =	shalt  }
0x51: {  	_ =	shalt  }
0x52: {  	_ =	shalt  }
0x53: {  	_ =	shalt  }
0x54: {  	_ =	shalt  }
0x55: {  	_ =	shalt  }
0x56: {  	_ =	shalt  }
0x57: {  	_ =	shalt  }
0x58: {  	_ =	shalt  }
0x59: {  	_ =	shalt  }
0x5a: {  	_ =	shalt  }
0x5b: {  	_ =	shalt  }
0x5c: {  	_ =	shalt  }
0x5d: {  	_ =	shalt  }
0x5e: {  	_ =	shalt  }
0x5f: {  	_ =	shalt  }
0x60: {  	_ =	shalt  }
0x61: {  	_ =	shalt  }
0x62: {  	_ =	shalt  }
0x63: {  	_ =	shalt  }
0x64: {  	_ =	shalt  }
0x65: {  	_ =	shalt  }
0x66: {  	_ =	shalt  }
0x67: {  	_ =	shalt  }
0x68: {  	_ =	shalt  }
0x69: {  	_ =	shalt  }
0x6a: {  	_ =	shalt  }
0x6b: {  	_ =	shalt  }
0x6c: {  	_ =	shalt  }
0x6d: {  	_ =	shalt  }
0x6e: {  	_ =	shalt  }
0x6f: {  	_ =	shalt  }
0x70: {  	_ =	shalt  }
0x71: {  	_ =	shalt  }
0x72: {  	_ =	shalt  }
0x73: {  	_ =	shalt  }
0x74: {  	_ =	shalt  }
0x75: {  	_ =	shalt  }
0x76: {  	_ =	shalt  }
0x77: {  	_ =	shalt  }
0x78: {  	_ =	shalt  }
0x79: {  	_ =	shalt  }
0x7a: {  	_ =	shalt  }
0x7b: {  	_ =	shalt  }
0x7c: {  	_ =	shalt  }
0x7d: {  	_ =	shalt  }
0x7e: {  	_ =	shalt  }
0x7f: {  	_ =	shalt  }
0x80: {  	_ =	shalt  }
0x81: {  	_ =	shalt  }
0x82: {  	_ =	shalt  }
0x83: {  	_ =	shalt  }
0x84: {  	_ =	shalt  }
0x85: {  	_ =	shalt  }
0x86: {  	_ =	shalt  }
0x87: {  	_ =	shalt  }
.Lfunc_end0:
.L_simem_size_0:
called_computation.1_lowered:
.L_overlay_start_0:
0x88: {  	s2 =	sld [smem:$0x3FD9]  }
0x89: {  	s3 =	sld [smem:$0x3FFE];
	_ =	sdelay $0x1  }
0x8a: {  	s1 =	srdreg.scid  }
0x8b: {  	s0 =	sand.u32 $0x1, s1  }
0x8c: {  	s17 =	sshll.u32 s0, $0xA;
	s2 =	sadd.s32 s3, s2  }
0x8d: {  	s2 =	sadd.s32 s2, s17  }
0x8e: {  	[smem:$0x3FC6] =	sst s2  }
0x8f: {  	_ = 	snop  }
0x90: {  	s2 =	sld [smem:$0x3FD0];
	(tm) =	ssettm $0x1  }
0x91: {  	s18 =	sld [smem:$0x3FFB];
	_ =	sdelay $0x3  }
0x92: {  	_ =	strace s18  }
0x93: {  	s3 =	sld [smem:$0x3FFC];
	_ =	sdelay $0x3  }
0x94: {  	_ =	strace s3  }
0x95: {  	s3 =	sld [smem:$0x3FFD];
	_ =	sdelay $0x3  }
0x96: {  	_ =	strace s3  }
0x97: {  	_ =	strace $0x8FFFFFFF  }
0x98: {  	s19 =	sld [smem:$0x3FDB];
	_ =	sdelay $0x1  }
0x99: {  	s4 =	simm.s32 $_scs_section_size  }
0x9a: {  	s5 =	simm.s32 $_size__tile_overlayer_lowered;
	s6 =	simm.s32 $_tile_overlayer_lowered  }
0x9b: {  	s22 =	simm.s32 $0x1BFF;
	s21 =	sshll.u32 s6, $0x1;
	s3 =	sadd.s32 s4, s19  }
0x9c: {  	s7 =	simm.s32 $0x0;
	s20 =	sshll.u32 s5, $0x1;
	s5 =	sadd.s32 s21, s3  }
0x9d: {  	[timem:s7], [sflag:s22] =	dma.local [hbm:s5], s20  }
0x9e: {  	_ =	swait.ge [sflag:s22], s20  }
0x9f: {  	s4 =	ssub.s32 $0x0, s20;
	[sflag:s22] =	ssyncset.done $0x0  }
0xa0: {  	[sflag:s22] =	ssyncadd.s32 s4;
	_ =	sdelay $0x1  }
0xa1: {  	s23 =	simm.s32 $0x1B8B  }
0xa2: {  	_ =	swait.ge [sflag:s23], $0x1  }
0xa3: {  	[sflag:s23] =	ssyncset.done $0x0  }
0xa4: {  	s25 =	simm.s32 $0x1B8E;
	s24 =	sld [smem:$0x3FFE];
	[sflag:s23] =	ssyncadd.s32 $0xFFFFFFFF  }
0xa5: {  	s26 =	simm.s32 $execute0_lowered;
	[smem:$0x3FD2] =	sst s25  }
0xa6: {  	s5 =	sshll.u32 s26, $0x1;
	_ =	strace $0x80000046;
	[dreg:$0x1] =	wrdreg $0xFFFFFFFF  }
0xa7: {  	s28 =	simm.s32 $_size_execute0_lowered;
	s3 =	sadd.s32 s3, s5;
	[dreg:$0x0] =	wrdreg $0x0  }
0xa8: {  	s5 =	sshll.u32 s28, $0x1;
	[dreg:$0x2] =	wrdreg s3  }
0xa9: {  	[dreg:$0x3] =	wrdreg s5  }
0xaa: {  	[dreg:$0x4] =	wrdreg $0xC0  }
0xab: {  	_ =	task [dreg:s7], $0x5FFFF  }
0xac: {  	[dreg:$0x1] =	wrdreg $0xFFFFFFFF  }
0xad: {  	[dreg:$0x0] =	wrdreg $0x60  }
0xae: {  	[dreg:$0x2] =	wrdreg s24  }
0xaf: {  	[dreg:$0x3] =	wrdreg s2  }
0xb0: {  	[dreg:$0x4] =	wrdreg $0xA  }
0xb1: {  	_ =	task.clear_ibuf [dreg:s7], $0x5FFFF;
	_ =	strace $0x90000046  }
0xb2: {  	s29 =	simm.s32 $0xA;
	_ =	strace $0x80000048  }
0xb3: {  	_ =	swait.ge [sflag:s29], $0x1  }
0xb4: {  	[sflag:s29] =	ssyncadd.s32 $0xFFFFFFFF  }
0xb5: {  	_ =	strace $0x90000048  }
0xb6: {  	_ =	sfence  }
0xb7: {  	s30 =	sld [smem:$0x0];
	_ =	sdelay $0x2  }
0xb8: {  	s31 =	sshll.u32 s1, $0xD;
	s1 =	sshrl.u32 s1, $0x2  }
0xb9: {  	s3 =	sand.u32 $0x4000, s31;
	s1 =	sadd.s32 s1, s30  }
0xba: {  	s0 =	sor.u32 s3, s0;
	s1 =	sshll.u32 s1, $0x11  }
0xbb: {  	s0 =	sor.u32 s1, s0  }
0xbc: {  	s0 =	sadd.s32 $0x8F2B, s0  }
0xbd: {  	[sflag:s0] =	ssyncadd.remote.s32 $0x1  }
0xbe: {  	_ =	sfence.sel $0xFFFF  }
0xbf: {  	[dreg:$0x0] =	wrdreg $0xFFFFFFFF;
	(pc) =	sbr.abs _section_cstart, $3  }
0xc0: {  	[dreg:$0x1] =	wrdreg $0xFFFFFFFF  }
0xc1: {  	_ =	task.clear_ibuf [dreg:s7], $0x2FFFF;
	_ =	strace $0x9FFFFFFF  }
0xc2: {  	(tm) =	ssettm $0x7FFFFFFF  }
0xc3: {  	_ =	shalt  }
tec
execute0_lowered:
.L_overlay_start_1:
0x0: {  	(tag) =	ssettag $0x1  }
0x1: {  	s1 =	srdreg.scid;
	s0 =	stileid.u32  }
0x2: {  	s12 =	sand.u32 $0x1, s1;
	s30 =	sshll.u32 s0, $0x1  }
0x3: {  	s5 =	rddreg [dreg:$0x0];
	s13 =	sor.u32 s12, s30  }
0x4: {  	s14 =	rddreg [dreg:$0x1];
	s3 =	smul.u32 $0x24, s13  }
0x5: {  	s2 =	simm.s32 $0x0;
	s1 =	rddreg [dreg:$0x2]  }
0x6: {  	[smem:$0x7FF] =	sst s2;
	s3 =	sadd.s32 s3, s5  }
0x7: {  	_ =	strace $0x80000047;
	s4 =	sadd.s32 $0x4F400, s3;
	s3 =	simm.s32 $0x2  }
0x8: {  	[tilespmem:s2], [sflag:$0x2] =	stream.linear.gather [hbm4b:s4+s2], $0x120, $0x38;
	[tilespmem:$0x4920] =	vst v63  }
0x9: {  	_ =	swait.ge [sflag:s3], $0x120  }
0xa: {  	s6 =	simm.s32 $0x60;
	[sflag:s3] =	ssyncset.done $0x0  }
0xb: {  	s7 =	simm.s32 $0x120;
	s5 =	sadd.s32 $0x5400, s5;
	[sflag:s3] =	ssyncadd.s32 $0xFFFFFEE0  }
0xc: {  	[tilespmem:s7], [sflag:$0x1] =	stream.indirect.gather [hbm4b:s5+s6], $0x40, s2, s6, $0xb8;
	[tilespmem:$0x4920] =	vst v63  }
0xd: {  	s8 =	simm.s32 $0x1920  }
0xe: {  	[tilespmem:s8], [sflag:$0x1] =	stream.indirect.gather [hbm4b:s5+s6], $0x40, s6, s6, $0xb8;
	[tilespmem:$0x4920] =	vst v63  }
0xf: {  	s9 =	simm.s32 $0xC0;
	s10 =	simm.s32 $0x3120;
	s11 =	simm.s32 $0x1  }
0x10: {  	[tilespmem:s10], [sflag:$0x1] =	stream.indirect.gather [hbm4b:s5+s6], $0x40, s9, s6, $0xb8;
	[tilespmem:$0x4920] =	vst v63  }
0x11: {  	_ =	swait.ge [sflag:s11], $0x1800  }
0x12: {  	[sflag:s11] =	ssyncset.done $0x0  }
0x13: {  	s12 =	ssub.s32 $0x2, s12;
	[sflag:s11] =	ssyncadd.s32 $0xFFFFE800  }
0x14: {  	s15 =	sshrl.u32 s12, $0x1;
	_ =	swait.ge [sflag:s11], $0x1800  }
0x15: {  	s15 =	ssub.s32 s12, s15;
	[sflag:s11] =	ssyncset.done $0x0  }
0x16: {  	s31 =	smax.u32 s15, $0x1;
	[sflag:s11] =	ssyncadd.s32 $0xFFFFE800  }
0x17: {  	s13 =	smul.u32 $0x900, s13;
	p0 =	sne.s32 s31, $0x1;
	_ =	swait.ge [sflag:s11], $0x1800  }
.Ltmp0:
0x18: {  	[sflag:s11] =	ssyncset.done $0x0;
	(pc) =	sbr.rel @!p0 .LBB2_2-.Ltmp0, $4  }
0x19: {  	s12 =	sadd.s32 s14, s13;
	[sflag:s11] =	ssyncadd.s32 $0xFFFFE800  }
0x1a: {  	[hbm4b:s12+s2] =	stream.linear.scatter [tilespmem:s7], [sflag:$0x2], $0x4800, $0x38;
	[tilespmem:$0x4920] =	vst v63  }
0x1b: {  	_ =	swait.ge [sflag:s3], $0x4800  }
0x1c: {  	s13 =	sadd.s32 $0xFFFFFFFF, s31;
	[sflag:s3] =	ssyncset.done $0x0  }
.LBB2_1:
0x1d: {  	p0 =	sne.s32 s13, $0x1;
	s13 =	sadd.s32 $0xFFFFFFFF, s13;
	[sflag:s3] =	ssyncadd.s32 $0xFFFFB800  }
0x1e: {  	[tilespmem:s2], [sflag:$0x2] =	stream.linear.gather [hbm4b:s4+s2], $0x120, $0x38;
	[tilespmem:$0x4920] =	vst v63  }
0x1f: {  	_ =	swait.ge [sflag:s3], $0x120  }
0x20: {  	[sflag:s3] =	ssyncset.done $0x0  }
0x21: {  	[sflag:s3] =	ssyncadd.s32 $0xFFFFFEE0  }
0x22: {  	[tilespmem:s7], [sflag:$0x1] =	stream.indirect.gather [hbm4b:s5+s6], $0x40, s2, s6, $0xb8;
	[tilespmem:$0x4920] =	vst v63  }
0x23: {  	_ = 	snop  }
0x24: {  	[tilespmem:s8], [sflag:$0x1] =	stream.indirect.gather [hbm4b:s5+s6], $0x40, s6, s6, $0xb8;
	[tilespmem:$0x4920] =	vst v63  }
0x25: {  	_ = 	snop  }
0x26: {  	[tilespmem:s10], [sflag:$0x1] =	stream.indirect.gather [hbm4b:s5+s6], $0x40, s9, s6, $0xb8;
	[tilespmem:$0x4920] =	vst v63  }
0x27: {  	_ =	swait.ge [sflag:s11], $0x1800  }
0x28: {  	[sflag:s11] =	ssyncset.done $0x0  }
0x29: {  	[sflag:s11] =	ssyncadd.s32 $0xFFFFE800  }
0x2a: {  	_ =	swait.ge [sflag:s11], $0x1800  }
0x2b: {  	[sflag:s11] =	ssyncset.done $0x0  }
0x2c: {  	[sflag:s11] =	ssyncadd.s32 $0xFFFFE800  }
0x2d: {  	_ =	swait.ge [sflag:s11], $0x1800  }
.Ltmp1:
0x2e: {  	[sflag:s11] =	ssyncset.done $0x0;
	(pc) =	sbr.rel @p0 .LBB2_1-.Ltmp1, $4  }
0x2f: {  	[sflag:s11] =	ssyncadd.s32 $0xFFFFE800  }
0x30: {  	[hbm4b:s12+s2] =	stream.linear.scatter [tilespmem:s7], [sflag:$0x2], $0x4800, $0x38;
	[tilespmem:$0x4920] =	vst v63  }
0x31: {  	_ =	swait.ge [sflag:s3], $0x4800  }
0x32: {  	[sflag:s3] =	ssyncset.done $0x0  }
.LBB2_2:
0x33: {  	[sflag:s3] =	ssyncadd.s32 $0xFFFFB800  }
0x34: {  	_ =	sfence.sel $0x180000  }
0x35: {  	[bflag:$0x0] =	sbarrier.arrive $0xFFFF  }
0x36: {  	p0 =	sne.s32 s0, $0x0;
	_ =	strace $0x90000047  }
0x37: {  	s0 =	sadd.s32 @!p0 $0x100000, s1;
	[bflag:$0x2] =	sbarrier.arrive $0xFFFF  }
0x38: {  	[sflag:s0] =	ssyncadd.tile.s32 @!p0 $0x1;
	_ =	shalt  }
.Lfunc_end2:
_tile_overlayer_lowered:
.L_overlay_start_2:
0x39: {  	(tag) =	ssettag $0x2  }
0x3a: {  	s0 =	rddreg [dreg:$0x0];
	s2 =	stileid.u32  }
0x3b: {  	s1 =	rddreg [dreg:$0x1];
	p0 =	sne.s32 s2, $0x0  }
0x3c: {  	s3 =	rddreg [dreg:$0x2];
	[bflag:$0x3] =	sbarrier.arrive $0xFFFF;
	s2 =	simm.s32 @!p0 $0x1C02  }
0x3d: {  	[timem:s3], [sflag:s2] =	dma.local @!p0 [hbm:s0], s1  }
0x3e: {  	s0 =	simm.s32 @!p0 $0x2  }
0x3f: {  	_ =	swait.ge @!p0 [sflag:s0], s1  }
0x40: {  	s1 =	ssub.s32 @!p0 $0x0, s1;
	[sflag:s0] =	ssyncset.done @!p0 $0x0  }
0x41: {  	[sflag:s0] =	ssyncadd.s32 @!p0 s1  }
0x42: {  	[bflag:$0x3] =	sbarrier.arrive $0xFFFF  }
0x43: {  	_ =	shalt  }

// kernel: kernel.24.cloned.1.call-start
scs
__scs_entry_jumppad:
0x0: {  	(pc) =	sbr.rel $0x88, $3  }
0x1: {  	(tag) =	ssettag $0x0;
	lr =	simm.s32 $0x1  }
0x2: {  	[smem:$0x3F9F] =	sst lr;
	_ =	strace $0xD0000000  }
0x3: {  	_ = 	snop  }
0x4: {  	_ = 	snop  }
0x5: {  	_ = 	snop  }
0x6: {  	_ = 	snop  }
0x7: {  	_ = 	snop  }
__scs_overlays_trampoline_lowered:
0x8: {  	[smem:$0x3FAE] =	sst s0  }
0x9: {  	[smem:$0x3FAF] =	sst s1  }
0xa: {  	[smem:$0x3FB0] =	sst s2  }
0xb: {  	[smem:$0x3FB1] =	sst s3  }
0xc: {  	[smem:$0x3FB2] =	sst s4  }
0xd: {  	[smem:$0x3FB3] =	sst s5  }
0xe: {  	[smem:$0x3FB4] =	sst s6  }
0xf: {  	[smem:$0x3FB5] =	sst s7  }
0x10: {  	[smem:$0x3FB6] =	sst s8  }
0x11: {  	[smem:$0x3FB7] =	sst s9;
	s0 =	simm.s32 @!p0 $0x0  }
0x12: {  	s1 =	sld [smem:$0x3F9D];
	s0 =	simm.s32 @p0 $0x1  }
0x13: {  	[smem:$0x3FB8] =	sst s0;
	s0 =	simm.s32 @!p1 $0x0  }
0x14: {  	s2 =	sld [smem:$0x3F9C];
	s0 =	simm.s32 @p1 $0x1  }
0x15: {  	[smem:$0x3FB9] =	sst s0;
	s0 =	simm.s32 @!p2 $0x0  }
0x16: {  	s3 =	sld [smem:$0x3FDB];
	s0 =	simm.s32 @p2 $0x1  }
0x17: {  	s4 =	simm.s32 $0x1BF5;
	[smem:$0x3FBB] =	sst s0  }
0x18: {  	s0 =	sld [smem:$0x3F9E];
	_ =	swait.ge [sflag:s4], $0x0  }
0x19: {  	s7 =	sld [smem:$0x3F9F]  }
0x1a: {  	s8 =	sadd.s32 $0xFFFFE003, lr  }
0x1b: {  	s9 =	sadd.s32 $0xFFFFFEF7, lr;
	s5 =	simm.s32 $0xFFFFFFFF;
	p2 =	slt.u32 s8, $0xFFFFF086  }
0x1c: {  	p1 =	slt.u32 s9, $0xF7A;
	s5 =	simm.s32 @!p2 $0x0  }
0x1d: {  	s5 =	simm.s32 @p1 $0x1;
	p0 =	seq.s32 s7, s2  }
0x1e: {  	s7 =	smul.u32 @!p0 $0xF7A, s2;
	p2 =	seq.s32 @!p0 s5, $0x0  }
0x1f: {  	s9 =	smul.u32 $0xF7A, s1;
	s8 =	simm.s32 @!p0 $0x1BF5;
	p2 =	por !p2, p0  }
0x20: {  	[sflag:s8] =	ssyncset.s32 @!p0 $0xFFFFF086;
	s6 =	sadd.s32 @!p0 s3, s7;
	s7 =	simm.s32 @!p0 $0x108  }
0x21: {  	s3 =	sadd.s32 s3, s9;
	s6 =	sadd.s32 @!p0 $0x88, s6;
	s7 =	simm.s32 @p2 $0x1082  }
0x22: {  	[simem:s7], [sflag:s8] =	dma.local @!p0 [hbm:s6], $0xF7A  }
0x23: {  	s9 =	sor.u32 $0xD0000000, s2;
	s6 =	simm.s32 $0x108;
	_ =	swait.ge @!p0 [sflag:s8], $0x0  }
0x24: {  	s3 =	sadd.s32 $0x88, s3;
	s6 =	simm.s32 @!p1 $0x1082;
	[sflag:s4] =	ssyncset.s32 $0xFFFFF086  }
0x25: {  	[simem:s6], [sflag:s4] =	dma.local [hbm:s3], $0xF7A  }
0x26: {  	[smem:$0x3F9F] =	sst s1;
	(tag) =	ssettag s2;
	_ =	strace s9  }
0x27: {  	s1 =	sld [smem:$0x3FAF]  }
0x28: {  	s2 =	sld [smem:$0x3FB0]  }
0x29: {  	s4 =	sld [smem:$0x3FB2]  }
0x2a: {  	p0 =	seq.s32 s5, $0x0;
	s5 =	sld [smem:$0x3FB3]  }
0x2b: {  	s6 =	sld [smem:$0x3FB4]  }
0x2c: {  	s7 =	sld [smem:$0x3FB5]  }
0x2d: {  	s3 =	simm.s32 $0x108;
	s8 =	sld [smem:$0x3FB6]  }
0x2e: {  	s3 =	simm.s32 @!p0 $0x1082;
	s9 =	sld [smem:$0x3FB7]  }
0x2f: {  	lr =	sadd.s32 s0, s3;
	s0 =	sld [smem:$0x3FAE]  }
0x30: {  	s3 =	sld [smem:$0x3FB1]  }
0x31: {  	[smem:$0x3FBA] =	sst s10  }
0x32: {  	s10 =	sld [smem:$0x3FB8];
	_ =	sdelay $0x3  }
0x33: {  	p0 =	seq.s32 s10, $0x1;
	s10 =	sld [smem:$0x3FBA];
	_ =	sdelay $0x3  }
0x34: {  	[smem:$0x3FBA] =	sst s10  }
0x35: {  	s10 =	sld [smem:$0x3FB9];
	_ =	sdelay $0x3  }
0x36: {  	p1 =	seq.s32 s10, $0x1;
	s10 =	sld [smem:$0x3FBA];
	_ =	sdelay $0x3  }
0x37: {  	[smem:$0x3FBA] =	sst s10  }
0x38: {  	s10 =	sld [smem:$0x3FBB]  }
0x39: {  	_ = 	snop;
	(pc) =	sbr.ind lr, $3  }
0x3a: {  	_ = 	snop  }
0x3b: {  	_ = 	snop  }
0x3c: {  	p2 =	seq.s32 s10, $0x1;
	s10 =	sld [smem:$0x3FBA]  }
0x3d: {  	_ =	shalt  }
0x3e: {  	_ =	shalt  }
0x3f: {  	_ =	shalt  }
0x40: {  	_ =	shalt  }
0x41: {  	_ =	shalt  }
0x42: {  	_ =	shalt  }
0x43: {  	_ =	shalt  }
0x44: {  	_ =	shalt  }
0x45: {  	_ =	shalt  }
0x46: {  	_ =	shalt  }
0x47: {  	_ =	shalt  }
0x48: {  	_ =	shalt  }
0x49: {  	_ =	shalt  }
0x4a: {  	_ =	shalt  }
0x4b: {  	_ =	shalt  }
0x4c: {  	_ =	shalt  }
0x4d: {  	_ =	shalt  }
0x4e: {  	_ =	shalt  }
0x4f: {  	_ =	shalt  }
0x50: {  	_ =	shalt  }
0x51: {  	_ =	shalt  }
0x52: {  	_ =	shalt  }
0x53: {  	_ =	shalt  }
0x54: {  	_ =	shalt  }
0x55: {  	_ =	shalt  }
0x56: {  	_ =	shalt  }
0x57: {  	_ =	shalt  }
0x58: {  	_ =	shalt  }
0x59: {  	_ =	shalt  }
0x5a: {  	_ =	shalt  }
0x5b: {  	_ =	shalt  }
0x5c: {  	_ =	shalt  }
0x5d: {  	_ =	shalt  }
0x5e: {  	_ =	shalt  }
0x5f: {  	_ =	shalt  }
0x60: {  	_ =	shalt  }
0x61: {  	_ =	shalt  }
0x62: {  	_ =	shalt  }
0x63: {  	_ =	shalt  }
0x64: {  	_ =	shalt  }
0x65: {  	_ =	shalt  }
0x66: {  	_ =	shalt  }
0x67: {  	_ =	shalt  }
0x68: {  	_ =	shalt  }
0x69: {  	_ =	shalt  }
0x6a: {  	_ =	shalt  }
0x6b: {  	_ =	shalt  }
0x6c: {  	_ =	shalt  }
0x6d: {  	_ =	shalt  }
0x6e: {  	_ =	shalt  }
0x6f: {  	_ =	shalt  }
0x70: {  	_ =	shalt  }
0x71: {  	_ =	shalt  }
0x72: {  	_ =	shalt  }
0x73: {  	_ =	shalt  }
0x74: {  	_ =	shalt  }
0x75: {  	_ =	shalt  }
0x76: {  	_ =	shalt  }
0x77: {  	_ =	shalt  }
0x78: {  	_ =	shalt  }
0x79: {  	_ =	shalt  }
0x7a: {  	_ =	shalt  }
0x7b: {  	_ =	shalt  }
0x7c: {  	_ =	shalt  }
0x7d: {  	_ =	shalt  }
0x7e: {  	_ =	shalt  }
0x7f: {  	_ =	shalt  }
0x80: {  	_ =	shalt  }
0x81: {  	_ =	shalt  }
0x82: {  	_ =	shalt  }
0x83: {  	_ =	shalt  }
0x84: {  	_ =	shalt  }
0x85: {  	_ =	shalt  }
0x86: {  	_ =	shalt  }
0x87: {  	_ =	shalt  }
.Lfunc_end0:
.L_simem_size_0:
called_computation.2_lowered:
.L_overlay_start_0:
0x88: {  	s2 =	sld [smem:$0x3FD9]  }
0x89: {  	s3 =	sld [smem:$0x3FFE];
	_ =	sdelay $0x1  }
0x8a: {  	s1 =	srdreg.scid  }
0x8b: {  	s0 =	sand.u32 $0x1, s1  }
0x8c: {  	s17 =	sshll.u32 s0, $0xA;
	s2 =	sadd.s32 s3, s2  }
0x8d: {  	s2 =	sadd.s32 s2, s17  }
0x8e: {  	[smem:$0x3FC6] =	sst s2  }
0x8f: {  	_ = 	snop  }
0x90: {  	(tm) =	ssettm $0x1  }
0x91: {  	s18 =	sld [smem:$0x3FFB];
	_ =	sdelay $0x3  }
0x92: {  	_ =	strace s18  }
0x93: {  	s2 =	sld [smem:$0x3FFC];
	_ =	sdelay $0x3  }
0x94: {  	_ =	strace s2  }
0x95: {  	s2 =	sld [smem:$0x3FFD];
	_ =	sdelay $0x3  }
0x96: {  	_ =	strace s2  }
0x97: {  	_ =	strace $0x8FFFFFFF  }
0x98: {  	s19 =	sld [smem:$0x3FDB];
	_ =	sdelay $0x1  }
0x99: {  	s20 =	simm.s32 $_scs_section_size  }
0x9a: {  	s4 =	simm.s32 $_size__tile_overlayer_lowered;
	s5 =	simm.s32 $_tile_overlayer_lowered  }
0x9b: {  	s6 =	simm.s32 $0x1BFF;
	s21 =	sshll.u32 s5, $0x1;
	s3 =	sadd.s32 s20, s19  }
0x9c: {  	s22 =	simm.s32 $0x0;
	s4 =	sshll.u32 s4, $0x1;
	s5 =	sadd.s32 s21, s3  }
0x9d: {  	[timem:s22], [sflag:s6] =	dma.local [hbm:s5], s4  }
0x9e: {  	_ =	swait.ge [sflag:s6], s4  }
0x9f: {  	s4 =	ssub.s32 $0x0, s4;
	[sflag:s6] =	ssyncset.done $0x0  }
0xa0: {  	[sflag:s6] =	ssyncadd.s32 s4;
	_ =	sdelay $0x1  }
0xa1: {  	s23 =	simm.s32 $0x1B8B  }
0xa2: {  	_ =	swait.ge [sflag:s23], $0x1  }
0xa3: {  	[sflag:s23] =	ssyncset.done $0x0  }
0xa4: {  	[sflag:s23] =	ssyncadd.s32 $0xFFFFFFFF  }
0xa5: {  	s4 =	sld [smem:$0x0]  }
0xa6: {  	s5 =	sand.u32 $0xFFFFFFFE, s1  }
0xa7: {  	p0 =	sne.s32 s1, s5  }
0xa8: {  	s5 =	sshll.u32 @p0 s5, $0xE  }
0xa9: {  	s5 =	sadd.s32 @p0 $0x11B8D, s5;
	s6 =	sshll.u32 @p0 s4, $0x11  }
0xaa: {  	s5 =	sor.u32 @p0 s6, s5  }
0xab: {  	[sflag:s5] =	ssyncadd.remote.s32 @p0 $0x1;
	_ =	sdelay $0x1  }
0xac: {  	s5 =	simm.s32 @p0 $0x1B8D  }
0xad: {  	_ =	swait.eq @p0 [sflag:s5], $0x1  }
0xae: {  	[sflag:s5] =	ssyncadd.s32 @p0 $0xFFFFFFFF  }
0xaf: {  	s6 =	sshll.u32 @!p0 s1, $0xE  }
0xb0: {  	s6 =	sor.u32 @!p0 $0x4000, s6;
	s5 =	simm.s32 @!p0 $0x1B8D  }
0xb1: {  	s4 =	sshll.u32 @!p0 s4, $0x11;
	s6 =	sadd.s32 @!p0 $0x11B8D, s6;
	_ =	swait.eq @!p0 [sflag:s5], $0x1  }
0xb2: {  	s4 =	sor.u32 @!p0 s4, s6;
	[sflag:s5] =	ssyncadd.s32 @!p0 $0xFFFFFFFF  }
0xb3: {  	s25 =	simm.s32 $0x1B8E;
	s24 =	sld [smem:$0x3FFE];
	[sflag:s4] =	ssyncadd.remote.s32 @!p0 $0x1  }
0xb4: {  	s26 =	simm.s32 $execute0_lowered;
	[smem:$0x3FD2] =	sst s25  }
0xb5: {  	s5 =	sshll.u32 s26, $0x1;
	_ =	strace $0x8000004F;
	[dreg:$0x1] =	wrdreg $0xFFFFFFFF  }
0xb6: {  	s28 =	simm.s32 $_size_execute0_lowered;
	s3 =	sadd.s32 s3, s5;
	[dreg:$0x0] =	wrdreg $0x0  }
0xb7: {  	s5 =	sshll.u32 s28, $0x1;
	[dreg:$0x2] =	wrdreg s3  }
0xb8: {  	[dreg:$0x3] =	wrdreg s5  }
0xb9: {  	[dreg:$0x4] =	wrdreg $0xC0  }
0xba: {  	_ =	task [dreg:s22], $0x5FFFF  }
0xbb: {  	[dreg:$0x1] =	wrdreg $0xFFFFFFFF  }
0xbc: {  	[dreg:$0x0] =	wrdreg $0x60  }
0xbd: {  	[dreg:$0x2] =	wrdreg s24  }
0xbe: {  	[dreg:$0x3] =	wrdreg $0x9  }
0xbf: {  	_ =	task.clear_ibuf [dreg:s22], $0x4FFFF;
	_ =	strace $0x9000004F  }
0xc0: {  	s29 =	simm.s32 $0x9;
	_ =	strace $0x80000051  }
0xc1: {  	_ =	swait.ge [sflag:s29], $0x1  }
0xc2: {  	[sflag:s29] =	ssyncadd.s32 $0xFFFFFFFF  }
0xc3: {  	_ =	strace $0x90000051  }
0xc4: {  	_ =	sfence  }
0xc5: {  	s30 =	sld [smem:$0x0];
	_ =	sdelay $0x2  }
0xc6: {  	s31 =	sshll.u32 s1, $0xD;
	s1 =	sshrl.u32 s1, $0x2  }
0xc7: {  	s4 =	sand.u32 $0x4000, s31;
	s1 =	sadd.s32 s1, s30  }
0xc8: {  	s0 =	sor.u32 s4, s0;
	s1 =	sshll.u32 s1, $0x11  }
0xc9: {  	s0 =	sor.u32 s1, s0  }
0xca: {  	s0 =	sadd.s32 $0x8F2B, s0  }
0xcb: {  	[sflag:s0] =	ssyncadd.remote.s32 $0x1  }
0xcc: {  	_ =	sfence.sel $0xFFFF  }
0xcd: {  	[dreg:$0x0] =	wrdreg $0xFFFFFFFF;
	(pc) =	sbr.abs _section_cstart, $3  }
0xce: {  	[dreg:$0x1] =	wrdreg $0xFFFFFFFF  }
0xcf: {  	_ =	task.clear_ibuf [dreg:s22], $0x2FFFF;
	_ =	strace $0x9FFFFFFF  }
0xd0: {  	(tm) =	ssettm $0x7FFFFFFF  }
0xd1: {  	_ =	shalt  }
tec
execute0_lowered:
.L_overlay_start_1:
0x0: {  	(tag) =	ssettag $0x1  }
0x1: {  	s1 =	srdreg.scid;
	s0 =	stileid.u32  }
0x2: {  	s12 =	sand.u32 $0x1, s1;
	s29 =	sshll.u32 s0, $0x1  }
0x3: {  	s13 =	sor.u32 s12, s29  }
0x4: {  	s14 =	rddreg [dreg:$0x0];
	s3 =	smul.u32 $0x24, s13  }
0x5: {  	s2 =	simm.s32 $0x0;
	s1 =	rddreg [dreg:$0x1]  }
0x6: {  	[smem:$0x7FF] =	sst s2;
	s3 =	sadd.s32 s3, s14  }
0x7: {  	_ =	strace $0x80000050;
	s4 =	sadd.s32 $0x5400, s3;
	s3 =	simm.s32 $0x2  }
0x8: {  	[tilespmem:s2], [sflag:$0x2] =	stream.linear.gather [hbm4b:s4+s2], $0x120, $0x38;
	[tilespmem:$0x4920] =	vst v63  }
0x9: {  	_ =	swait.ge [sflag:s3], $0x120  }
0xa: {  	s6 =	simm.s32 $0x60;
	[sflag:s3] =	ssyncset.done $0x0  }
0xb: {  	s7 =	simm.s32 $0x120;
	s5 =	sadd.s32 $0x62000, s14;
	[sflag:s3] =	ssyncadd.s32 $0xFFFFFEE0  }
0xc: {  	[tilespmem:s7], [sflag:$0x1] =	stream.indirect.gather [hbm4b:s5+s6], $0x40, s2, s6, $0xb8;
	[tilespmem:$0x4920] =	vst v63  }
0xd: {  	s8 =	simm.s32 $0x1920  }
0xe: {  	[tilespmem:s8], [sflag:$0x1] =	stream.indirect.gather [hbm4b:s5+s6], $0x40, s6, s6, $0xb8;
	[tilespmem:$0x4920] =	vst v63  }
0xf: {  	s9 =	simm.s32 $0xC0;
	s10 =	simm.s32 $0x3120;
	s11 =	simm.s32 $0x1  }
0x10: {  	[tilespmem:s10], [sflag:$0x1] =	stream.indirect.gather [hbm4b:s5+s6], $0x40, s9, s6, $0xb8;
	[tilespmem:$0x4920] =	vst v63  }
0x11: {  	_ =	swait.ge [sflag:s11], $0x1800  }
0x12: {  	[sflag:s11] =	ssyncset.done $0x0  }
0x13: {  	s12 =	ssub.s32 $0x2, s12;
	[sflag:s11] =	ssyncadd.s32 $0xFFFFE800  }
0x14: {  	s15 =	sshrl.u32 s12, $0x1;
	_ =	swait.ge [sflag:s11], $0x1800  }
0x15: {  	s30 =	ssub.s32 s12, s15;
	[sflag:s11] =	ssyncset.done $0x0  }
0x16: {  	s13 =	smul.u32 $0x900, s13;
	s31 =	smax.u32 s30, $0x1;
	[sflag:s11] =	ssyncadd.s32 $0xFFFFE800  }
0x17: {  	p0 =	sne.s32 s31, $0x1;
	_ =	swait.ge [sflag:s11], $0x1800  }
.Ltmp0:
0x18: {  	s13 =	sadd.s32 s13, s14;
	[sflag:s11] =	ssyncset.done $0x0;
	(pc) =	sbr.rel @!p0 .LBB2_2-.Ltmp0, $4  }
0x19: {  	s12 =	sadd.s32 $0x4FA00, s13;
	[sflag:s11] =	ssyncadd.s32 $0xFFFFE800  }
0x1a: {  	[hbm4b:s12+s2] =	stream.linear.scatter [tilespmem:s7], [sflag:$0x2], $0x4800, $0x38;
	[tilespmem:$0x4920] =	vst v63  }
0x1b: {  	_ =	swait.ge [sflag:s3], $0x4800  }
0x1c: {  	s13 =	sadd.s32 $0xFFFFFFFF, s31;
	[sflag:s3] =	ssyncset.done $0x0  }
.LBB2_1:
0x1d: {  	p0 =	sne.s32 s13, $0x1;
	s13 =	sadd.s32 $0xFFFFFFFF, s13;
	[sflag:s3] =	ssyncadd.s32 $0xFFFFB800  }
0x1e: {  	[tilespmem:s2], [sflag:$0x2] =	stream.linear.gather [hbm4b:s4+s2], $0x120, $0x38;
	[tilespmem:$0x4920] =	vst v63  }
0x1f: {  	_ =	swait.ge [sflag:s3], $0x120  }
0x20: {  	[sflag:s3] =	ssyncset.done $0x0  }
0x21: {  	[sflag:s3] =	ssyncadd.s32 $0xFFFFFEE0  }
0x22: {  	[tilespmem:s7], [sflag:$0x1] =	stream.indirect.gather [hbm4b:s5+s6], $0x40, s2, s6, $0xb8;
	[tilespmem:$0x4920] =	vst v63  }
0x23: {  	_ = 	snop  }
0x24: {  	[tilespmem:s8], [sflag:$0x1] =	stream.indirect.gather [hbm4b:s5+s6], $0x40, s6, s6, $0xb8;
	[tilespmem:$0x4920] =	vst v63  }
0x25: {  	_ = 	snop  }
0x26: {  	[tilespmem:s10], [sflag:$0x1] =	stream.indirect.gather [hbm4b:s5+s6], $0x40, s9, s6, $0xb8;
	[tilespmem:$0x4920] =	vst v63  }
0x27: {  	_ =	swait.ge [sflag:s11], $0x1800  }
0x28: {  	[sflag:s11] =	ssyncset.done $0x0  }
0x29: {  	[sflag:s11] =	ssyncadd.s32 $0xFFFFE800  }
0x2a: {  	_ =	swait.ge [sflag:s11], $0x1800  }
0x2b: {  	[sflag:s11] =	ssyncset.done $0x0  }
0x2c: {  	[sflag:s11] =	ssyncadd.s32 $0xFFFFE800  }
0x2d: {  	_ =	swait.ge [sflag:s11], $0x1800  }
.Ltmp1:
0x2e: {  	[sflag:s11] =	ssyncset.done $0x0;
	(pc) =	sbr.rel @p0 .LBB2_1-.Ltmp1, $4  }
0x2f: {  	[sflag:s11] =	ssyncadd.s32 $0xFFFFE800  }
0x30: {  	[hbm4b:s12+s2] =	stream.linear.scatter [tilespmem:s7], [sflag:$0x2], $0x4800, $0x38;
	[tilespmem:$0x4920] =	vst v63  }
0x31: {  	_ =	swait.ge [sflag:s3], $0x4800  }
0x32: {  	[sflag:s3] =	ssyncset.done $0x0  }
.LBB2_2:
0x33: {  	[sflag:s3] =	ssyncadd.s32 $0xFFFFB800  }
0x34: {  	_ =	sfence.sel $0x180000  }
0x35: {  	[bflag:$0x0] =	sbarrier.arrive $0xFFFF  }
0x36: {  	p0 =	sne.s32 s0, $0x0;
	_ =	strace $0x90000050  }
0x37: {  	s0 =	sadd.s32 @!p0 $0x100000, s1;
	[bflag:$0x2] =	sbarrier.arrive $0xFFFF  }
0x38: {  	[sflag:s0] =	ssyncadd.tile.s32 @!p0 $0x1;
	_ =	shalt  }
.Lfunc_end2:
_tile_overlayer_lowered:
.L_overlay_start_2:
0x39: {  	(tag) =	ssettag $0x2  }
0x3a: {  	s0 =	rddreg [dreg:$0x0];
	s2 =	stileid.u32  }
0x3b: {  	s1 =	rddreg [dreg:$0x1];
	p0 =	sne.s32 s2, $0x0  }
0x3c: {  	s3 =	rddreg [dreg:$0x2];
	[bflag:$0x3] =	sbarrier.arrive $0xFFFF;
	s2 =	simm.s32 @!p0 $0x1C02  }
0x3d: {  	[timem:s3], [sflag:s2] =	dma.local @!p0 [hbm:s0], s1  }
0x3e: {  	s0 =	simm.s32 @!p0 $0x2  }
0x3f: {  	_ =	swait.ge @!p0 [sflag:s0], s1  }
0x40: {  	s1 =	ssub.s32 @!p0 $0x0, s1;
	[sflag:s0] =	ssyncset.done @!p0 $0x0  }
0x41: {  	[sflag:s0] =	ssyncadd.s32 @!p0 s1  }
0x42: {  	[bflag:$0x3] =	sbarrier.arrive $0xFFFF  }
0x43: {  	_ =	shalt  }

// kernel: kernel.27.cloned.1.call-start
scs
__scs_entry_jumppad:
0x0: {  	(pc) =	sbr.rel $0x88, $3  }
0x1: {  	(tag) =	ssettag $0x0;
	lr =	simm.s32 $0x1  }
0x2: {  	[smem:$0x3F9F] =	sst lr;
	_ =	strace $0xD0000000  }
0x3: {  	_ = 	snop  }
0x4: {  	_ = 	snop  }
0x5: {  	_ = 	snop  }
0x6: {  	_ = 	snop  }
0x7: {  	_ = 	snop  }
__scs_overlays_trampoline_lowered:
0x8: {  	[smem:$0x3FAE] =	sst s0  }
0x9: {  	[smem:$0x3FAF] =	sst s1  }
0xa: {  	[smem:$0x3FB0] =	sst s2  }
0xb: {  	[smem:$0x3FB1] =	sst s3  }
0xc: {  	[smem:$0x3FB2] =	sst s4  }
0xd: {  	[smem:$0x3FB3] =	sst s5  }
0xe: {  	[smem:$0x3FB4] =	sst s6  }
0xf: {  	[smem:$0x3FB5] =	sst s7  }
0x10: {  	[smem:$0x3FB6] =	sst s8  }
0x11: {  	[smem:$0x3FB7] =	sst s9;
	s0 =	simm.s32 @!p0 $0x0  }
0x12: {  	s1 =	sld [smem:$0x3F9D];
	s0 =	simm.s32 @p0 $0x1  }
0x13: {  	[smem:$0x3FB8] =	sst s0;
	s0 =	simm.s32 @!p1 $0x0  }
0x14: {  	s2 =	sld [smem:$0x3F9C];
	s0 =	simm.s32 @p1 $0x1  }
0x15: {  	[smem:$0x3FB9] =	sst s0;
	s0 =	simm.s32 @!p2 $0x0  }
0x16: {  	s3 =	sld [smem:$0x3FDB];
	s0 =	simm.s32 @p2 $0x1  }
0x17: {  	s4 =	simm.s32 $0x1BF5;
	[smem:$0x3FBB] =	sst s0  }
0x18: {  	s0 =	sld [smem:$0x3F9E];
	_ =	swait.ge [sflag:s4], $0x0  }
0x19: {  	s7 =	sld [smem:$0x3F9F]  }
0x1a: {  	s8 =	sadd.s32 $0xFFFFE003, lr  }
0x1b: {  	s9 =	sadd.s32 $0xFFFFFEF7, lr;
	s5 =	simm.s32 $0xFFFFFFFF;
	p2 =	slt.u32 s8, $0xFFFFF086  }
0x1c: {  	p1 =	slt.u32 s9, $0xF7A;
	s5 =	simm.s32 @!p2 $0x0  }
0x1d: {  	s5 =	simm.s32 @p1 $0x1;
	p0 =	seq.s32 s7, s2  }
0x1e: {  	s7 =	smul.u32 @!p0 $0xF7A, s2;
	p2 =	seq.s32 @!p0 s5, $0x0  }
0x1f: {  	s9 =	smul.u32 $0xF7A, s1;
	s8 =	simm.s32 @!p0 $0x1BF5;
	p2 =	por !p2, p0  }
0x20: {  	[sflag:s8] =	ssyncset.s32 @!p0 $0xFFFFF086;
	s6 =	sadd.s32 @!p0 s3, s7;
	s7 =	simm.s32 @!p0 $0x108  }
0x21: {  	s3 =	sadd.s32 s3, s9;
	s6 =	sadd.s32 @!p0 $0x88, s6;
	s7 =	simm.s32 @p2 $0x1082  }
0x22: {  	[simem:s7], [sflag:s8] =	dma.local @!p0 [hbm:s6], $0xF7A  }
0x23: {  	s9 =	sor.u32 $0xD0000000, s2;
	s6 =	simm.s32 $0x108;
	_ =	swait.ge @!p0 [sflag:s8], $0x0  }
0x24: {  	s3 =	sadd.s32 $0x88, s3;
	s6 =	simm.s32 @!p1 $0x1082;
	[sflag:s4] =	ssyncset.s32 $0xFFFFF086  }
0x25: {  	[simem:s6], [sflag:s4] =	dma.local [hbm:s3], $0xF7A  }
0x26: {  	[smem:$0x3F9F] =	sst s1;
	(tag) =	ssettag s2;
	_ =	strace s9  }
0x27: {  	s1 =	sld [smem:$0x3FAF]  }
0x28: {  	s2 =	sld [smem:$0x3FB0]  }
0x29: {  	s4 =	sld [smem:$0x3FB2]  }
0x2a: {  	p0 =	seq.s32 s5, $0x0;
	s5 =	sld [smem:$0x3FB3]  }
0x2b: {  	s6 =	sld [smem:$0x3FB4]  }
0x2c: {  	s7 =	sld [smem:$0x3FB5]  }
0x2d: {  	s3 =	simm.s32 $0x108;
	s8 =	sld [smem:$0x3FB6]  }
0x2e: {  	s3 =	simm.s32 @!p0 $0x1082;
	s9 =	sld [smem:$0x3FB7]  }
0x2f: {  	lr =	sadd.s32 s0, s3;
	s0 =	sld [smem:$0x3FAE]  }
0x30: {  	s3 =	sld [smem:$0x3FB1]  }
0x31: {  	[smem:$0x3FBA] =	sst s10  }
0x32: {  	s10 =	sld [smem:$0x3FB8];
	_ =	sdelay $0x3  }
0x33: {  	p0 =	seq.s32 s10, $0x1;
	s10 =	sld [smem:$0x3FBA];
	_ =	sdelay $0x3  }
0x34: {  	[smem:$0x3FBA] =	sst s10  }
0x35: {  	s10 =	sld [smem:$0x3FB9];
	_ =	sdelay $0x3  }
0x36: {  	p1 =	seq.s32 s10, $0x1;
	s10 =	sld [smem:$0x3FBA];
	_ =	sdelay $0x3  }
0x37: {  	[smem:$0x3FBA] =	sst s10  }
0x38: {  	s10 =	sld [smem:$0x3FBB]  }
0x39: {  	_ = 	snop;
	(pc) =	sbr.ind lr, $3  }
0x3a: {  	_ = 	snop  }
0x3b: {  	_ = 	snop  }
0x3c: {  	p2 =	seq.s32 s10, $0x1;
	s10 =	sld [smem:$0x3FBA]  }
0x3d: {  	_ =	shalt  }
0x3e: {  	_ =	shalt  }
0x3f: {  	_ =	shalt  }
0x40: {  	_ =	shalt  }
0x41: {  	_ =	shalt  }
0x42: {  	_ =	shalt  }
0x43: {  	_ =	shalt  }
0x44: {  	_ =	shalt  }
0x45: {  	_ =	shalt  }
0x46: {  	_ =	shalt  }
0x47: {  	_ =	shalt  }
0x48: {  	_ =	shalt  }
0x49: {  	_ =	shalt  }
0x4a: {  	_ =	shalt  }
0x4b: {  	_ =	shalt  }
0x4c: {  	_ =	shalt  }
0x4d: {  	_ =	shalt  }
0x4e: {  	_ =	shalt  }
0x4f: {  	_ =	shalt  }
0x50: {  	_ =	shalt  }
0x51: {  	_ =	shalt  }
0x52: {  	_ =	shalt  }
0x53: {  	_ =	shalt  }
0x54: {  	_ =	shalt  }
0x55: {  	_ =	shalt  }
0x56: {  	_ =	shalt  }
0x57: {  	_ =	shalt  }
0x58: {  	_ =	shalt  }
0x59: {  	_ =	shalt  }
0x5a: {  	_ =	shalt  }
0x5b: {  	_ =	shalt  }
0x5c: {  	_ =	shalt  }
0x5d: {  	_ =	shalt  }
0x5e: {  	_ =	shalt  }
0x5f: {  	_ =	shalt  }
0x60: {  	_ =	shalt  }
0x61: {  	_ =	shalt  }
0x62: {  	_ =	shalt  }
0x63: {  	_ =	shalt  }
0x64: {  	_ =	shalt  }
0x65: {  	_ =	shalt  }
0x66: {  	_ =	shalt  }
0x67: {  	_ =	shalt  }
0x68: {  	_ =	shalt  }
0x69: {  	_ =	shalt  }
0x6a: {  	_ =	shalt  }
0x6b: {  	_ =	shalt  }
0x6c: {  	_ =	shalt  }
0x6d: {  	_ =	shalt  }
0x6e: {  	_ =	shalt  }
0x6f: {  	_ =	shalt  }
0x70: {  	_ =	shalt  }
0x71: {  	_ =	shalt  }
0x72: {  	_ =	shalt  }
0x73: {  	_ =	shalt  }
0x74: {  	_ =	shalt  }
0x75: {  	_ =	shalt  }
0x76: {  	_ =	shalt  }
0x77: {  	_ =	shalt  }
0x78: {  	_ =	shalt  }
0x79: {  	_ =	shalt  }
0x7a: {  	_ =	shalt  }
0x7b: {  	_ =	shalt  }
0x7c: {  	_ =	shalt  }
0x7d: {  	_ =	shalt  }
0x7e: {  	_ =	shalt  }
0x7f: {  	_ =	shalt  }
0x80: {  	_ =	shalt  }
0x81: {  	_ =	shalt  }
0x82: {  	_ =	shalt  }
0x83: {  	_ =	shalt  }
0x84: {  	_ =	shalt  }
0x85: {  	_ =	shalt  }
0x86: {  	_ =	shalt  }
0x87: {  	_ =	shalt  }
.Lfunc_end0:
.L_simem_size_0:
called_computation.3_lowered:
.L_overlay_start_0:
0x88: {  	s2 =	sld [smem:$0x3FD9]  }
0x89: {  	s3 =	sld [smem:$0x3FFE];
	_ =	sdelay $0x1  }
0x8a: {  	s1 =	srdreg.scid  }
0x8b: {  	s0 =	sand.u32 $0x1, s1  }
0x8c: {  	s17 =	sshll.u32 s0, $0xA;
	s2 =	sadd.s32 s3, s2  }
0x8d: {  	s2 =	sadd.s32 s2, s17  }
0x8e: {  	[smem:$0x3FC6] =	sst s2  }
0x8f: {  	_ = 	snop  }
0x90: {  	(tm) =	ssettm $0x1  }
0x91: {  	s18 =	sld [smem:$0x3FFB];
	_ =	sdelay $0x3  }
0x92: {  	_ =	strace s18  }
0x93: {  	s2 =	sld [smem:$0x3FFC];
	_ =	sdelay $0x3  }
0x94: {  	_ =	strace s2  }
0x95: {  	s2 =	sld [smem:$0x3FFD];
	_ =	sdelay $0x3  }
0x96: {  	_ =	strace s2  }
0x97: {  	_ =	strace $0x8FFFFFFF  }
0x98: {  	s19 =	sld [smem:$0x3FDB];
	_ =	sdelay $0x1  }
0x99: {  	s20 =	simm.s32 $_scs_section_size  }
0x9a: {  	s4 =	simm.s32 $_size__tile_overlayer_lowered;
	s5 =	simm.s32 $_tile_overlayer_lowered  }
0x9b: {  	s6 =	simm.s32 $0x1BFF;
	s21 =	sshll.u32 s5, $0x1;
	s3 =	sadd.s32 s20, s19  }
0x9c: {  	s22 =	simm.s32 $0x0;
	s4 =	sshll.u32 s4, $0x1;
	s5 =	sadd.s32 s21, s3  }
0x9d: {  	[timem:s22], [sflag:s6] =	dma.local [hbm:s5], s4  }
0x9e: {  	_ =	swait.ge [sflag:s6], s4  }
0x9f: {  	s4 =	ssub.s32 $0x0, s4;
	[sflag:s6] =	ssyncset.done $0x0  }
0xa0: {  	[sflag:s6] =	ssyncadd.s32 s4;
	_ =	sdelay $0x1  }
0xa1: {  	s23 =	simm.s32 $0x1B8B  }
0xa2: {  	_ =	swait.ge [sflag:s23], $0x1  }
0xa3: {  	[sflag:s23] =	ssyncset.done $0x0  }
0xa4: {  	[sflag:s23] =	ssyncadd.s32 $0xFFFFFFFF  }
0xa5: {  	s4 =	sld [smem:$0x0]  }
0xa6: {  	s5 =	sand.u32 $0xFFFFFFFE, s1  }
0xa7: {  	p0 =	sne.s32 s1, s5  }
0xa8: {  	s5 =	sshll.u32 @p0 s5, $0xE  }
0xa9: {  	s5 =	sadd.s32 @p0 $0x11B8D, s5;
	s6 =	sshll.u32 @p0 s4, $0x11  }
0xaa: {  	s5 =	sor.u32 @p0 s6, s5  }
0xab: {  	[sflag:s5] =	ssyncadd.remote.s32 @p0 $0x1;
	_ =	sdelay $0x1  }
0xac: {  	s5 =	simm.s32 @p0 $0x1B8D  }
0xad: {  	_ =	swait.eq @p0 [sflag:s5], $0x1  }
0xae: {  	[sflag:s5] =	ssyncadd.s32 @p0 $0xFFFFFFFF  }
0xaf: {  	s6 =	sshll.u32 @!p0 s1, $0xE  }
0xb0: {  	s6 =	sor.u32 @!p0 $0x4000, s6;
	s5 =	simm.s32 @!p0 $0x1B8D  }
0xb1: {  	s4 =	sshll.u32 @!p0 s4, $0x11;
	s6 =	sadd.s32 @!p0 $0x11B8D, s6;
	_ =	swait.eq @!p0 [sflag:s5], $0x1  }
0xb2: {  	s4 =	sor.u32 @!p0 s4, s6;
	[sflag:s5] =	ssyncadd.s32 @!p0 $0xFFFFFFFF  }
0xb3: {  	s25 =	simm.s32 $0x1B8E;
	s24 =	sld [smem:$0x3FFE];
	[sflag:s4] =	ssyncadd.remote.s32 @!p0 $0x1  }
0xb4: {  	s26 =	simm.s32 $execute0_lowered;
	[smem:$0x3FD2] =	sst s25  }
0xb5: {  	s5 =	sshll.u32 s26, $0x1;
	_ =	strace $0x8000004C;
	[dreg:$0x1] =	wrdreg $0xFFFFFFFF  }
0xb6: {  	s28 =	simm.s32 $_size_execute0_lowered;
	s3 =	sadd.s32 s3, s5;
	[dreg:$0x0] =	wrdreg $0x0  }
0xb7: {  	s5 =	sshll.u32 s28, $0x1;
	[dreg:$0x2] =	wrdreg s3  }
0xb8: {  	[dreg:$0x3] =	wrdreg s5  }
0xb9: {  	[dreg:$0x4] =	wrdreg $0xC0  }
0xba: {  	_ =	task [dreg:s22], $0x5FFFF  }
0xbb: {  	[dreg:$0x1] =	wrdreg $0xFFFFFFFF  }
0xbc: {  	[dreg:$0x0] =	wrdreg $0x60  }
0xbd: {  	[dreg:$0x2] =	wrdreg s24  }
0xbe: {  	[dreg:$0x3] =	wrdreg $0xA  }
0xbf: {  	_ =	task.clear_ibuf [dreg:s22], $0x4FFFF;
	_ =	strace $0x9000004C  }
0xc0: {  	s29 =	simm.s32 $0xA;
	_ =	strace $0x8000004E  }
0xc1: {  	_ =	swait.ge [sflag:s29], $0x1  }
0xc2: {  	[sflag:s29] =	ssyncadd.s32 $0xFFFFFFFF  }
0xc3: {  	_ =	strace $0x9000004E  }
0xc4: {  	_ =	sfence  }
0xc5: {  	s30 =	sld [smem:$0x0];
	_ =	sdelay $0x2  }
0xc6: {  	s31 =	sshll.u32 s1, $0xD;
	s1 =	sshrl.u32 s1, $0x2  }
0xc7: {  	s4 =	sand.u32 $0x4000, s31;
	s1 =	sadd.s32 s1, s30  }
0xc8: {  	s0 =	sor.u32 s4, s0;
	s1 =	sshll.u32 s1, $0x11  }
0xc9: {  	s0 =	sor.u32 s1, s0  }
0xca: {  	s0 =	sadd.s32 $0x8F2B, s0  }
0xcb: {  	[sflag:s0] =	ssyncadd.remote.s32 $0x1  }
0xcc: {  	_ =	sfence.sel $0xFFFF  }
0xcd: {  	[dreg:$0x0] =	wrdreg $0xFFFFFFFF;
	(pc) =	sbr.abs _section_cstart, $3  }
0xce: {  	[dreg:$0x1] =	wrdreg $0xFFFFFFFF  }
0xcf: {  	_ =	task.clear_ibuf [dreg:s22], $0x2FFFF;
	_ =	strace $0x9FFFFFFF  }
0xd0: {  	(tm) =	ssettm $0x7FFFFFFF  }
0xd1: {  	_ =	shalt  }
tec
execute0_lowered:
.L_overlay_start_1:
0x0: {  	(tag) =	ssettag $0x1  }
0x1: {  	s1 =	srdreg.scid;
	s0 =	stileid.u32  }
0x2: {  	s12 =	sand.u32 $0x1, s1;
	s29 =	sshll.u32 s0, $0x1  }
0x3: {  	s13 =	sor.u32 s12, s29  }
0x4: {  	s14 =	rddreg [dreg:$0x0];
	s3 =	smul.u32 $0x24, s13  }
0x5: {  	s2 =	simm.s32 $0x0;
	s1 =	rddreg [dreg:$0x1]  }
0x6: {  	[smem:$0x7FF] =	sst s2;
	s3 =	sadd.s32 s3, s14  }
0x7: {  	_ =	strace $0x8000004D;
	s4 =	sadd.s32 $0x4F400, s3;
	s3 =	simm.s32 $0x2  }
0x8: {  	[tilespmem:s2], [sflag:$0x2] =	stream.linear.gather [hbm4b:s4+s2], $0x120, $0x38;
	[tilespmem:$0x4920] =	vst v63  }
0x9: {  	_ =	swait.ge [sflag:s3], $0x120  }
0xa: {  	s6 =	simm.s32 $0x60;
	[sflag:s3] =	ssyncset.done $0x0  }
0xb: {  	s7 =	simm.s32 $0x120;
	s5 =	sadd.s32 $0x62000, s14;
	[sflag:s3] =	ssyncadd.s32 $0xFFFFFEE0  }
0xc: {  	[tilespmem:s7], [sflag:$0x1] =	stream.indirect.gather [hbm4b:s5+s6], $0x40, s2, s6, $0xb8;
	[tilespmem:$0x4920] =	vst v63  }
0xd: {  	s8 =	simm.s32 $0x1920  }
0xe: {  	[tilespmem:s8], [sflag:$0x1] =	stream.indirect.gather [hbm4b:s5+s6], $0x40, s6, s6, $0xb8;
	[tilespmem:$0x4920] =	vst v63  }
0xf: {  	s9 =	simm.s32 $0xC0;
	s10 =	simm.s32 $0x3120;
	s11 =	simm.s32 $0x1  }
0x10: {  	[tilespmem:s10], [sflag:$0x1] =	stream.indirect.gather [hbm4b:s5+s6], $0x40, s9, s6, $0xb8;
	[tilespmem:$0x4920] =	vst v63  }
0x11: {  	_ =	swait.ge [sflag:s11], $0x1800  }
0x12: {  	[sflag:s11] =	ssyncset.done $0x0  }
0x13: {  	s12 =	ssub.s32 $0x2, s12;
	[sflag:s11] =	ssyncadd.s32 $0xFFFFE800  }
0x14: {  	s15 =	sshrl.u32 s12, $0x1;
	_ =	swait.ge [sflag:s11], $0x1800  }
0x15: {  	s30 =	ssub.s32 s12, s15;
	[sflag:s11] =	ssyncset.done $0x0  }
0x16: {  	s13 =	smul.u32 $0x900, s13;
	s31 =	smax.u32 s30, $0x1;
	[sflag:s11] =	ssyncadd.s32 $0xFFFFE800  }
0x17: {  	p0 =	sne.s32 s31, $0x1;
	_ =	swait.ge [sflag:s11], $0x1800  }
.Ltmp0:
0x18: {  	s13 =	sadd.s32 s13, s14;
	[sflag:s11] =	ssyncset.done $0x0;
	(pc) =	sbr.rel @!p0 .LBB2_2-.Ltmp0, $4  }
0x19: {  	s12 =	sadd.s32 $0x64000, s13;
	[sflag:s11] =	ssyncadd.s32 $0xFFFFE800  }
0x1a: {  	[hbm4b:s12+s2] =	stream.linear.scatter [tilespmem:s7], [sflag:$0x2], $0x4800, $0x38;
	[tilespmem:$0x4920] =	vst v63  }
0x1b: {  	_ =	swait.ge [sflag:s3], $0x4800  }
0x1c: {  	s13 =	sadd.s32 $0xFFFFFFFF, s31;
	[sflag:s3] =	ssyncset.done $0x0  }
.LBB2_1:
0x1d: {  	p0 =	sne.s32 s13, $0x1;
	s13 =	sadd.s32 $0xFFFFFFFF, s13;
	[sflag:s3] =	ssyncadd.s32 $0xFFFFB800  }
0x1e: {  	[tilespmem:s2], [sflag:$0x2] =	stream.linear.gather [hbm4b:s4+s2], $0x120, $0x38;
	[tilespmem:$0x4920] =	vst v63  }
0x1f: {  	_ =	swait.ge [sflag:s3], $0x120  }
0x20: {  	[sflag:s3] =	ssyncset.done $0x0  }
0x21: {  	[sflag:s3] =	ssyncadd.s32 $0xFFFFFEE0  }
0x22: {  	[tilespmem:s7], [sflag:$0x1] =	stream.indirect.gather [hbm4b:s5+s6], $0x40, s2, s6, $0xb8;
	[tilespmem:$0x4920] =	vst v63  }
0x23: {  	_ = 	snop  }
0x24: {  	[tilespmem:s8], [sflag:$0x1] =	stream.indirect.gather [hbm4b:s5+s6], $0x40, s6, s6, $0xb8;
	[tilespmem:$0x4920] =	vst v63  }
0x25: {  	_ = 	snop  }
0x26: {  	[tilespmem:s10], [sflag:$0x1] =	stream.indirect.gather [hbm4b:s5+s6], $0x40, s9, s6, $0xb8;
	[tilespmem:$0x4920] =	vst v63  }
0x27: {  	_ =	swait.ge [sflag:s11], $0x1800  }
0x28: {  	[sflag:s11] =	ssyncset.done $0x0  }
0x29: {  	[sflag:s11] =	ssyncadd.s32 $0xFFFFE800  }
0x2a: {  	_ =	swait.ge [sflag:s11], $0x1800  }
0x2b: {  	[sflag:s11] =	ssyncset.done $0x0  }
0x2c: {  	[sflag:s11] =	ssyncadd.s32 $0xFFFFE800  }
0x2d: {  	_ =	swait.ge [sflag:s11], $0x1800  }
.Ltmp1:
0x2e: {  	[sflag:s11] =	ssyncset.done $0x0;
	(pc) =	sbr.rel @p0 .LBB2_1-.Ltmp1, $4  }
0x2f: {  	[sflag:s11] =	ssyncadd.s32 $0xFFFFE800  }
0x30: {  	[hbm4b:s12+s2] =	stream.linear.scatter [tilespmem:s7], [sflag:$0x2], $0x4800, $0x38;
	[tilespmem:$0x4920] =	vst v63  }
0x31: {  	_ =	swait.ge [sflag:s3], $0x4800  }
0x32: {  	[sflag:s3] =	ssyncset.done $0x0  }
.LBB2_2:
0x33: {  	[sflag:s3] =	ssyncadd.s32 $0xFFFFB800  }
0x34: {  	_ =	sfence.sel $0x180000  }
0x35: {  	[bflag:$0x0] =	sbarrier.arrive $0xFFFF  }
0x36: {  	p0 =	sne.s32 s0, $0x0;
	_ =	strace $0x9000004D  }
0x37: {  	s0 =	sadd.s32 @!p0 $0x100000, s1;
	[bflag:$0x2] =	sbarrier.arrive $0xFFFF  }
0x38: {  	[sflag:s0] =	ssyncadd.tile.s32 @!p0 $0x1;
	_ =	shalt  }
.Lfunc_end2:
_tile_overlayer_lowered:
.L_overlay_start_2:
0x39: {  	(tag) =	ssettag $0x2  }
0x3a: {  	s0 =	rddreg [dreg:$0x0];
	s2 =	stileid.u32  }
0x3b: {  	s1 =	rddreg [dreg:$0x1];
	p0 =	sne.s32 s2, $0x0  }
0x3c: {  	s3 =	rddreg [dreg:$0x2];
	[bflag:$0x3] =	sbarrier.arrive $0xFFFF;
	s2 =	simm.s32 @!p0 $0x1C02  }
0x3d: {  	[timem:s3], [sflag:s2] =	dma.local @!p0 [hbm:s0], s1  }
0x3e: {  	s0 =	simm.s32 @!p0 $0x2  }
0x3f: {  	_ =	swait.ge @!p0 [sflag:s0], s1  }
0x40: {  	s1 =	ssub.s32 @!p0 $0x0, s1;
	[sflag:s0] =	ssyncset.done @!p0 $0x0  }
0x41: {  	[sflag:s0] =	ssyncadd.s32 @!p0 s1  }
0x42: {  	[bflag:$0x3] =	sbarrier.arrive $0xFFFF  }
0x43: {  	_ =	shalt  }

// kernel: kernel.30.cloned.1.call-start
scs
__scs_entry_jumppad:
0x0: {  	(pc) =	sbr.rel $0x88, $3  }
0x1: {  	(tag) =	ssettag $0x0;
	lr =	simm.s32 $0x1  }
0x2: {  	[smem:$0x3F9F] =	sst lr;
	_ =	strace $0xD0000000  }
0x3: {  	_ = 	snop  }
0x4: {  	_ = 	snop  }
0x5: {  	_ = 	snop  }
0x6: {  	_ = 	snop  }
0x7: {  	_ = 	snop  }
__scs_overlays_trampoline_lowered:
0x8: {  	[smem:$0x3FAE] =	sst s0  }
0x9: {  	[smem:$0x3FAF] =	sst s1  }
0xa: {  	[smem:$0x3FB0] =	sst s2  }
0xb: {  	[smem:$0x3FB1] =	sst s3  }
0xc: {  	[smem:$0x3FB2] =	sst s4  }
0xd: {  	[smem:$0x3FB3] =	sst s5  }
0xe: {  	[smem:$0x3FB4] =	sst s6  }
0xf: {  	[smem:$0x3FB5] =	sst s7  }
0x10: {  	[smem:$0x3FB6] =	sst s8  }
0x11: {  	[smem:$0x3FB7] =	sst s9;
	s0 =	simm.s32 @!p0 $0x0  }
0x12: {  	s1 =	sld [smem:$0x3F9D];
	s0 =	simm.s32 @p0 $0x1  }
0x13: {  	[smem:$0x3FB8] =	sst s0;
	s0 =	simm.s32 @!p1 $0x0  }
0x14: {  	s2 =	sld [smem:$0x3F9C];
	s0 =	simm.s32 @p1 $0x1  }
0x15: {  	[smem:$0x3FB9] =	sst s0;
	s0 =	simm.s32 @!p2 $0x0  }
0x16: {  	s3 =	sld [smem:$0x3FDB];
	s0 =	simm.s32 @p2 $0x1  }
0x17: {  	s4 =	simm.s32 $0x1BF5;
	[smem:$0x3FBB] =	sst s0  }
0x18: {  	s0 =	sld [smem:$0x3F9E];
	_ =	swait.ge [sflag:s4], $0x0  }
0x19: {  	s7 =	sld [smem:$0x3F9F]  }
0x1a: {  	s8 =	sadd.s32 $0xFFFFE003, lr  }
0x1b: {  	s9 =	sadd.s32 $0xFFFFFEF7, lr;
	s5 =	simm.s32 $0xFFFFFFFF;
	p2 =	slt.u32 s8, $0xFFFFF086  }
0x1c: {  	p1 =	slt.u32 s9, $0xF7A;
	s5 =	simm.s32 @!p2 $0x0  }
0x1d: {  	s5 =	simm.s32 @p1 $0x1;
	p0 =	seq.s32 s7, s2  }
0x1e: {  	s7 =	smul.u32 @!p0 $0xF7A, s2;
	p2 =	seq.s32 @!p0 s5, $0x0  }
0x1f: {  	s9 =	smul.u32 $0xF7A, s1;
	s8 =	simm.s32 @!p0 $0x1BF5;
	p2 =	por !p2, p0  }
0x20: {  	[sflag:s8] =	ssyncset.s32 @!p0 $0xFFFFF086;
	s6 =	sadd.s32 @!p0 s3, s7;
	s7 =	simm.s32 @!p0 $0x108  }
0x21: {  	s3 =	sadd.s32 s3, s9;
	s6 =	sadd.s32 @!p0 $0x88, s6;
	s7 =	simm.s32 @p2 $0x1082  }
0x22: {  	[simem:s7], [sflag:s8] =	dma.local @!p0 [hbm:s6], $0xF7A  }
0x23: {  	s9 =	sor.u32 $0xD0000000, s2;
	s6 =	simm.s32 $0x108;
	_ =	swait.ge @!p0 [sflag:s8], $0x0  }
0x24: {  	s3 =	sadd.s32 $0x88, s3;
	s6 =	simm.s32 @!p1 $0x1082;
	[sflag:s4] =	ssyncset.s32 $0xFFFFF086  }
0x25: {  	[simem:s6], [sflag:s4] =	dma.local [hbm:s3], $0xF7A  }
0x26: {  	[smem:$0x3F9F] =	sst s1;
	(tag) =	ssettag s2;
	_ =	strace s9  }
0x27: {  	s1 =	sld [smem:$0x3FAF]  }
0x28: {  	s2 =	sld [smem:$0x3FB0]  }
0x29: {  	s4 =	sld [smem:$0x3FB2]  }
0x2a: {  	p0 =	seq.s32 s5, $0x0;
	s5 =	sld [smem:$0x3FB3]  }
0x2b: {  	s6 =	sld [smem:$0x3FB4]  }
0x2c: {  	s7 =	sld [smem:$0x3FB5]  }
0x2d: {  	s3 =	simm.s32 $0x108;
	s8 =	sld [smem:$0x3FB6]  }
0x2e: {  	s3 =	simm.s32 @!p0 $0x1082;
	s9 =	sld [smem:$0x3FB7]  }
0x2f: {  	lr =	sadd.s32 s0, s3;
	s0 =	sld [smem:$0x3FAE]  }
0x30: {  	s3 =	sld [smem:$0x3FB1]  }
0x31: {  	[smem:$0x3FBA] =	sst s10  }
0x32: {  	s10 =	sld [smem:$0x3FB8];
	_ =	sdelay $0x3  }
0x33: {  	p0 =	seq.s32 s10, $0x1;
	s10 =	sld [smem:$0x3FBA];
	_ =	sdelay $0x3  }
0x34: {  	[smem:$0x3FBA] =	sst s10  }
0x35: {  	s10 =	sld [smem:$0x3FB9];
	_ =	sdelay $0x3  }
0x36: {  	p1 =	seq.s32 s10, $0x1;
	s10 =	sld [smem:$0x3FBA];
	_ =	sdelay $0x3  }
0x37: {  	[smem:$0x3FBA] =	sst s10  }
0x38: {  	s10 =	sld [smem:$0x3FBB]  }
0x39: {  	_ = 	snop;
	(pc) =	sbr.ind lr, $3  }
0x3a: {  	_ = 	snop  }
0x3b: {  	_ = 	snop  }
0x3c: {  	p2 =	seq.s32 s10, $0x1;
	s10 =	sld [smem:$0x3FBA]  }
0x3d: {  	_ =	shalt  }
0x3e: {  	_ =	shalt  }
0x3f: {  	_ =	shalt  }
0x40: {  	_ =	shalt  }
0x41: {  	_ =	shalt  }
0x42: {  	_ =	shalt  }
0x43: {  	_ =	shalt  }
0x44: {  	_ =	shalt  }
0x45: {  	_ =	shalt  }
0x46: {  	_ =	shalt  }
0x47: {  	_ =	shalt  }
0x48: {  	_ =	shalt  }
0x49: {  	_ =	shalt  }
0x4a: {  	_ =	shalt  }
0x4b: {  	_ =	shalt  }
0x4c: {  	_ =	shalt  }
0x4d: {  	_ =	shalt  }
0x4e: {  	_ =	shalt  }
0x4f: {  	_ =	shalt  }
0x50: {  	_ =	shalt  }
0x51: {  	_ =	shalt  }
0x52: {  	_ =	shalt  }
0x53: {  	_ =	shalt  }
0x54: {  	_ =	shalt  }
0x55: {  	_ =	shalt  }
0x56: {  	_ =	shalt  }
0x57: {  	_ =	shalt  }
0x58: {  	_ =	shalt  }
0x59: {  	_ =	shalt  }
0x5a: {  	_ =	shalt  }
0x5b: {  	_ =	shalt  }
0x5c: {  	_ =	shalt  }
0x5d: {  	_ =	shalt  }
0x5e: {  	_ =	shalt  }
0x5f: {  	_ =	shalt  }
0x60: {  	_ =	shalt  }
0x61: {  	_ =	shalt  }
0x62: {  	_ =	shalt  }
0x63: {  	_ =	shalt  }
0x64: {  	_ =	shalt  }
0x65: {  	_ =	shalt  }
0x66: {  	_ =	shalt  }
0x67: {  	_ =	shalt  }
0x68: {  	_ =	shalt  }
0x69: {  	_ =	shalt  }
0x6a: {  	_ =	shalt  }
0x6b: {  	_ =	shalt  }
0x6c: {  	_ =	shalt  }
0x6d: {  	_ =	shalt  }
0x6e: {  	_ =	shalt  }
0x6f: {  	_ =	shalt  }
0x70: {  	_ =	shalt  }
0x71: {  	_ =	shalt  }
0x72: {  	_ =	shalt  }
0x73: {  	_ =	shalt  }
0x74: {  	_ =	shalt  }
0x75: {  	_ =	shalt  }
0x76: {  	_ =	shalt  }
0x77: {  	_ =	shalt  }
0x78: {  	_ =	shalt  }
0x79: {  	_ =	shalt  }
0x7a: {  	_ =	shalt  }
0x7b: {  	_ =	shalt  }
0x7c: {  	_ =	shalt  }
0x7d: {  	_ =	shalt  }
0x7e: {  	_ =	shalt  }
0x7f: {  	_ =	shalt  }
0x80: {  	_ =	shalt  }
0x81: {  	_ =	shalt  }
0x82: {  	_ =	shalt  }
0x83: {  	_ =	shalt  }
0x84: {  	_ =	shalt  }
0x85: {  	_ =	shalt  }
0x86: {  	_ =	shalt  }
0x87: {  	_ =	shalt  }
.Lfunc_end0:
.L_simem_size_0:
called_computation.4_lowered:
.L_overlay_start_0:
0x88: {  	s2 =	sld [smem:$0x3FD9]  }
0x89: {  	s3 =	sld [smem:$0x3FFE];
	_ =	sdelay $0x1  }
0x8a: {  	s1 =	srdreg.scid  }
0x8b: {  	s0 =	sand.u32 $0x1, s1  }
0x8c: {  	s17 =	sshll.u32 s0, $0xA;
	s2 =	sadd.s32 s3, s2  }
0x8d: {  	s2 =	sadd.s32 s2, s17  }
0x8e: {  	[smem:$0x3FC6] =	sst s2  }
0x8f: {  	_ = 	snop  }
0x90: {  	(tm) =	ssettm $0x1  }
0x91: {  	s18 =	sld [smem:$0x3FFB];
	_ =	sdelay $0x3  }
0x92: {  	_ =	strace s18  }
0x93: {  	s2 =	sld [smem:$0x3FFC];
	_ =	sdelay $0x3  }
0x94: {  	_ =	strace s2  }
0x95: {  	s2 =	sld [smem:$0x3FFD];
	_ =	sdelay $0x3  }
0x96: {  	_ =	strace s2  }
0x97: {  	_ =	strace $0x8FFFFFFF  }
0x98: {  	s19 =	sld [smem:$0x3FDB];
	_ =	sdelay $0x1  }
0x99: {  	s20 =	simm.s32 $_scs_section_size  }
0x9a: {  	s4 =	simm.s32 $_size__tile_overlayer_lowered;
	s5 =	simm.s32 $_tile_overlayer_lowered  }
0x9b: {  	s6 =	simm.s32 $0x1BFF;
	s21 =	sshll.u32 s5, $0x1;
	s3 =	sadd.s32 s20, s19  }
0x9c: {  	s22 =	simm.s32 $0x0;
	s4 =	sshll.u32 s4, $0x1;
	s5 =	sadd.s32 s21, s3  }
0x9d: {  	[timem:s22], [sflag:s6] =	dma.local [hbm:s5], s4  }
0x9e: {  	_ =	swait.ge [sflag:s6], s4  }
0x9f: {  	s4 =	ssub.s32 $0x0, s4;
	[sflag:s6] =	ssyncset.done $0x0  }
0xa0: {  	[sflag:s6] =	ssyncadd.s32 s4;
	_ =	sdelay $0x1  }
0xa1: {  	s23 =	simm.s32 $0x1B8B  }
0xa2: {  	_ =	swait.ge [sflag:s23], $0x1  }
0xa3: {  	[sflag:s23] =	ssyncset.done $0x0  }
0xa4: {  	[sflag:s23] =	ssyncadd.s32 $0xFFFFFFFF  }
0xa5: {  	s4 =	sld [smem:$0x0]  }
0xa6: {  	s5 =	sand.u32 $0xFFFFFFFE, s1  }
0xa7: {  	p0 =	sne.s32 s1, s5  }
0xa8: {  	s5 =	sshll.u32 @p0 s5, $0xE  }
0xa9: {  	s5 =	sadd.s32 @p0 $0x11B8D, s5;
	s6 =	sshll.u32 @p0 s4, $0x11  }
0xaa: {  	s5 =	sor.u32 @p0 s6, s5  }
0xab: {  	[sflag:s5] =	ssyncadd.remote.s32 @p0 $0x1;
	_ =	sdelay $0x1  }
0xac: {  	s5 =	simm.s32 @p0 $0x1B8D  }
0xad: {  	_ =	swait.eq @p0 [sflag:s5], $0x1  }
0xae: {  	[sflag:s5] =	ssyncadd.s32 @p0 $0xFFFFFFFF  }
0xaf: {  	s6 =	sshll.u32 @!p0 s1, $0xE  }
0xb0: {  	s6 =	sor.u32 @!p0 $0x4000, s6;
	s5 =	simm.s32 @!p0 $0x1B8D  }
0xb1: {  	s4 =	sshll.u32 @!p0 s4, $0x11;
	s6 =	sadd.s32 @!p0 $0x11B8D, s6;
	_ =	swait.eq @!p0 [sflag:s5], $0x1  }
0xb2: {  	s4 =	sor.u32 @!p0 s4, s6;
	[sflag:s5] =	ssyncadd.s32 @!p0 $0xFFFFFFFF  }
0xb3: {  	s25 =	simm.s32 $0x1B8E;
	s24 =	sld [smem:$0x3FFE];
	[sflag:s4] =	ssyncadd.remote.s32 @!p0 $0x1  }
0xb4: {  	s26 =	simm.s32 $execute0_lowered;
	[smem:$0x3FD2] =	sst s25  }
0xb5: {  	s5 =	sshll.u32 s26, $0x1;
	_ =	strace $0x80000055;
	[dreg:$0x1] =	wrdreg $0xFFFFFFFF  }
0xb6: {  	s28 =	simm.s32 $_size_execute0_lowered;
	s3 =	sadd.s32 s3, s5;
	[dreg:$0x0] =	wrdreg $0x0  }
0xb7: {  	s5 =	sshll.u32 s28, $0x1;
	[dreg:$0x2] =	wrdreg s3  }
0xb8: {  	[dreg:$0x3] =	wrdreg s5  }
0xb9: {  	[dreg:$0x4] =	wrdreg $0xC0  }
0xba: {  	_ =	task [dreg:s22], $0x5FFFF  }
0xbb: {  	[dreg:$0x1] =	wrdreg $0xFFFFFFFF  }
0xbc: {  	[dreg:$0x0] =	wrdreg $0x60  }
0xbd: {  	[dreg:$0x2] =	wrdreg s24  }
0xbe: {  	[dreg:$0x3] =	wrdreg $0x9  }
0xbf: {  	_ =	task.clear_ibuf [dreg:s22], $0x4FFFF;
	_ =	strace $0x90000055  }
0xc0: {  	s29 =	simm.s32 $0x9;
	_ =	strace $0x80000057  }
0xc1: {  	_ =	swait.ge [sflag:s29], $0x1  }
0xc2: {  	[sflag:s29] =	ssyncadd.s32 $0xFFFFFFFF  }
0xc3: {  	_ =	strace $0x90000057  }
0xc4: {  	_ =	sfence  }
0xc5: {  	s30 =	sld [smem:$0x0];
	_ =	sdelay $0x2  }
0xc6: {  	s31 =	sshll.u32 s1, $0xD;
	s1 =	sshrl.u32 s1, $0x2  }
0xc7: {  	s4 =	sand.u32 $0x4000, s31;
	s1 =	sadd.s32 s1, s30  }
0xc8: {  	s0 =	sor.u32 s4, s0;
	s1 =	sshll.u32 s1, $0x11  }
0xc9: {  	s0 =	sor.u32 s1, s0  }
0xca: {  	s0 =	sadd.s32 $0x8F2B, s0  }
0xcb: {  	[sflag:s0] =	ssyncadd.remote.s32 $0x1  }
0xcc: {  	_ =	sfence.sel $0xFFFF  }
0xcd: {  	[dreg:$0x0] =	wrdreg $0xFFFFFFFF;
	(pc) =	sbr.abs _section_cstart, $3  }
0xce: {  	[dreg:$0x1] =	wrdreg $0xFFFFFFFF  }
0xcf: {  	_ =	task.clear_ibuf [dreg:s22], $0x2FFFF;
	_ =	strace $0x9FFFFFFF  }
0xd0: {  	(tm) =	ssettm $0x7FFFFFFF  }
0xd1: {  	_ =	shalt  }
tec
execute0_lowered:
.L_overlay_start_1:
0x0: {  	(tag) =	ssettag $0x1  }
0x1: {  	s1 =	srdreg.scid;
	s0 =	stileid.u32  }
0x2: {  	s12 =	sand.u32 $0x1, s1;
	s29 =	sshll.u32 s0, $0x1  }
0x3: {  	s13 =	sor.u32 s12, s29  }
0x4: {  	s14 =	rddreg [dreg:$0x0];
	s3 =	smul.u32 $0x24, s13  }
0x5: {  	s2 =	simm.s32 $0x0;
	s1 =	rddreg [dreg:$0x1]  }
0x6: {  	[smem:$0x7FF] =	sst s2;
	s3 =	sadd.s32 s3, s14  }
0x7: {  	_ =	strace $0x80000056;
	s4 =	sadd.s32 $0x5400, s3;
	s3 =	simm.s32 $0x2  }
0x8: {  	[tilespmem:s2], [sflag:$0x2] =	stream.linear.gather [hbm4b:s4+s2], $0x120, $0x38;
	[tilespmem:$0x4920] =	vst v63  }
0x9: {  	_ =	swait.ge [sflag:s3], $0x120  }
0xa: {  	s6 =	simm.s32 $0x60;
	[sflag:s3] =	ssyncset.done $0x0  }
0xb: {  	s7 =	simm.s32 $0x120;
	s5 =	sadd.s32 $0x9A000, s14;
	[sflag:s3] =	ssyncadd.s32 $0xFFFFFEE0  }
0xc: {  	[tilespmem:s7], [sflag:$0x1] =	stream.indirect.gather [hbm4b:s5+s6], $0x40, s2, s6, $0xb8;
	[tilespmem:$0x4920] =	vst v63  }
0xd: {  	s8 =	simm.s32 $0x1920  }
0xe: {  	[tilespmem:s8], [sflag:$0x1] =	stream.indirect.gather [hbm4b:s5+s6], $0x40, s6, s6, $0xb8;
	[tilespmem:$0x4920] =	vst v63  }
0xf: {  	s9 =	simm.s32 $0xC0;
	s10 =	simm.s32 $0x3120;
	s11 =	simm.s32 $0x1  }
0x10: {  	[tilespmem:s10], [sflag:$0x1] =	stream.indirect.gather [hbm4b:s5+s6], $0x40, s9, s6, $0xb8;
	[tilespmem:$0x4920] =	vst v63  }
0x11: {  	_ =	swait.ge [sflag:s11], $0x1800  }
0x12: {  	[sflag:s11] =	ssyncset.done $0x0  }
0x13: {  	s12 =	ssub.s32 $0x2, s12;
	[sflag:s11] =	ssyncadd.s32 $0xFFFFE800  }
0x14: {  	s15 =	sshrl.u32 s12, $0x1;
	_ =	swait.ge [sflag:s11], $0x1800  }
0x15: {  	s30 =	ssub.s32 s12, s15;
	[sflag:s11] =	ssyncset.done $0x0  }
0x16: {  	s13 =	smul.u32 $0x900, s13;
	s31 =	smax.u32 s30, $0x1;
	[sflag:s11] =	ssyncadd.s32 $0xFFFFE800  }
0x17: {  	p0 =	sne.s32 s31, $0x1;
	_ =	swait.ge [sflag:s11], $0x1800  }
.Ltmp0:
0x18: {  	s13 =	sadd.s32 s13, s14;
	[sflag:s11] =	ssyncset.done $0x0;
	(pc) =	sbr.rel @!p0 .LBB2_2-.Ltmp0, $4  }
0x19: {  	s12 =	sadd.s32 $0x4FA00, s13;
	[sflag:s11] =	ssyncadd.s32 $0xFFFFE800  }
0x1a: {  	[hbm4b:s12+s2] =	stream.linear.scatter [tilespmem:s7], [sflag:$0x2], $0x4800, $0x38;
	[tilespmem:$0x4920] =	vst v63  }
0x1b: {  	_ =	swait.ge [sflag:s3], $0x4800  }
0x1c: {  	s13 =	sadd.s32 $0xFFFFFFFF, s31;
	[sflag:s3] =	ssyncset.done $0x0  }
.LBB2_1:
0x1d: {  	p0 =	sne.s32 s13, $0x1;
	s13 =	sadd.s32 $0xFFFFFFFF, s13;
	[sflag:s3] =	ssyncadd.s32 $0xFFFFB800  }
0x1e: {  	[tilespmem:s2], [sflag:$0x2] =	stream.linear.gather [hbm4b:s4+s2], $0x120, $0x38;
	[tilespmem:$0x4920] =	vst v63  }
0x1f: {  	_ =	swait.ge [sflag:s3], $0x120  }
0x20: {  	[sflag:s3] =	ssyncset.done $0x0  }
0x21: {  	[sflag:s3] =	ssyncadd.s32 $0xFFFFFEE0  }
0x22: {  	[tilespmem:s7], [sflag:$0x1] =	stream.indirect.gather [hbm4b:s5+s6], $0x40, s2, s6, $0xb8;
	[tilespmem:$0x4920] =	vst v63  }
0x23: {  	_ = 	snop  }
0x24: {  	[tilespmem:s8], [sflag:$0x1] =	stream.indirect.gather [hbm4b:s5+s6], $0x40, s6, s6, $0xb8;
	[tilespmem:$0x4920] =	vst v63  }
0x25: {  	_ = 	snop  }
0x26: {  	[tilespmem:s10], [sflag:$0x1] =	stream.indirect.gather [hbm4b:s5+s6], $0x40, s9, s6, $0xb8;
	[tilespmem:$0x4920] =	vst v63  }
0x27: {  	_ =	swait.ge [sflag:s11], $0x1800  }
0x28: {  	[sflag:s11] =	ssyncset.done $0x0  }
0x29: {  	[sflag:s11] =	ssyncadd.s32 $0xFFFFE800  }
0x2a: {  	_ =	swait.ge [sflag:s11], $0x1800  }
0x2b: {  	[sflag:s11] =	ssyncset.done $0x0  }
0x2c: {  	[sflag:s11] =	ssyncadd.s32 $0xFFFFE800  }
0x2d: {  	_ =	swait.ge [sflag:s11], $0x1800  }
.Ltmp1:
0x2e: {  	[sflag:s11] =	ssyncset.done $0x0;
	(pc) =	sbr.rel @p0 .LBB2_1-.Ltmp1, $4  }
0x2f: {  	[sflag:s11] =	ssyncadd.s32 $0xFFFFE800  }
0x30: {  	[hbm4b:s12+s2] =	stream.linear.scatter [tilespmem:s7], [sflag:$0x2], $0x4800, $0x38;
	[tilespmem:$0x4920] =	vst v63  }
0x31: {  	_ =	swait.ge [sflag:s3], $0x4800  }
0x32: {  	[sflag:s3] =	ssyncset.done $0x0  }
.LBB2_2:
0x33: {  	[sflag:s3] =	ssyncadd.s32 $0xFFFFB800  }
0x34: {  	_ =	sfence.sel $0x180000  }
0x35: {  	[bflag:$0x0] =	sbarrier.arrive $0xFFFF  }
0x36: {  	p0 =	sne.s32 s0, $0x0;
	_ =	strace $0x90000056  }
0x37: {  	s0 =	sadd.s32 @!p0 $0x100000, s1;
	[bflag:$0x2] =	sbarrier.arrive $0xFFFF  }
0x38: {  	[sflag:s0] =	ssyncadd.tile.s32 @!p0 $0x1;
	_ =	shalt  }
.Lfunc_end2:
_tile_overlayer_lowered:
.L_overlay_start_2:
0x39: {  	(tag) =	ssettag $0x2  }
0x3a: {  	s0 =	rddreg [dreg:$0x0];
	s2 =	stileid.u32  }
0x3b: {  	s1 =	rddreg [dreg:$0x1];
	p0 =	sne.s32 s2, $0x0  }
0x3c: {  	s3 =	rddreg [dreg:$0x2];
	[bflag:$0x3] =	sbarrier.arrive $0xFFFF;
	s2 =	simm.s32 @!p0 $0x1C02  }
0x3d: {  	[timem:s3], [sflag:s2] =	dma.local @!p0 [hbm:s0], s1  }
0x3e: {  	s0 =	simm.s32 @!p0 $0x2  }
0x3f: {  	_ =	swait.ge @!p0 [sflag:s0], s1  }
0x40: {  	s1 =	ssub.s32 @!p0 $0x0, s1;
	[sflag:s0] =	ssyncset.done @!p0 $0x0  }
0x41: {  	[sflag:s0] =	ssyncadd.s32 @!p0 s1  }
0x42: {  	[bflag:$0x3] =	sbarrier.arrive $0xFFFF  }
0x43: {  	_ =	shalt  }

// kernel: kernel.33.cloned.1.call-start
scs
__scs_entry_jumppad:
0x0: {  	(pc) =	sbr.rel $0x88, $3  }
0x1: {  	(tag) =	ssettag $0x0;
	lr =	simm.s32 $0x1  }
0x2: {  	[smem:$0x3F9F] =	sst lr;
	_ =	strace $0xD0000000  }
0x3: {  	_ = 	snop  }
0x4: {  	_ = 	snop  }
0x5: {  	_ = 	snop  }
0x6: {  	_ = 	snop  }
0x7: {  	_ = 	snop  }
__scs_overlays_trampoline_lowered:
0x8: {  	[smem:$0x3FAE] =	sst s0  }
0x9: {  	[smem:$0x3FAF] =	sst s1  }
0xa: {  	[smem:$0x3FB0] =	sst s2  }
0xb: {  	[smem:$0x3FB1] =	sst s3  }
0xc: {  	[smem:$0x3FB2] =	sst s4  }
0xd: {  	[smem:$0x3FB3] =	sst s5  }
0xe: {  	[smem:$0x3FB4] =	sst s6  }
0xf: {  	[smem:$0x3FB5] =	sst s7  }
0x10: {  	[smem:$0x3FB6] =	sst s8  }
0x11: {  	[smem:$0x3FB7] =	sst s9;
	s0 =	simm.s32 @!p0 $0x0  }
0x12: {  	s1 =	sld [smem:$0x3F9D];
	s0 =	simm.s32 @p0 $0x1  }
0x13: {  	[smem:$0x3FB8] =	sst s0;
	s0 =	simm.s32 @!p1 $0x0  }
0x14: {  	s2 =	sld [smem:$0x3F9C];
	s0 =	simm.s32 @p1 $0x1  }
0x15: {  	[smem:$0x3FB9] =	sst s0;
	s0 =	simm.s32 @!p2 $0x0  }
0x16: {  	s3 =	sld [smem:$0x3FDB];
	s0 =	simm.s32 @p2 $0x1  }
0x17: {  	s4 =	simm.s32 $0x1BF5;
	[smem:$0x3FBB] =	sst s0  }
0x18: {  	s0 =	sld [smem:$0x3F9E];
	_ =	swait.ge [sflag:s4], $0x0  }
0x19: {  	s7 =	sld [smem:$0x3F9F]  }
0x1a: {  	s8 =	sadd.s32 $0xFFFFE003, lr  }
0x1b: {  	s9 =	sadd.s32 $0xFFFFFEF7, lr;
	s5 =	simm.s32 $0xFFFFFFFF;
	p2 =	slt.u32 s8, $0xFFFFF086  }
0x1c: {  	p1 =	slt.u32 s9, $0xF7A;
	s5 =	simm.s32 @!p2 $0x0  }
0x1d: {  	s5 =	simm.s32 @p1 $0x1;
	p0 =	seq.s32 s7, s2  }
0x1e: {  	s7 =	smul.u32 @!p0 $0xF7A, s2;
	p2 =	seq.s32 @!p0 s5, $0x0  }
0x1f: {  	s9 =	smul.u32 $0xF7A, s1;
	s8 =	simm.s32 @!p0 $0x1BF5;
	p2 =	por !p2, p0  }
0x20: {  	[sflag:s8] =	ssyncset.s32 @!p0 $0xFFFFF086;
	s6 =	sadd.s32 @!p0 s3, s7;
	s7 =	simm.s32 @!p0 $0x108  }
0x21: {  	s3 =	sadd.s32 s3, s9;
	s6 =	sadd.s32 @!p0 $0x88, s6;
	s7 =	simm.s32 @p2 $0x1082  }
0x22: {  	[simem:s7], [sflag:s8] =	dma.local @!p0 [hbm:s6], $0xF7A  }
0x23: {  	s9 =	sor.u32 $0xD0000000, s2;
	s6 =	simm.s32 $0x108;
	_ =	swait.ge @!p0 [sflag:s8], $0x0  }
0x24: {  	s3 =	sadd.s32 $0x88, s3;
	s6 =	simm.s32 @!p1 $0x1082;
	[sflag:s4] =	ssyncset.s32 $0xFFFFF086  }
0x25: {  	[simem:s6], [sflag:s4] =	dma.local [hbm:s3], $0xF7A  }
0x26: {  	[smem:$0x3F9F] =	sst s1;
	(tag) =	ssettag s2;
	_ =	strace s9  }
0x27: {  	s1 =	sld [smem:$0x3FAF]  }
0x28: {  	s2 =	sld [smem:$0x3FB0]  }
0x29: {  	s4 =	sld [smem:$0x3FB2]  }
0x2a: {  	p0 =	seq.s32 s5, $0x0;
	s5 =	sld [smem:$0x3FB3]  }
0x2b: {  	s6 =	sld [smem:$0x3FB4]  }
0x2c: {  	s7 =	sld [smem:$0x3FB5]  }
0x2d: {  	s3 =	simm.s32 $0x108;
	s8 =	sld [smem:$0x3FB6]  }
0x2e: {  	s3 =	simm.s32 @!p0 $0x1082;
	s9 =	sld [smem:$0x3FB7]  }
0x2f: {  	lr =	sadd.s32 s0, s3;
	s0 =	sld [smem:$0x3FAE]  }
0x30: {  	s3 =	sld [smem:$0x3FB1]  }
0x31: {  	[smem:$0x3FBA] =	sst s10  }
0x32: {  	s10 =	sld [smem:$0x3FB8];
	_ =	sdelay $0x3  }
0x33: {  	p0 =	seq.s32 s10, $0x1;
	s10 =	sld [smem:$0x3FBA];
	_ =	sdelay $0x3  }
0x34: {  	[smem:$0x3FBA] =	sst s10  }
0x35: {  	s10 =	sld [smem:$0x3FB9];
	_ =	sdelay $0x3  }
0x36: {  	p1 =	seq.s32 s10, $0x1;
	s10 =	sld [smem:$0x3FBA];
	_ =	sdelay $0x3  }
0x37: {  	[smem:$0x3FBA] =	sst s10  }
0x38: {  	s10 =	sld [smem:$0x3FBB]  }
0x39: {  	_ = 	snop;
	(pc) =	sbr.ind lr, $3  }
0x3a: {  	_ = 	snop  }
0x3b: {  	_ = 	snop  }
0x3c: {  	p2 =	seq.s32 s10, $0x1;
	s10 =	sld [smem:$0x3FBA]  }
0x3d: {  	_ =	shalt  }
0x3e: {  	_ =	shalt  }
0x3f: {  	_ =	shalt  }
0x40: {  	_ =	shalt  }
0x41: {  	_ =	shalt  }
0x42: {  	_ =	shalt  }
0x43: {  	_ =	shalt  }
0x44: {  	_ =	shalt  }
0x45: {  	_ =	shalt  }
0x46: {  	_ =	shalt  }
0x47: {  	_ =	shalt  }
0x48: {  	_ =	shalt  }
0x49: {  	_ =	shalt  }
0x4a: {  	_ =	shalt  }
0x4b: {  	_ =	shalt  }
0x4c: {  	_ =	shalt  }
0x4d: {  	_ =	shalt  }
0x4e: {  	_ =	shalt  }
0x4f: {  	_ =	shalt  }
0x50: {  	_ =	shalt  }
0x51: {  	_ =	shalt  }
0x52: {  	_ =	shalt  }
0x53: {  	_ =	shalt  }
0x54: {  	_ =	shalt  }
0x55: {  	_ =	shalt  }
0x56: {  	_ =	shalt  }
0x57: {  	_ =	shalt  }
0x58: {  	_ =	shalt  }
0x59: {  	_ =	shalt  }
0x5a: {  	_ =	shalt  }
0x5b: {  	_ =	shalt  }
0x5c: {  	_ =	shalt  }
0x5d: {  	_ =	shalt  }
0x5e: {  	_ =	shalt  }
0x5f: {  	_ =	shalt  }
0x60: {  	_ =	shalt  }
0x61: {  	_ =	shalt  }
0x62: {  	_ =	shalt  }
0x63: {  	_ =	shalt  }
0x64: {  	_ =	shalt  }
0x65: {  	_ =	shalt  }
0x66: {  	_ =	shalt  }
0x67: {  	_ =	shalt  }
0x68: {  	_ =	shalt  }
0x69: {  	_ =	shalt  }
0x6a: {  	_ =	shalt  }
0x6b: {  	_ =	shalt  }
0x6c: {  	_ =	shalt  }
0x6d: {  	_ =	shalt  }
0x6e: {  	_ =	shalt  }
0x6f: {  	_ =	shalt  }
0x70: {  	_ =	shalt  }
0x71: {  	_ =	shalt  }
0x72: {  	_ =	shalt  }
0x73: {  	_ =	shalt  }
0x74: {  	_ =	shalt  }
0x75: {  	_ =	shalt  }
0x76: {  	_ =	shalt  }
0x77: {  	_ =	shalt  }
0x78: {  	_ =	shalt  }
0x79: {  	_ =	shalt  }
0x7a: {  	_ =	shalt  }
0x7b: {  	_ =	shalt  }
0x7c: {  	_ =	shalt  }
0x7d: {  	_ =	shalt  }
0x7e: {  	_ =	shalt  }
0x7f: {  	_ =	shalt  }
0x80: {  	_ =	shalt  }
0x81: {  	_ =	shalt  }
0x82: {  	_ =	shalt  }
0x83: {  	_ =	shalt  }
0x84: {  	_ =	shalt  }
0x85: {  	_ =	shalt  }
0x86: {  	_ =	shalt  }
0x87: {  	_ =	shalt  }
.Lfunc_end0:
.L_simem_size_0:
called_computation.5_lowered:
.L_overlay_start_0:
0x88: {  	s2 =	sld [smem:$0x3FD9]  }
0x89: {  	s3 =	sld [smem:$0x3FFE];
	_ =	sdelay $0x1  }
0x8a: {  	s1 =	srdreg.scid  }
0x8b: {  	s0 =	sand.u32 $0x1, s1  }
0x8c: {  	s17 =	sshll.u32 s0, $0xA;
	s2 =	sadd.s32 s3, s2  }
0x8d: {  	s2 =	sadd.s32 s2, s17  }
0x8e: {  	[smem:$0x3FC6] =	sst s2  }
0x8f: {  	_ = 	snop  }
0x90: {  	s18 =	sld [smem:$0x3FD0];
	(tm) =	ssettm $0x1  }
0x91: {  	s19 =	sld [smem:$0x3FFB];
	_ =	sdelay $0x3  }
0x92: {  	_ =	strace s19  }
0x93: {  	s2 =	sld [smem:$0x3FFC];
	_ =	sdelay $0x3  }
0x94: {  	_ =	strace s2  }
0x95: {  	s2 =	sld [smem:$0x3FFD];
	_ =	sdelay $0x3  }
0x96: {  	_ =	strace s2  }
0x97: {  	_ =	strace $0x8FFFFFFF  }
0x98: {  	s20 =	sld [smem:$0x3FDB];
	_ =	sdelay $0x1  }
0x99: {  	s4 =	simm.s32 $_scs_section_size  }
0x9a: {  	s5 =	simm.s32 $_size__tile_overlayer_lowered;
	s6 =	simm.s32 $_tile_overlayer_lowered  }
0x9b: {  	s7 =	simm.s32 $0x1BFF;
	s21 =	sshll.u32 s6, $0x1;
	s4 =	sadd.s32 s4, s20  }
0x9c: {  	s22 =	simm.s32 $0x0;
	s5 =	sshll.u32 s5, $0x1;
	s6 =	sadd.s32 s21, s4  }
0x9d: {  	[timem:s22], [sflag:s7] =	dma.local [hbm:s6], s5  }
0x9e: {  	_ =	swait.ge [sflag:s7], s5  }
0x9f: {  	s5 =	ssub.s32 $0x0, s5;
	[sflag:s7] =	ssyncset.done $0x0  }
0xa0: {  	[sflag:s7] =	ssyncadd.s32 s5;
	_ =	sdelay $0x1  }
0xa1: {  	s23 =	simm.s32 $0x1B8B  }
0xa2: {  	_ =	swait.ge [sflag:s23], $0x1  }
0xa3: {  	[sflag:s23] =	ssyncset.done $0x0  }
0xa4: {  	[sflag:s23] =	ssyncadd.s32 $0xFFFFFFFF  }
0xa5: {  	s5 =	sld [smem:$0x0]  }
0xa6: {  	s6 =	sand.u32 $0xFFFFFFFE, s1  }
0xa7: {  	p0 =	sne.s32 s1, s6  }
0xa8: {  	s6 =	sshll.u32 @p0 s6, $0xE  }
0xa9: {  	s6 =	sadd.s32 @p0 $0x11B8D, s6;
	s7 =	sshll.u32 @p0 s5, $0x11  }
0xaa: {  	s6 =	sor.u32 @p0 s7, s6  }
0xab: {  	[sflag:s6] =	ssyncadd.remote.s32 @p0 $0x1;
	_ =	sdelay $0x1  }
0xac: {  	s6 =	simm.s32 @p0 $0x1B8D  }
0xad: {  	_ =	swait.eq @p0 [sflag:s6], $0x1  }
0xae: {  	[sflag:s6] =	ssyncadd.s32 @p0 $0xFFFFFFFF  }
0xaf: {  	s7 =	sshll.u32 @!p0 s1, $0xE  }
0xb0: {  	s7 =	sor.u32 @!p0 $0x4000, s7;
	s6 =	simm.s32 @!p0 $0x1B8D  }
0xb1: {  	s5 =	sshll.u32 @!p0 s5, $0x11;
	s7 =	sadd.s32 @!p0 $0x11B8D, s7;
	_ =	swait.eq @!p0 [sflag:s6], $0x1  }
0xb2: {  	s5 =	sor.u32 @!p0 s5, s7;
	[sflag:s6] =	ssyncadd.s32 @!p0 $0xFFFFFFFF  }
0xb3: {  	s25 =	simm.s32 $0x1B8E;
	s24 =	sld [smem:$0x3FFE];
	[sflag:s5] =	ssyncadd.remote.s32 @!p0 $0x1  }
0xb4: {  	s26 =	simm.s32 $execute0_lowered;
	[smem:$0x3FD2] =	sst s25  }
0xb5: {  	s6 =	sshll.u32 s26, $0x1;
	_ =	strace $0x80000052;
	[dreg:$0x1] =	wrdreg $0xFFFFFFFF  }
0xb6: {  	s28 =	simm.s32 $_size_execute0_lowered;
	s4 =	sadd.s32 s4, s6;
	[dreg:$0x0] =	wrdreg $0x0  }
0xb7: {  	s6 =	sshll.u32 s28, $0x1;
	[dreg:$0x2] =	wrdreg s4  }
0xb8: {  	[dreg:$0x3] =	wrdreg s6  }
0xb9: {  	[dreg:$0x4] =	wrdreg $0xC0  }
0xba: {  	_ =	task [dreg:s22], $0x5FFFF  }
0xbb: {  	[dreg:$0x1] =	wrdreg $0xFFFFFFFF  }
0xbc: {  	[dreg:$0x0] =	wrdreg $0x60  }
0xbd: {  	[dreg:$0x2] =	wrdreg s24  }
0xbe: {  	[dreg:$0x3] =	wrdreg s18  }
0xbf: {  	[dreg:$0x4] =	wrdreg $0xA  }
0xc0: {  	_ =	task.clear_ibuf [dreg:s22], $0x5FFFF;
	_ =	strace $0x90000052  }
0xc1: {  	s29 =	simm.s32 $0xA;
	_ =	strace $0x80000054  }
0xc2: {  	_ =	swait.ge [sflag:s29], $0x1  }
0xc3: {  	[sflag:s29] =	ssyncadd.s32 $0xFFFFFFFF  }
0xc4: {  	_ =	strace $0x90000054  }
0xc5: {  	_ =	sfence  }
0xc6: {  	s30 =	sld [smem:$0x0];
	_ =	sdelay $0x2  }
0xc7: {  	s31 =	sshll.u32 s1, $0xD;
	s1 =	sshrl.u32 s1, $0x2  }
0xc8: {  	s4 =	sand.u32 $0x4000, s31;
	s1 =	sadd.s32 s1, s30  }
0xc9: {  	s0 =	sor.u32 s4, s0;
	s1 =	sshll.u32 s1, $0x11  }
0xca: {  	s0 =	sor.u32 s1, s0  }
0xcb: {  	s0 =	sadd.s32 $0x8F2B, s0  }
0xcc: {  	[sflag:s0] =	ssyncadd.remote.s32 $0x1  }
0xcd: {  	_ =	sfence.sel $0xFFFF  }
0xce: {  	[dreg:$0x0] =	wrdreg $0xFFFFFFFF;
	(pc) =	sbr.abs _section_cstart, $3  }
0xcf: {  	[dreg:$0x1] =	wrdreg $0xFFFFFFFF  }
0xd0: {  	_ =	task.clear_ibuf [dreg:s22], $0x2FFFF;
	_ =	strace $0x9FFFFFFF  }
0xd1: {  	(tm) =	ssettm $0x7FFFFFFF  }
tec
execute0_lowered:
.L_overlay_start_1:
0x0: {  	(tag) =	ssettag $0x1  }
0x1: {  	s1 =	srdreg.scid;
	s0 =	stileid.u32  }
0x2: {  	s12 =	sand.u32 $0x1, s1;
	s30 =	sshll.u32 s0, $0x1  }
0x3: {  	s5 =	rddreg [dreg:$0x0];
	s13 =	sor.u32 s12, s30  }
0x4: {  	s14 =	rddreg [dreg:$0x1];
	s3 =	smul.u32 $0x24, s13  }
0x5: {  	s2 =	simm.s32 $0x0;
	s1 =	rddreg [dreg:$0x2]  }
0x6: {  	[smem:$0x7FF] =	sst s2;
	s3 =	sadd.s32 s3, s5  }
0x7: {  	_ =	strace $0x80000053;
	s4 =	sadd.s32 $0x4F400, s3;
	s3 =	simm.s32 $0x2  }
0x8: {  	[tilespmem:s2], [sflag:$0x2] =	stream.linear.gather [hbm4b:s4+s2], $0x120, $0x38;
	[tilespmem:$0x4920] =	vst v63  }
0x9: {  	_ =	swait.ge [sflag:s3], $0x120  }
0xa: {  	s6 =	simm.s32 $0x60;
	[sflag:s3] =	ssyncset.done $0x0  }
0xb: {  	s7 =	simm.s32 $0x120;
	s5 =	sadd.s32 $0x9A000, s5;
	[sflag:s3] =	ssyncadd.s32 $0xFFFFFEE0  }
0xc: {  	[tilespmem:s7], [sflag:$0x1] =	stream.indirect.gather [hbm4b:s5+s6], $0x40, s2, s6, $0xb8;
	[tilespmem:$0x4920] =	vst v63  }
0xd: {  	s8 =	simm.s32 $0x1920  }
0xe: {  	[tilespmem:s8], [sflag:$0x1] =	stream.indirect.gather [hbm4b:s5+s6], $0x40, s6, s6, $0xb8;
	[tilespmem:$0x4920] =	vst v63  }
0xf: {  	s9 =	simm.s32 $0xC0;
	s10 =	simm.s32 $0x3120;
	s11 =	simm.s32 $0x1  }
0x10: {  	[tilespmem:s10], [sflag:$0x1] =	stream.indirect.gather [hbm4b:s5+s6], $0x40, s9, s6, $0xb8;
	[tilespmem:$0x4920] =	vst v63  }
0x11: {  	_ =	swait.ge [sflag:s11], $0x1800  }
0x12: {  	[sflag:s11] =	ssyncset.done $0x0  }
0x13: {  	s12 =	ssub.s32 $0x2, s12;
	[sflag:s11] =	ssyncadd.s32 $0xFFFFE800  }
0x14: {  	s15 =	sshrl.u32 s12, $0x1;
	_ =	swait.ge [sflag:s11], $0x1800  }
0x15: {  	s15 =	ssub.s32 s12, s15;
	[sflag:s11] =	ssyncset.done $0x0  }
0x16: {  	s31 =	smax.u32 s15, $0x1;
	[sflag:s11] =	ssyncadd.s32 $0xFFFFE800  }
0x17: {  	s13 =	smul.u32 $0x900, s13;
	p0 =	sne.s32 s31, $0x1;
	_ =	swait.ge [sflag:s11], $0x1800  }
.Ltmp0:
0x18: {  	[sflag:s11] =	ssyncset.done $0x0;
	(pc) =	sbr.rel @!p0 .LBB2_2-.Ltmp0, $4  }
0x19: {  	s12 =	sadd.s32 s14, s13;
	[sflag:s11] =	ssyncadd.s32 $0xFFFFE800  }
0x1a: {  	[hbm4b:s12+s2] =	stream.linear.scatter [tilespmem:s7], [sflag:$0x2], $0x4800, $0x38;
	[tilespmem:$0x4920] =	vst v63  }
0x1b: {  	_ =	swait.ge [sflag:s3], $0x4800  }
0x1c: {  	s13 =	sadd.s32 $0xFFFFFFFF, s31;
	[sflag:s3] =	ssyncset.done $0x0  }
.LBB2_1:
0x1d: {  	p0 =	sne.s32 s13, $0x1;
	s13 =	sadd.s32 $0xFFFFFFFF, s13;
	[sflag:s3] =	ssyncadd.s32 $0xFFFFB800  }
0x1e: {  	[tilespmem:s2], [sflag:$0x2] =	stream.linear.gather [hbm4b:s4+s2], $0x120, $0x38;
	[tilespmem:$0x4920] =	vst v63  }
0x1f: {  	_ =	swait.ge [sflag:s3], $0x120  }
0x20: {  	[sflag:s3] =	ssyncset.done $0x0  }
0x21: {  	[sflag:s3] =	ssyncadd.s32 $0xFFFFFEE0  }
0x22: {  	[tilespmem:s7], [sflag:$0x1] =	stream.indirect.gather [hbm4b:s5+s6], $0x40, s2, s6, $0xb8;
	[tilespmem:$0x4920] =	vst v63  }
0x23: {  	_ = 	snop  }
0x24: {  	[tilespmem:s8], [sflag:$0x1] =	stream.indirect.gather [hbm4b:s5+s6], $0x40, s6, s6, $0xb8;
	[tilespmem:$0x4920] =	vst v63  }
0x25: {  	_ = 	snop  }
0x26: {  	[tilespmem:s10], [sflag:$0x1] =	stream.indirect.gather [hbm4b:s5+s6], $0x40, s9, s6, $0xb8;
	[tilespmem:$0x4920] =	vst v63  }
0x27: {  	_ =	swait.ge [sflag:s11], $0x1800  }
0x28: {  	[sflag:s11] =	ssyncset.done $0x0  }
0x29: {  	[sflag:s11] =	ssyncadd.s32 $0xFFFFE800  }
0x2a: {  	_ =	swait.ge [sflag:s11], $0x1800  }
0x2b: {  	[sflag:s11] =	ssyncset.done $0x0  }
0x2c: {  	[sflag:s11] =	ssyncadd.s32 $0xFFFFE800  }
0x2d: {  	_ =	swait.ge [sflag:s11], $0x1800  }
.Ltmp1:
0x2e: {  	[sflag:s11] =	ssyncset.done $0x0;
	(pc) =	sbr.rel @p0 .LBB2_1-.Ltmp1, $4  }
0x2f: {  	[sflag:s11] =	ssyncadd.s32 $0xFFFFE800  }
0x30: {  	[hbm4b:s12+s2] =	stream.linear.scatter [tilespmem:s7], [sflag:$0x2], $0x4800, $0x38;
	[tilespmem:$0x4920] =	vst v63  }
0x31: {  	_ =	swait.ge [sflag:s3], $0x4800  }
0x32: {  	[sflag:s3] =	ssyncset.done $0x0  }
.LBB2_2:
0x33: {  	[sflag:s3] =	ssyncadd.s32 $0xFFFFB800  }
0x34: {  	_ =	sfence.sel $0x180000  }
0x35: {  	[bflag:$0x0] =	sbarrier.arrive $0xFFFF  }
0x36: {  	p0 =	sne.s32 s0, $0x0;
	_ =	strace $0x90000053  }
0x37: {  	s0 =	sadd.s32 @!p0 $0x100000, s1;
	[bflag:$0x2] =	sbarrier.arrive $0xFFFF  }
0x38: {  	[sflag:s0] =	ssyncadd.tile.s32 @!p0 $0x1;
	_ =	shalt  }
.Lfunc_end2:
_tile_overlayer_lowered:
.L_overlay_start_2:
0x39: {  	(tag) =	ssettag $0x2  }
0x3a: {  	s0 =	rddreg [dreg:$0x0];
	s2 =	stileid.u32  }
0x3b: {  	s1 =	rddreg [dreg:$0x1];
	p0 =	sne.s32 s2, $0x0  }
0x3c: {  	s3 =	rddreg [dreg:$0x2];
	[bflag:$0x3] =	sbarrier.arrive $0xFFFF;
	s2 =	simm.s32 @!p0 $0x1C02  }
0x3d: {  	[timem:s3], [sflag:s2] =	dma.local @!p0 [hbm:s0], s1  }
0x3e: {  	s0 =	simm.s32 @!p0 $0x2  }
0x3f: {  	_ =	swait.ge @!p0 [sflag:s0], s1  }
0x40: {  	s1 =	ssub.s32 @!p0 $0x0, s1;
	[sflag:s0] =	ssyncset.done @!p0 $0x0  }
0x41: {  	[sflag:s0] =	ssyncadd.s32 @!p0 s1  }
0x42: {  	[bflag:$0x3] =	sbarrier.arrive $0xFFFF  }
0x43: {  	_ =	shalt  }

// kernel: kernel.36.cloned.1.call-start
scs
__scs_entry_jumppad:
0x0: {  	(pc) =	sbr.rel $0x88, $3  }
0x1: {  	(tag) =	ssettag $0x0;
	lr =	simm.s32 $0x1  }
0x2: {  	[smem:$0x3F9F] =	sst lr;
	_ =	strace $0xD0000000  }
0x3: {  	_ = 	snop  }
0x4: {  	_ = 	snop  }
0x5: {  	_ = 	snop  }
0x6: {  	_ = 	snop  }
0x7: {  	_ = 	snop  }
__scs_overlays_trampoline_lowered:
0x8: {  	[smem:$0x3FAE] =	sst s0  }
0x9: {  	[smem:$0x3FAF] =	sst s1  }
0xa: {  	[smem:$0x3FB0] =	sst s2  }
0xb: {  	[smem:$0x3FB1] =	sst s3  }
0xc: {  	[smem:$0x3FB2] =	sst s4  }
0xd: {  	[smem:$0x3FB3] =	sst s5  }
0xe: {  	[smem:$0x3FB4] =	sst s6  }
0xf: {  	[smem:$0x3FB5] =	sst s7  }
0x10: {  	[smem:$0x3FB6] =	sst s8  }
0x11: {  	[smem:$0x3FB7] =	sst s9;
	s0 =	simm.s32 @!p0 $0x0  }
0x12: {  	s1 =	sld [smem:$0x3F9D];
	s0 =	simm.s32 @p0 $0x1  }
0x13: {  	[smem:$0x3FB8] =	sst s0;
	s0 =	simm.s32 @!p1 $0x0  }
0x14: {  	s2 =	sld [smem:$0x3F9C];
	s0 =	simm.s32 @p1 $0x1  }
0x15: {  	[smem:$0x3FB9] =	sst s0;
	s0 =	simm.s32 @!p2 $0x0  }
0x16: {  	s3 =	sld [smem:$0x3FDB];
	s0 =	simm.s32 @p2 $0x1  }
0x17: {  	s4 =	simm.s32 $0x1BF5;
	[smem:$0x3FBB] =	sst s0  }
0x18: {  	s0 =	sld [smem:$0x3F9E];
	_ =	swait.ge [sflag:s4], $0x0  }
0x19: {  	s7 =	sld [smem:$0x3F9F]  }
0x1a: {  	s8 =	sadd.s32 $0xFFFFE003, lr  }
0x1b: {  	s9 =	sadd.s32 $0xFFFFFEF7, lr;
	s5 =	simm.s32 $0xFFFFFFFF;
	p2 =	slt.u32 s8, $0xFFFFF086  }
0x1c: {  	p1 =	slt.u32 s9, $0xF7A;
	s5 =	simm.s32 @!p2 $0x0  }
0x1d: {  	s5 =	simm.s32 @p1 $0x1;
	p0 =	seq.s32 s7, s2  }
0x1e: {  	s7 =	smul.u32 @!p0 $0xF7A, s2;
	p2 =	seq.s32 @!p0 s5, $0x0  }
0x1f: {  	s9 =	smul.u32 $0xF7A, s1;
	s8 =	simm.s32 @!p0 $0x1BF5;
	p2 =	por !p2, p0  }
0x20: {  	[sflag:s8] =	ssyncset.s32 @!p0 $0xFFFFF086;
	s6 =	sadd.s32 @!p0 s3, s7;
	s7 =	simm.s32 @!p0 $0x108  }
0x21: {  	s3 =	sadd.s32 s3, s9;
	s6 =	sadd.s32 @!p0 $0x88, s6;
	s7 =	simm.s32 @p2 $0x1082  }
0x22: {  	[simem:s7], [sflag:s8] =	dma.local @!p0 [hbm:s6], $0xF7A  }
0x23: {  	s9 =	sor.u32 $0xD0000000, s2;
	s6 =	simm.s32 $0x108;
	_ =	swait.ge @!p0 [sflag:s8], $0x0  }
0x24: {  	s3 =	sadd.s32 $0x88, s3;
	s6 =	simm.s32 @!p1 $0x1082;
	[sflag:s4] =	ssyncset.s32 $0xFFFFF086  }
0x25: {  	[simem:s6], [sflag:s4] =	dma.local [hbm:s3], $0xF7A  }
0x26: {  	[smem:$0x3F9F] =	sst s1;
	(tag) =	ssettag s2;
	_ =	strace s9  }
0x27: {  	s1 =	sld [smem:$0x3FAF]  }
0x28: {  	s2 =	sld [smem:$0x3FB0]  }
0x29: {  	s4 =	sld [smem:$0x3FB2]  }
0x2a: {  	p0 =	seq.s32 s5, $0x0;
	s5 =	sld [smem:$0x3FB3]  }
0x2b: {  	s6 =	sld [smem:$0x3FB4]  }
0x2c: {  	s7 =	sld [smem:$0x3FB5]  }
0x2d: {  	s3 =	simm.s32 $0x108;
	s8 =	sld [smem:$0x3FB6]  }
0x2e: {  	s3 =	simm.s32 @!p0 $0x1082;
	s9 =	sld [smem:$0x3FB7]  }
0x2f: {  	lr =	sadd.s32 s0, s3;
	s0 =	sld [smem:$0x3FAE]  }
0x30: {  	s3 =	sld [smem:$0x3FB1]  }
0x31: {  	[smem:$0x3FBA] =	sst s10  }
0x32: {  	s10 =	sld [smem:$0x3FB8];
	_ =	sdelay $0x3  }
0x33: {  	p0 =	seq.s32 s10, $0x1;
	s10 =	sld [smem:$0x3FBA];
	_ =	sdelay $0x3  }
0x34: {  	[smem:$0x3FBA] =	sst s10  }
0x35: {  	s10 =	sld [smem:$0x3FB9];
	_ =	sdelay $0x3  }
0x36: {  	p1 =	seq.s32 s10, $0x1;
	s10 =	sld [smem:$0x3FBA];
	_ =	sdelay $0x3  }
0x37: {  	[smem:$0x3FBA] =	sst s10  }
0x38: {  	s10 =	sld [smem:$0x3FBB]  }
0x39: {  	_ = 	snop;
	(pc) =	sbr.ind lr, $3  }
0x3a: {  	_ = 	snop  }
0x3b: {  	_ = 	snop  }
0x3c: {  	p2 =	seq.s32 s10, $0x1;
	s10 =	sld [smem:$0x3FBA]  }
0x3d: {  	_ =	shalt  }
0x3e: {  	_ =	shalt  }
0x3f: {  	_ =	shalt  }
0x40: {  	_ =	shalt  }
0x41: {  	_ =	shalt  }
0x42: {  	_ =	shalt  }
0x43: {  	_ =	shalt  }
0x44: {  	_ =	shalt  }
0x45: {  	_ =	shalt  }
0x46: {  	_ =	shalt  }
0x47: {  	_ =	shalt  }
0x48: {  	_ =	shalt  }
0x49: {  	_ =	shalt  }
0x4a: {  	_ =	shalt  }
0x4b: {  	_ =	shalt  }
0x4c: {  	_ =	shalt  }
0x4d: {  	_ =	shalt  }
0x4e: {  	_ =	shalt  }
0x4f: {  	_ =	shalt  }
0x50: {  	_ =	shalt  }
0x51: {  	_ =	shalt  }
0x52: {  	_ =	shalt  }
0x53: {  	_ =	shalt  }
0x54: {  	_ =	shalt  }
0x55: {  	_ =	shalt  }
0x56: {  	_ =	shalt  }
0x57: {  	_ =	shalt  }
0x58: {  	_ =	shalt  }
0x59: {  	_ =	shalt  }
0x5a: {  	_ =	shalt  }
0x5b: {  	_ =	shalt  }
0x5c: {  	_ =	shalt  }
0x5d: {  	_ =	shalt  }
0x5e: {  	_ =	shalt  }
0x5f: {  	_ =	shalt  }
0x60: {  	_ =	shalt  }
0x61: {  	_ =	shalt  }
0x62: {  	_ =	shalt  }
0x63: {  	_ =	shalt  }
0x64: {  	_ =	shalt  }
0x65: {  	_ =	shalt  }
0x66: {  	_ =	shalt  }
0x67: {  	_ =	shalt  }
0x68: {  	_ =	shalt  }
0x69: {  	_ =	shalt  }
0x6a: {  	_ =	shalt  }
0x6b: {  	_ =	shalt  }
0x6c: {  	_ =	shalt  }
0x6d: {  	_ =	shalt  }
0x6e: {  	_ =	shalt  }
0x6f: {  	_ =	shalt  }
0x70: {  	_ =	shalt  }
0x71: {  	_ =	shalt  }
0x72: {  	_ =	shalt  }
0x73: {  	_ =	shalt  }
0x74: {  	_ =	shalt  }
0x75: {  	_ =	shalt  }
0x76: {  	_ =	shalt  }
0x77: {  	_ =	shalt  }
0x78: {  	_ =	shalt  }
0x79: {  	_ =	shalt  }
0x7a: {  	_ =	shalt  }
0x7b: {  	_ =	shalt  }
0x7c: {  	_ =	shalt  }
0x7d: {  	_ =	shalt  }
0x7e: {  	_ =	shalt  }
0x7f: {  	_ =	shalt  }
0x80: {  	_ =	shalt  }
0x81: {  	_ =	shalt  }
0x82: {  	_ =	shalt  }
0x83: {  	_ =	shalt  }
0x84: {  	_ =	shalt  }
0x85: {  	_ =	shalt  }
0x86: {  	_ =	shalt  }
0x87: {  	_ =	shalt  }
.Lfunc_end0:
.L_simem_size_0:
called_computation.6_lowered:
.L_overlay_start_0:
0x88: {  	s2 =	sld [smem:$0x3FD9]  }
0x89: {  	s3 =	sld [smem:$0x3FFE];
	_ =	sdelay $0x1  }
0x8a: {  	s1 =	srdreg.scid  }
0x8b: {  	s0 =	sand.u32 $0x1, s1  }
0x8c: {  	s17 =	sshll.u32 s0, $0xA;
	s2 =	sadd.s32 s3, s2  }
0x8d: {  	s2 =	sadd.s32 s2, s17  }
0x8e: {  	[smem:$0x3FC6] =	sst s2  }
0x8f: {  	_ = 	snop  }
0x90: {  	(tm) =	ssettm $0x1  }
0x91: {  	s18 =	sld [smem:$0x3FFB];
	_ =	sdelay $0x3  }
0x92: {  	_ =	strace s18  }
0x93: {  	s2 =	sld [smem:$0x3FFC];
	_ =	sdelay $0x3  }
0x94: {  	_ =	strace s2  }
0x95: {  	s2 =	sld [smem:$0x3FFD];
	_ =	sdelay $0x3  }
0x96: {  	_ =	strace s2  }
0x97: {  	_ =	strace $0x8FFFFFFF  }
0x98: {  	s19 =	sld [smem:$0x3FDB];
	_ =	sdelay $0x1  }
0x99: {  	s20 =	simm.s32 $_scs_section_size  }
0x9a: {  	s4 =	simm.s32 $_size__tile_overlayer_lowered;
	s5 =	simm.s32 $_tile_overlayer_lowered  }
0x9b: {  	s6 =	simm.s32 $0x1BFF;
	s21 =	sshll.u32 s5, $0x1;
	s3 =	sadd.s32 s20, s19  }
0x9c: {  	s22 =	simm.s32 $0x0;
	s4 =	sshll.u32 s4, $0x1;
	s5 =	sadd.s32 s21, s3  }
0x9d: {  	[timem:s22], [sflag:s6] =	dma.local [hbm:s5], s4  }
0x9e: {  	_ =	swait.ge [sflag:s6], s4  }
0x9f: {  	s4 =	ssub.s32 $0x0, s4;
	[sflag:s6] =	ssyncset.done $0x0  }
0xa0: {  	[sflag:s6] =	ssyncadd.s32 s4;
	_ =	sdelay $0x1  }
0xa1: {  	s23 =	simm.s32 $0x1B8B  }
0xa2: {  	_ =	swait.ge [sflag:s23], $0x1  }
0xa3: {  	[sflag:s23] =	ssyncset.done $0x0  }
0xa4: {  	[sflag:s23] =	ssyncadd.s32 $0xFFFFFFFF  }
0xa5: {  	s4 =	sld [smem:$0x0]  }
0xa6: {  	s5 =	sand.u32 $0xFFFFFFFE, s1  }
0xa7: {  	p0 =	sne.s32 s1, s5  }
0xa8: {  	s5 =	sshll.u32 @p0 s5, $0xE  }
0xa9: {  	s5 =	sadd.s32 @p0 $0x11B8D, s5;
	s6 =	sshll.u32 @p0 s4, $0x11  }
0xaa: {  	s5 =	sor.u32 @p0 s6, s5  }
0xab: {  	[sflag:s5] =	ssyncadd.remote.s32 @p0 $0x1;
	_ =	sdelay $0x1  }
0xac: {  	s5 =	simm.s32 @p0 $0x1B8D  }
0xad: {  	_ =	swait.eq @p0 [sflag:s5], $0x1  }
0xae: {  	[sflag:s5] =	ssyncadd.s32 @p0 $0xFFFFFFFF  }
0xaf: {  	s6 =	sshll.u32 @!p0 s1, $0xE  }
0xb0: {  	s6 =	sor.u32 @!p0 $0x4000, s6;
	s5 =	simm.s32 @!p0 $0x1B8D  }
0xb1: {  	s4 =	sshll.u32 @!p0 s4, $0x11;
	s6 =	sadd.s32 @!p0 $0x11B8D, s6;
	_ =	swait.eq @!p0 [sflag:s5], $0x1  }
0xb2: {  	s4 =	sor.u32 @!p0 s4, s6;
	[sflag:s5] =	ssyncadd.s32 @!p0 $0xFFFFFFFF  }
0xb3: {  	s25 =	simm.s32 $0x1B8E;
	s24 =	sld [smem:$0x3FFE];
	[sflag:s4] =	ssyncadd.remote.s32 @!p0 $0x1  }
0xb4: {  	s26 =	simm.s32 $execute0_lowered;
	[smem:$0x3FD2] =	sst s25  }
0xb5: {  	s5 =	sshll.u32 s26, $0x1;
	_ =	strace $0x8000005B;
	[dreg:$0x1] =	wrdreg $0xFFFFFFFF  }
0xb6: {  	s28 =	simm.s32 $_size_execute0_lowered;
	s3 =	sadd.s32 s3, s5;
	[dreg:$0x0] =	wrdreg $0x0  }
0xb7: {  	s5 =	sshll.u32 s28, $0x1;
	[dreg:$0x2] =	wrdreg s3  }
0xb8: {  	[dreg:$0x3] =	wrdreg s5  }
0xb9: {  	[dreg:$0x4] =	wrdreg $0xC0  }
0xba: {  	_ =	task [dreg:s22], $0x5FFFF  }
0xbb: {  	[dreg:$0x1] =	wrdreg $0xFFFFFFFF  }
0xbc: {  	[dreg:$0x0] =	wrdreg $0x60  }
0xbd: {  	[dreg:$0x2] =	wrdreg s24  }
0xbe: {  	[dreg:$0x3] =	wrdreg $0x9  }
0xbf: {  	_ =	task.clear_ibuf [dreg:s22], $0x4FFFF;
	_ =	strace $0x9000005B  }
0xc0: {  	s29 =	simm.s32 $0x9;
	_ =	strace $0x8000005D  }
0xc1: {  	_ =	swait.ge [sflag:s29], $0x1  }
0xc2: {  	[sflag:s29] =	ssyncadd.s32 $0xFFFFFFFF  }
0xc3: {  	_ =	strace $0x9000005D  }
0xc4: {  	_ =	sfence  }
0xc5: {  	s30 =	sld [smem:$0x0];
	_ =	sdelay $0x2  }
0xc6: {  	s31 =	sshll.u32 s1, $0xD;
	s1 =	sshrl.u32 s1, $0x2  }
0xc7: {  	s4 =	sand.u32 $0x4000, s31;
	s1 =	sadd.s32 s1, s30  }
0xc8: {  	s0 =	sor.u32 s4, s0;
	s1 =	sshll.u32 s1, $0x11  }
0xc9: {  	s0 =	sor.u32 s1, s0  }
0xca: {  	s0 =	sadd.s32 $0x8F2B, s0  }
0xcb: {  	[sflag:s0] =	ssyncadd.remote.s32 $0x1  }
0xcc: {  	_ =	sfence.sel $0xFFFF  }
0xcd: {  	[dreg:$0x0] =	wrdreg $0xFFFFFFFF;
	(pc) =	sbr.abs _section_cstart, $3  }
0xce: {  	[dreg:$0x1] =	wrdreg $0xFFFFFFFF  }
0xcf: {  	_ =	task.clear_ibuf [dreg:s22], $0x2FFFF;
	_ =	strace $0x9FFFFFFF  }
0xd0: {  	(tm) =	ssettm $0x7FFFFFFF  }
0xd1: {  	_ =	shalt  }
tec
execute0_lowered:
.L_overlay_start_1:
0x0: {  	(tag) =	ssettag $0x1  }
0x1: {  	s1 =	srdreg.scid;
	s0 =	stileid.u32  }
0x2: {  	s13 =	sand.u32 $0x1, s1;
	s30 =	sshll.u32 s0, $0x1  }
0x3: {  	s3 =	sor.u32 s13, s30  }
0x4: {  	s7 =	rddreg [dreg:$0x0];
	s2 =	simm.s32 $0x0;
	s4 =	smul.u32 $0x24, s3  }
0x5: {  	[smem:$0x7FF] =	sst s2  }
0x6: {  	s1 =	rddreg [dreg:$0x1];
	_ =	strace $0x8000005C;
	s4 =	sadd.s32 s4, s7  }
0x7: {  	s5 =	smul.u32 $0x900, s3;
	s3 =	simm.s32 $0x2;
	s4 =	sadd.s32 $0x4FA00, s4  }
0x8: {  	[tilespmem:s2], [sflag:$0x2] =	stream.linear.gather [hbm4b:s4+s2], $0x120, $0x38;
	[tilespmem:$0x4920] =	vst v63  }
0x9: {  	_ =	swait.ge [sflag:s3], $0x120  }
0xa: {  	s14 =	sadd.s32 s5, s7;
	[sflag:s3] =	ssyncset.done $0x0  }
0xb: {  	s6 =	simm.s32 $0x120;
	s5 =	sadd.s32 $0x5400, s14;
	[sflag:s3] =	ssyncadd.s32 $0xFFFFFEE0  }
0xc: {  	[tilespmem:s6], [sflag:$0x2] =	stream.linear.gather [hbm4b:s5+s2], $0x4800, $0x38;
	[tilespmem:$0x4920] =	vst v63  }
0xd: {  	_ =	swait.ge [sflag:s3], $0x4800  }
0xe: {  	[sflag:s3] =	ssyncset.done $0x0  }
0xf: {  	s8 =	simm.s32 $0x60;
	s7 =	sadd.s32 $0x61A00, s7;
	[sflag:s3] =	ssyncadd.s32 $0xFFFFB800  }
0x10: {  	[tilespmem:s6], [sflag:$0x1] =	stream.indirect.gather.add.f32 [hbm:s7], $0x40, s2, s8, $0xb8;
	[tilespmem:$0x4920] =	vst v63  }
0x11: {  	s9 =	simm.s32 $0x1920  }
0x12: {  	[tilespmem:s9], [sflag:$0x1] =	stream.indirect.gather.add.f32 [hbm:s7], $0x40, s8, s8, $0xb8;
	[tilespmem:$0x4920] =	vst v63  }
0x13: {  	s10 =	simm.s32 $0xC0;
	s11 =	simm.s32 $0x3120;
	s12 =	simm.s32 $0x1  }
0x14: {  	[tilespmem:s11], [sflag:$0x1] =	stream.indirect.gather.add.f32 [hbm:s7], $0x40, s10, s8, $0xb8;
	[tilespmem:$0x4920] =	vst v63  }
0x15: {  	_ =	swait.ge [sflag:s12], $0x1800  }
0x16: {  	[sflag:s12] =	ssyncset.done $0x0  }
0x17: {  	s13 =	ssub.s32 $0x2, s13;
	[sflag:s12] =	ssyncadd.s32 $0xFFFFE800  }
0x18: {  	s15 =	sshrl.u32 s13, $0x1;
	_ =	swait.ge [sflag:s12], $0x1800  }
0x19: {  	s15 =	ssub.s32 s13, s15;
	[sflag:s12] =	ssyncset.done $0x0  }
0x1a: {  	s31 =	smax.u32 s15, $0x1;
	[sflag:s12] =	ssyncadd.s32 $0xFFFFE800  }
0x1b: {  	p0 =	sne.s32 s31, $0x1;
	_ =	swait.ge [sflag:s12], $0x1800  }
.Ltmp0:
0x1c: {  	[sflag:s12] =	ssyncset.done $0x0;
	(pc) =	sbr.rel @!p0 .LBB2_2-.Ltmp0, $4  }
0x1d: {  	s13 =	sadd.s32 $0x17400, s14;
	[sflag:s12] =	ssyncadd.s32 $0xFFFFE800  }
0x1e: {  	[hbm4b:s13+s2] =	stream.linear.scatter [tilespmem:s6], [sflag:$0x2], $0x4800, $0x38;
	[tilespmem:$0x4920] =	vst v63  }
0x1f: {  	_ =	swait.ge [sflag:s3], $0x4800  }
0x20: {  	s14 =	sadd.s32 $0xFFFFFFFF, s31;
	[sflag:s3] =	ssyncset.done $0x0  }
.LBB2_1:
0x21: {  	p0 =	sne.s32 s14, $0x1;
	s14 =	sadd.s32 $0xFFFFFFFF, s14;
	[sflag:s3] =	ssyncadd.s32 $0xFFFFB800  }
0x22: {  	[tilespmem:s2], [sflag:$0x2] =	stream.linear.gather [hbm4b:s4+s2], $0x120, $0x38;
	[tilespmem:$0x4920] =	vst v63  }
0x23: {  	_ =	swait.ge [sflag:s3], $0x120  }
0x24: {  	[sflag:s3] =	ssyncset.done $0x0  }
0x25: {  	[sflag:s3] =	ssyncadd.s32 $0xFFFFFEE0  }
0x26: {  	[tilespmem:s6], [sflag:$0x2] =	stream.linear.gather [hbm4b:s5+s2], $0x4800, $0x38;
	[tilespmem:$0x4920] =	vst v63  }
0x27: {  	_ =	swait.ge [sflag:s3], $0x4800  }
0x28: {  	[sflag:s3] =	ssyncset.done $0x0  }
0x29: {  	[sflag:s3] =	ssyncadd.s32 $0xFFFFB800  }
0x2a: {  	[tilespmem:s6], [sflag:$0x1] =	stream.indirect.gather.add.f32 [hbm:s7], $0x40, s2, s8, $0xb8;
	[tilespmem:$0x4920] =	vst v63  }
0x2b: {  	_ = 	snop  }
0x2c: {  	[tilespmem:s9], [sflag:$0x1] =	stream.indirect.gather.add.f32 [hbm:s7], $0x40, s8, s8, $0xb8;
	[tilespmem:$0x4920] =	vst v63  }
0x2d: {  	_ = 	snop  }
0x2e: {  	[tilespmem:s11], [sflag:$0x1] =	stream.indirect.gather.add.f32 [hbm:s7], $0x40, s10, s8, $0xb8;
	[tilespmem:$0x4920] =	vst v63  }
0x2f: {  	_ =	swait.ge [sflag:s12], $0x1800  }
0x30: {  	[sflag:s12] =	ssyncset.done $0x0  }
0x31: {  	[sflag:s12] =	ssyncadd.s32 $0xFFFFE800  }
0x32: {  	_ =	swait.ge [sflag:s12], $0x1800  }
0x33: {  	[sflag:s12] =	ssyncset.done $0x0  }
0x34: {  	[sflag:s12] =	ssyncadd.s32 $0xFFFFE800  }
0x35: {  	_ =	swait.ge [sflag:s12], $0x1800  }
.Ltmp1:
0x36: {  	[sflag:s12] =	ssyncset.done $0x0;
	(pc) =	sbr.rel @p0 .LBB2_1-.Ltmp1, $4  }
0x37: {  	[sflag:s12] =	ssyncadd.s32 $0xFFFFE800  }
0x38: {  	[hbm4b:s13+s2] =	stream.linear.scatter [tilespmem:s6], [sflag:$0x2], $0x4800, $0x38;
	[tilespmem:$0x4920] =	vst v63  }
0x39: {  	_ =	swait.ge [sflag:s3], $0x4800  }
0x3a: {  	[sflag:s3] =	ssyncset.done $0x0  }
.LBB2_2:
0x3b: {  	[sflag:s3] =	ssyncadd.s32 $0xFFFFB800  }
0x3c: {  	_ =	sfence.sel $0x180000  }
0x3d: {  	[bflag:$0x0] =	sbarrier.arrive $0xFFFF  }
0x3e: {  	p0 =	sne.s32 s0, $0x0;
	_ =	strace $0x9000005C  }
0x3f: {  	s0 =	sadd.s32 @!p0 $0x100000, s1;
	[bflag:$0x2] =	sbarrier.arrive $0xFFFF  }
0x40: {  	[sflag:s0] =	ssyncadd.tile.s32 @!p0 $0x1;
	_ =	shalt  }
.Lfunc_end2:
_tile_overlayer_lowered:
.L_overlay_start_2:
0x41: {  	(tag) =	ssettag $0x2  }
0x42: {  	s0 =	rddreg [dreg:$0x0];
	s2 =	stileid.u32  }
0x43: {  	s1 =	rddreg [dreg:$0x1];
	p0 =	sne.s32 s2, $0x0  }
0x44: {  	s3 =	rddreg [dreg:$0x2];
	[bflag:$0x3] =	sbarrier.arrive $0xFFFF;
	s2 =	simm.s32 @!p0 $0x1C02  }
0x45: {  	[timem:s3], [sflag:s2] =	dma.local @!p0 [hbm:s0], s1  }
0x46: {  	s0 =	simm.s32 @!p0 $0x2  }
0x47: {  	_ =	swait.ge @!p0 [sflag:s0], s1  }
0x48: {  	s1 =	ssub.s32 @!p0 $0x0, s1;
	[sflag:s0] =	ssyncset.done @!p0 $0x0  }
0x49: {  	[sflag:s0] =	ssyncadd.s32 @!p0 s1  }
0x4a: {  	[bflag:$0x3] =	sbarrier.arrive $0xFFFF  }
0x4b: {  	_ =	shalt  }

// kernel: kernel.39.cloned.1.call-start
scs
__scs_entry_jumppad:
0x0: {  	(pc) =	sbr.rel $0x88, $3  }
0x1: {  	(tag) =	ssettag $0x0;
	lr =	simm.s32 $0x1  }
0x2: {  	[smem:$0x3F9F] =	sst lr;
	_ =	strace $0xD0000000  }
0x3: {  	_ = 	snop  }
0x4: {  	_ = 	snop  }
0x5: {  	_ = 	snop  }
0x6: {  	_ = 	snop  }
0x7: {  	_ = 	snop  }
__scs_overlays_trampoline_lowered:
0x8: {  	[smem:$0x3FAE] =	sst s0  }
0x9: {  	[smem:$0x3FAF] =	sst s1  }
0xa: {  	[smem:$0x3FB0] =	sst s2  }
0xb: {  	[smem:$0x3FB1] =	sst s3  }
0xc: {  	[smem:$0x3FB2] =	sst s4  }
0xd: {  	[smem:$0x3FB3] =	sst s5  }
0xe: {  	[smem:$0x3FB4] =	sst s6  }
0xf: {  	[smem:$0x3FB5] =	sst s7  }
0x10: {  	[smem:$0x3FB6] =	sst s8  }
0x11: {  	[smem:$0x3FB7] =	sst s9;
	s0 =	simm.s32 @!p0 $0x0  }
0x12: {  	s1 =	sld [smem:$0x3F9D];
	s0 =	simm.s32 @p0 $0x1  }
0x13: {  	[smem:$0x3FB8] =	sst s0;
	s0 =	simm.s32 @!p1 $0x0  }
0x14: {  	s2 =	sld [smem:$0x3F9C];
	s0 =	simm.s32 @p1 $0x1  }
0x15: {  	[smem:$0x3FB9] =	sst s0;
	s0 =	simm.s32 @!p2 $0x0  }
0x16: {  	s3 =	sld [smem:$0x3FDB];
	s0 =	simm.s32 @p2 $0x1  }
0x17: {  	s4 =	simm.s32 $0x1BF5;
	[smem:$0x3FBB] =	sst s0  }
0x18: {  	s0 =	sld [smem:$0x3F9E];
	_ =	swait.ge [sflag:s4], $0x0  }
0x19: {  	s7 =	sld [smem:$0x3F9F]  }
0x1a: {  	s8 =	sadd.s32 $0xFFFFE003, lr  }
0x1b: {  	s9 =	sadd.s32 $0xFFFFFEF7, lr;
	s5 =	simm.s32 $0xFFFFFFFF;
	p2 =	slt.u32 s8, $0xFFFFF086  }
0x1c: {  	p1 =	slt.u32 s9, $0xF7A;
	s5 =	simm.s32 @!p2 $0x0  }
0x1d: {  	s5 =	simm.s32 @p1 $0x1;
	p0 =	seq.s32 s7, s2  }
0x1e: {  	s7 =	smul.u32 @!p0 $0xF7A, s2;
	p2 =	seq.s32 @!p0 s5, $0x0  }
0x1f: {  	s9 =	smul.u32 $0xF7A, s1;
	s8 =	simm.s32 @!p0 $0x1BF5;
	p2 =	por !p2, p0  }
0x20: {  	[sflag:s8] =	ssyncset.s32 @!p0 $0xFFFFF086;
	s6 =	sadd.s32 @!p0 s3, s7;
	s7 =	simm.s32 @!p0 $0x108  }
0x21: {  	s3 =	sadd.s32 s3, s9;
	s6 =	sadd.s32 @!p0 $0x88, s6;
	s7 =	simm.s32 @p2 $0x1082  }
0x22: {  	[simem:s7], [sflag:s8] =	dma.local @!p0 [hbm:s6], $0xF7A  }
0x23: {  	s9 =	sor.u32 $0xD0000000, s2;
	s6 =	simm.s32 $0x108;
	_ =	swait.ge @!p0 [sflag:s8], $0x0  }
0x24: {  	s3 =	sadd.s32 $0x88, s3;
	s6 =	simm.s32 @!p1 $0x1082;
	[sflag:s4] =	ssyncset.s32 $0xFFFFF086  }
0x25: {  	[simem:s6], [sflag:s4] =	dma.local [hbm:s3], $0xF7A  }
0x26: {  	[smem:$0x3F9F] =	sst s1;
	(tag) =	ssettag s2;
	_ =	strace s9  }
0x27: {  	s1 =	sld [smem:$0x3FAF]  }
0x28: {  	s2 =	sld [smem:$0x3FB0]  }
0x29: {  	s4 =	sld [smem:$0x3FB2]  }
0x2a: {  	p0 =	seq.s32 s5, $0x0;
	s5 =	sld [smem:$0x3FB3]  }
0x2b: {  	s6 =	sld [smem:$0x3FB4]  }
0x2c: {  	s7 =	sld [smem:$0x3FB5]  }
0x2d: {  	s3 =	simm.s32 $0x108;
	s8 =	sld [smem:$0x3FB6]  }
0x2e: {  	s3 =	simm.s32 @!p0 $0x1082;
	s9 =	sld [smem:$0x3FB7]  }
0x2f: {  	lr =	sadd.s32 s0, s3;
	s0 =	sld [smem:$0x3FAE]  }
0x30: {  	s3 =	sld [smem:$0x3FB1]  }
0x31: {  	[smem:$0x3FBA] =	sst s10  }
0x32: {  	s10 =	sld [smem:$0x3FB8];
	_ =	sdelay $0x3  }
0x33: {  	p0 =	seq.s32 s10, $0x1;
	s10 =	sld [smem:$0x3FBA];
	_ =	sdelay $0x3  }
0x34: {  	[smem:$0x3FBA] =	sst s10  }
0x35: {  	s10 =	sld [smem:$0x3FB9];
	_ =	sdelay $0x3  }
0x36: {  	p1 =	seq.s32 s10, $0x1;
	s10 =	sld [smem:$0x3FBA];
	_ =	sdelay $0x3  }
0x37: {  	[smem:$0x3FBA] =	sst s10  }
0x38: {  	s10 =	sld [smem:$0x3FBB]  }
0x39: {  	_ = 	snop;
	(pc) =	sbr.ind lr, $3  }
0x3a: {  	_ = 	snop  }
0x3b: {  	_ = 	snop  }
0x3c: {  	p2 =	seq.s32 s10, $0x1;
	s10 =	sld [smem:$0x3FBA]  }
0x3d: {  	_ =	shalt  }
0x3e: {  	_ =	shalt  }
0x3f: {  	_ =	shalt  }
0x40: {  	_ =	shalt  }
0x41: {  	_ =	shalt  }
0x42: {  	_ =	shalt  }
0x43: {  	_ =	shalt  }
0x44: {  	_ =	shalt  }
0x45: {  	_ =	shalt  }
0x46: {  	_ =	shalt  }
0x47: {  	_ =	shalt  }
0x48: {  	_ =	shalt  }
0x49: {  	_ =	shalt  }
0x4a: {  	_ =	shalt  }
0x4b: {  	_ =	shalt  }
0x4c: {  	_ =	shalt  }
0x4d: {  	_ =	shalt  }
0x4e: {  	_ =	shalt  }
0x4f: {  	_ =	shalt  }
0x50: {  	_ =	shalt  }
0x51: {  	_ =	shalt  }
0x52: {  	_ =	shalt  }
0x53: {  	_ =	shalt  }
0x54: {  	_ =	shalt  }
0x55: {  	_ =	shalt  }
0x56: {  	_ =	shalt  }
0x57: {  	_ =	shalt  }
0x58: {  	_ =	shalt  }
0x59: {  	_ =	shalt  }
0x5a: {  	_ =	shalt  }
0x5b: {  	_ =	shalt  }
0x5c: {  	_ =	shalt  }
0x5d: {  	_ =	shalt  }
0x5e: {  	_ =	shalt  }
0x5f: {  	_ =	shalt  }
0x60: {  	_ =	shalt  }
0x61: {  	_ =	shalt  }
0x62: {  	_ =	shalt  }
0x63: {  	_ =	shalt  }
0x64: {  	_ =	shalt  }
0x65: {  	_ =	shalt  }
0x66: {  	_ =	shalt  }
0x67: {  	_ =	shalt  }
0x68: {  	_ =	shalt  }
0x69: {  	_ =	shalt  }
0x6a: {  	_ =	shalt  }
0x6b: {  	_ =	shalt  }
0x6c: {  	_ =	shalt  }
0x6d: {  	_ =	shalt  }
0x6e: {  	_ =	shalt  }
0x6f: {  	_ =	shalt  }
0x70: {  	_ =	shalt  }
0x71: {  	_ =	shalt  }
0x72: {  	_ =	shalt  }
0x73: {  	_ =	shalt  }
0x74: {  	_ =	shalt  }
0x75: {  	_ =	shalt  }
0x76: {  	_ =	shalt  }
0x77: {  	_ =	shalt  }
0x78: {  	_ =	shalt  }
0x79: {  	_ =	shalt  }
0x7a: {  	_ =	shalt  }
0x7b: {  	_ =	shalt  }
0x7c: {  	_ =	shalt  }
0x7d: {  	_ =	shalt  }
0x7e: {  	_ =	shalt  }
0x7f: {  	_ =	shalt  }
0x80: {  	_ =	shalt  }
0x81: {  	_ =	shalt  }
0x82: {  	_ =	shalt  }
0x83: {  	_ =	shalt  }
0x84: {  	_ =	shalt  }
0x85: {  	_ =	shalt  }
0x86: {  	_ =	shalt  }
0x87: {  	_ =	shalt  }
.Lfunc_end0:
.L_simem_size_0:
called_computation.7_lowered:
.L_overlay_start_0:
0x88: {  	s2 =	sld [smem:$0x3FD9]  }
0x89: {  	s3 =	sld [smem:$0x3FFE];
	_ =	sdelay $0x1  }
0x8a: {  	s1 =	srdreg.scid  }
0x8b: {  	s0 =	sand.u32 $0x1, s1  }
0x8c: {  	s17 =	sshll.u32 s0, $0xA;
	s2 =	sadd.s32 s3, s2  }
0x8d: {  	s2 =	sadd.s32 s2, s17  }
0x8e: {  	[smem:$0x3FC6] =	sst s2  }
0x8f: {  	_ = 	snop  }
0x90: {  	s18 =	sld [smem:$0x3FD0];
	(tm) =	ssettm $0x1  }
0x91: {  	s19 =	sld [smem:$0x3FFB];
	_ =	sdelay $0x3  }
0x92: {  	_ =	strace s19  }
0x93: {  	s2 =	sld [smem:$0x3FFC];
	_ =	sdelay $0x3  }
0x94: {  	_ =	strace s2  }
0x95: {  	s2 =	sld [smem:$0x3FFD];
	_ =	sdelay $0x3  }
0x96: {  	_ =	strace s2  }
0x97: {  	_ =	strace $0x8FFFFFFF  }
0x98: {  	s20 =	sld [smem:$0x3FDB];
	_ =	sdelay $0x1  }
0x99: {  	s4 =	simm.s32 $_scs_section_size  }
0x9a: {  	s5 =	simm.s32 $_size__tile_overlayer_lowered;
	s6 =	simm.s32 $_tile_overlayer_lowered  }
0x9b: {  	s7 =	simm.s32 $0x1BFF;
	s21 =	sshll.u32 s6, $0x1;
	s4 =	sadd.s32 s4, s20  }
0x9c: {  	s22 =	simm.s32 $0x0;
	s5 =	sshll.u32 s5, $0x1;
	s6 =	sadd.s32 s21, s4  }
0x9d: {  	[timem:s22], [sflag:s7] =	dma.local [hbm:s6], s5  }
0x9e: {  	_ =	swait.ge [sflag:s7], s5  }
0x9f: {  	s5 =	ssub.s32 $0x0, s5;
	[sflag:s7] =	ssyncset.done $0x0  }
0xa0: {  	[sflag:s7] =	ssyncadd.s32 s5;
	_ =	sdelay $0x1  }
0xa1: {  	s23 =	simm.s32 $0x1B8B  }
0xa2: {  	_ =	swait.ge [sflag:s23], $0x1  }
0xa3: {  	[sflag:s23] =	ssyncset.done $0x0  }
0xa4: {  	[sflag:s23] =	ssyncadd.s32 $0xFFFFFFFF  }
0xa5: {  	s5 =	sld [smem:$0x0]  }
0xa6: {  	s6 =	sand.u32 $0xFFFFFFFE, s1  }
0xa7: {  	p0 =	sne.s32 s1, s6  }
0xa8: {  	s6 =	sshll.u32 @p0 s6, $0xE  }
0xa9: {  	s6 =	sadd.s32 @p0 $0x11B8D, s6;
	s7 =	sshll.u32 @p0 s5, $0x11  }
0xaa: {  	s6 =	sor.u32 @p0 s7, s6  }
0xab: {  	[sflag:s6] =	ssyncadd.remote.s32 @p0 $0x1;
	_ =	sdelay $0x1  }
0xac: {  	s6 =	simm.s32 @p0 $0x1B8D  }
0xad: {  	_ =	swait.eq @p0 [sflag:s6], $0x1  }
0xae: {  	[sflag:s6] =	ssyncadd.s32 @p0 $0xFFFFFFFF  }
0xaf: {  	s7 =	sshll.u32 @!p0 s1, $0xE  }
0xb0: {  	s7 =	sor.u32 @!p0 $0x4000, s7;
	s6 =	simm.s32 @!p0 $0x1B8D  }
0xb1: {  	s5 =	sshll.u32 @!p0 s5, $0x11;
	s7 =	sadd.s32 @!p0 $0x11B8D, s7;
	_ =	swait.eq @!p0 [sflag:s6], $0x1  }
0xb2: {  	s5 =	sor.u32 @!p0 s5, s7;
	[sflag:s6] =	ssyncadd.s32 @!p0 $0xFFFFFFFF  }
0xb3: {  	s25 =	simm.s32 $0x1B8E;
	s24 =	sld [smem:$0x3FFE];
	[sflag:s5] =	ssyncadd.remote.s32 @!p0 $0x1  }
0xb4: {  	s26 =	simm.s32 $execute0_lowered;
	[smem:$0x3FD2] =	sst s25  }
0xb5: {  	s6 =	sshll.u32 s26, $0x1;
	_ =	strace $0x80000058;
	[dreg:$0x1] =	wrdreg $0xFFFFFFFF  }
0xb6: {  	s28 =	simm.s32 $_size_execute0_lowered;
	s4 =	sadd.s32 s4, s6;
	[dreg:$0x0] =	wrdreg $0x0  }
0xb7: {  	s6 =	sshll.u32 s28, $0x1;
	[dreg:$0x2] =	wrdreg s4  }
0xb8: {  	[dreg:$0x3] =	wrdreg s6  }
0xb9: {  	[dreg:$0x4] =	wrdreg $0xC0  }
0xba: {  	_ =	task [dreg:s22], $0x5FFFF  }
0xbb: {  	[dreg:$0x1] =	wrdreg $0xFFFFFFFF  }
0xbc: {  	[dreg:$0x0] =	wrdreg $0x60  }
0xbd: {  	[dreg:$0x2] =	wrdreg s24  }
0xbe: {  	[dreg:$0x3] =	wrdreg s18  }
0xbf: {  	[dreg:$0x4] =	wrdreg $0xA  }
0xc0: {  	_ =	task.clear_ibuf [dreg:s22], $0x5FFFF;
	_ =	strace $0x90000058  }
0xc1: {  	s29 =	simm.s32 $0xA;
	_ =	strace $0x8000005A  }
0xc2: {  	_ =	swait.ge [sflag:s29], $0x1  }
0xc3: {  	[sflag:s29] =	ssyncadd.s32 $0xFFFFFFFF  }
0xc4: {  	_ =	strace $0x9000005A  }
0xc5: {  	_ =	sfence  }
0xc6: {  	s30 =	sld [smem:$0x0];
	_ =	sdelay $0x2  }
0xc7: {  	s31 =	sshll.u32 s1, $0xD;
	s1 =	sshrl.u32 s1, $0x2  }
0xc8: {  	s4 =	sand.u32 $0x4000, s31;
	s1 =	sadd.s32 s1, s30  }
0xc9: {  	s0 =	sor.u32 s4, s0;
	s1 =	sshll.u32 s1, $0x11  }
0xca: {  	s0 =	sor.u32 s1, s0  }
0xcb: {  	s0 =	sadd.s32 $0x8F2B, s0  }
0xcc: {  	[sflag:s0] =	ssyncadd.remote.s32 $0x1  }
0xcd: {  	_ =	sfence.sel $0xFFFF  }
0xce: {  	[dreg:$0x0] =	wrdreg $0xFFFFFFFF;
	(pc) =	sbr.abs _section_cstart, $3  }
0xcf: {  	[dreg:$0x1] =	wrdreg $0xFFFFFFFF  }
0xd0: {  	_ =	task.clear_ibuf [dreg:s22], $0x2FFFF;
	_ =	strace $0x9FFFFFFF  }
0xd1: {  	(tm) =	ssettm $0x7FFFFFFF  }
tec
execute0_lowered:
.L_overlay_start_1:
0x0: {  	(tag) =	ssettag $0x1  }
0x1: {  	s1 =	srdreg.scid;
	s0 =	stileid.u32  }
0x2: {  	s13 =	sand.u32 $0x1, s1;
	s29 =	sshll.u32 s0, $0x1  }
0x3: {  	s14 =	rddreg [dreg:$0x0];
	s5 =	sor.u32 s13, s29  }
0x4: {  	s6 =	rddreg [dreg:$0x1];
	s3 =	smul.u32 $0x24, s5  }
0x5: {  	s2 =	simm.s32 $0x0;
	s1 =	rddreg [dreg:$0x2]  }
0x6: {  	[smem:$0x7FF] =	sst s2;
	s3 =	sadd.s32 s3, s14  }
0x7: {  	_ =	strace $0x80000059;
	s4 =	sadd.s32 $0x4F400, s3;
	s3 =	simm.s32 $0x2  }
0x8: {  	[tilespmem:s2], [sflag:$0x2] =	stream.linear.gather [hbm4b:s4+s2], $0x120, $0x38;
	[tilespmem:$0x4920] =	vst v63  }
0x9: {  	s15 =	smul.u32 $0x900, s5;
	_ =	swait.ge [sflag:s3], $0x120  }
0xa: {  	[sflag:s3] =	ssyncset.done $0x0  }
0xb: {  	s5 =	sadd.s32 s6, s15;
	s6 =	simm.s32 $0x120;
	[sflag:s3] =	ssyncadd.s32 $0xFFFFFEE0  }
0xc: {  	[tilespmem:s6], [sflag:$0x2] =	stream.linear.gather [hbm4b:s5+s2], $0x4800, $0x38;
	[tilespmem:$0x4920] =	vst v63  }
0xd: {  	_ =	swait.ge [sflag:s3], $0x4800  }
0xe: {  	[sflag:s3] =	ssyncset.done $0x0  }
0xf: {  	s8 =	simm.s32 $0x60;
	s7 =	sadd.s32 $0x61A00, s14;
	[sflag:s3] =	ssyncadd.s32 $0xFFFFB800  }
0x10: {  	[tilespmem:s6], [sflag:$0x1] =	stream.indirect.gather.add.f32 [hbm:s7], $0x40, s2, s8, $0xb8;
	[tilespmem:$0x4920] =	vst v63  }
0x11: {  	s9 =	simm.s32 $0x1920  }
0x12: {  	[tilespmem:s9], [sflag:$0x1] =	stream.indirect.gather.add.f32 [hbm:s7], $0x40, s8, s8, $0xb8;
	[tilespmem:$0x4920] =	vst v63  }
0x13: {  	s10 =	simm.s32 $0xC0;
	s11 =	simm.s32 $0x3120;
	s12 =	simm.s32 $0x1  }
0x14: {  	[tilespmem:s11], [sflag:$0x1] =	stream.indirect.gather.add.f32 [hbm:s7], $0x40, s10, s8, $0xb8;
	[tilespmem:$0x4920] =	vst v63  }
0x15: {  	_ =	swait.ge [sflag:s12], $0x1800  }
0x16: {  	[sflag:s12] =	ssyncset.done $0x0  }
0x17: {  	s13 =	ssub.s32 $0x2, s13;
	[sflag:s12] =	ssyncadd.s32 $0xFFFFE800  }
0x18: {  	s16 =	sshrl.u32 s13, $0x1;
	_ =	swait.ge [sflag:s12], $0x1800  }
0x19: {  	s30 =	ssub.s32 s13, s16;
	[sflag:s12] =	ssyncset.done $0x0  }
0x1a: {  	s31 =	smax.u32 s30, $0x1;
	[sflag:s12] =	ssyncadd.s32 $0xFFFFE800  }
0x1b: {  	p0 =	sne.s32 s31, $0x1;
	_ =	swait.ge [sflag:s12], $0x1800  }
.Ltmp0:
0x1c: {  	s14 =	sadd.s32 s15, s14;
	[sflag:s12] =	ssyncset.done $0x0;
	(pc) =	sbr.rel @!p0 .LBB2_2-.Ltmp0, $4  }
0x1d: {  	s13 =	sadd.s32 $0x63A00, s14;
	[sflag:s12] =	ssyncadd.s32 $0xFFFFE800  }
0x1e: {  	[hbm4b:s13+s2] =	stream.linear.scatter [tilespmem:s6], [sflag:$0x2], $0x4800, $0x38;
	[tilespmem:$0x4920] =	vst v63  }
0x1f: {  	_ =	swait.ge [sflag:s3], $0x4800  }
0x20: {  	s14 =	sadd.s32 $0xFFFFFFFF, s31;
	[sflag:s3] =	ssyncset.done $0x0  }
.LBB2_1:
0x21: {  	p0 =	sne.s32 s14, $0x1;
	s14 =	sadd.s32 $0xFFFFFFFF, s14;
	[sflag:s3] =	ssyncadd.s32 $0xFFFFB800  }
0x22: {  	[tilespmem:s2], [sflag:$0x2] =	stream.linear.gather [hbm4b:s4+s2], $0x120, $0x38;
	[tilespmem:$0x4920] =	vst v63  }
0x23: {  	_ =	swait.ge [sflag:s3], $0x120  }
0x24: {  	[sflag:s3] =	ssyncset.done $0x0  }
0x25: {  	[sflag:s3] =	ssyncadd.s32 $0xFFFFFEE0  }
0x26: {  	[tilespmem:s6], [sflag:$0x2] =	stream.linear.gather [hbm4b:s5+s2], $0x4800, $0x38;
	[tilespmem:$0x4920] =	vst v63  }
0x27: {  	_ =	swait.ge [sflag:s3], $0x4800  }
0x28: {  	[sflag:s3] =	ssyncset.done $0x0  }
0x29: {  	[sflag:s3] =	ssyncadd.s32 $0xFFFFB800  }
0x2a: {  	[tilespmem:s6], [sflag:$0x1] =	stream.indirect.gather.add.f32 [hbm:s7], $0x40, s2, s8, $0xb8;
	[tilespmem:$0x4920] =	vst v63  }
0x2b: {  	_ = 	snop  }
0x2c: {  	[tilespmem:s9], [sflag:$0x1] =	stream.indirect.gather.add.f32 [hbm:s7], $0x40, s8, s8, $0xb8;
	[tilespmem:$0x4920] =	vst v63  }
0x2d: {  	_ = 	snop  }
0x2e: {  	[tilespmem:s11], [sflag:$0x1] =	stream.indirect.gather.add.f32 [hbm:s7], $0x40, s10, s8, $0xb8;
	[tilespmem:$0x4920] =	vst v63  }
0x2f: {  	_ =	swait.ge [sflag:s12], $0x1800  }
0x30: {  	[sflag:s12] =	ssyncset.done $0x0  }
0x31: {  	[sflag:s12] =	ssyncadd.s32 $0xFFFFE800  }
0x32: {  	_ =	swait.ge [sflag:s12], $0x1800  }
0x33: {  	[sflag:s12] =	ssyncset.done $0x0  }
0x34: {  	[sflag:s12] =	ssyncadd.s32 $0xFFFFE800  }
0x35: {  	_ =	swait.ge [sflag:s12], $0x1800  }
.Ltmp1:
0x36: {  	[sflag:s12] =	ssyncset.done $0x0;
	(pc) =	sbr.rel @p0 .LBB2_1-.Ltmp1, $4  }
0x37: {  	[sflag:s12] =	ssyncadd.s32 $0xFFFFE800  }
0x38: {  	[hbm4b:s13+s2] =	stream.linear.scatter [tilespmem:s6], [sflag:$0x2], $0x4800, $0x38;
	[tilespmem:$0x4920] =	vst v63  }
0x39: {  	_ =	swait.ge [sflag:s3], $0x4800  }
0x3a: {  	[sflag:s3] =	ssyncset.done $0x0  }
.LBB2_2:
0x3b: {  	[sflag:s3] =	ssyncadd.s32 $0xFFFFB800  }
0x3c: {  	_ =	sfence.sel $0x180000  }
0x3d: {  	[bflag:$0x0] =	sbarrier.arrive $0xFFFF  }
0x3e: {  	p0 =	sne.s32 s0, $0x0;
	_ =	strace $0x90000059  }
0x3f: {  	s0 =	sadd.s32 @!p0 $0x100000, s1;
	[bflag:$0x2] =	sbarrier.arrive $0xFFFF  }
0x40: {  	[sflag:s0] =	ssyncadd.tile.s32 @!p0 $0x1;
	_ =	shalt  }
.Lfunc_end2:
_tile_overlayer_lowered:
.L_overlay_start_2:
0x41: {  	(tag) =	ssettag $0x2  }
0x42: {  	s0 =	rddreg [dreg:$0x0];
	s2 =	stileid.u32  }
0x43: {  	s1 =	rddreg [dreg:$0x1];
	p0 =	sne.s32 s2, $0x0  }
0x44: {  	s3 =	rddreg [dreg:$0x2];
	[bflag:$0x3] =	sbarrier.arrive $0xFFFF;
	s2 =	simm.s32 @!p0 $0x1C02  }
0x45: {  	[timem:s3], [sflag:s2] =	dma.local @!p0 [hbm:s0], s1  }
0x46: {  	s0 =	simm.s32 @!p0 $0x2  }
0x47: {  	_ =	swait.ge @!p0 [sflag:s0], s1  }
0x48: {  	s1 =	ssub.s32 @!p0 $0x0, s1;
	[sflag:s0] =	ssyncset.done @!p0 $0x0  }
0x49: {  	[sflag:s0] =	ssyncadd.s32 @!p0 s1  }
0x4a: {  	[bflag:$0x3] =	sbarrier.arrive $0xFFFF  }
0x4b: {  	_ =	shalt  }

</sc_bundles>
